<compile_context>
chip_gen: v7x
topology: tpu7x:2x2x1
jax: 0.10.2.dev20260603
libtpu: 0.0.44.dev20260713+nightly
codegen_flags: <defaults>
</compile_context>

<pallas_src>
import functools

import jax
from jax import lax
from jax.experimental import pallas as pl
from jax.experimental.pallas import tpu as pltpu
from jax.experimental.pallas import tpu_sc as plsc


def _sc_broadcast_copy(B, M, D, dtype):
    NC, NS = 2, 16
    NW = NC * NS
    rows_per_w = M // NW
    C = 32
    n_chunks = rows_per_w // C
    NBUF = 3

    mesh = plsc.VectorSubcoreMesh(core_axis_name="c", subcore_axis_name="s")

    @functools.partial(
        pl.kernel,
        out_type=jax.ShapeDtypeStruct((B, M, D), dtype),
        mesh=mesh,
        scratch_types=[
            pltpu.VMEM((NBUF, C, D), dtype),
            pltpu.SemaphoreType.DMA((NBUF,)),
            pltpu.SemaphoreType.DMA((NBUF,)),
        ],
    )
    def copy_kernel(table_hbm, out_hbm, buf, in_sem, out_sem):
        wid = lax.axis_index("s") * NC + lax.axis_index("c")
        base = wid * rows_per_w

        def load(i, slot):
            return pltpu.make_async_copy(
                table_hbm.at[pl.ds(base + i * C, C)],
                buf.at[slot],
                in_sem.at[slot],
            )

        def store(i, slot, b):
            return pltpu.make_async_copy(
                buf.at[slot],
                out_hbm.at[b, pl.ds(base + i * C, C)],
                out_sem.at[slot],
            )

        for i in range(min(NBUF - 1, n_chunks)):
            load(i, i % NBUF).start()
        for i in range(n_chunks):
            s = i % NBUF
            if i + NBUF - 1 < n_chunks:
                if i >= 1:
                    for b in range(B):
                        store(i - 1, (i - 1) % NBUF, b).wait()
                load(i + NBUF - 1, (i + NBUF - 1) % NBUF).start()
            load(i, s).wait()
            for b in range(B):
                store(i, s, b).start()
        for i in range(max(n_chunks - NBUF, 0), n_chunks):
            for b in range(B):
                store(i, i % NBUF, b).wait()

    return copy_kernel


def kernel(x, table):
    B = x.shape[0]
    M, D = table.shape
    return _sc_broadcast_copy(B, M, D, table.dtype)(table)

# --- scband reference (transcript-rebuilt; emitter-appended) ---
"""Pipeline reference for scband-position-embedding-6305011990835 (READ-ONLY COPY).

The authoritative reference and input builder live on the scoring server;
editing this copy changes nothing except your own understanding.
"""

import jax, jax.numpy as jnp
import numpy as np

MAX_LEN = 8192
DIM = 1024

def setup_inputs(seed: int = 0) -> dict:
    key = jax.random.key(seed)
    k1, k2 = jax.random.split(key)
    x = jax.random.randint(k1, (4, MAX_LEN), 0, 1000, dtype=jnp.int32)
    table = jax.random.normal(k2, (MAX_LEN, DIM), dtype=jnp.float32) * 0.02
    return {"x": x, "table": table}

def reference(x, table):
    # position_ids = arange(max_len) repeated over the batch dim
    B = x.shape[0]
    position_ids = jnp.broadcast_to(jnp.arange(MAX_LEN, dtype=jnp.int32)[None, :], (B, MAX_LEN))
    # embedding lookup: gather rows of the position table
    return jnp.take(table, position_ids, axis=0)

if __name__ == "__main__":
    import jax
    _d = setup_inputs()
    print(jax.jit(kernel)(*tuple(_d.values())))

</pallas_src>

<mosaic_0001>
#map = affine_map<(d0, d1) -> (0, 0)>
#map1 = affine_map<(d0, d1) -> (0, 0, 0)>
module attributes {stable_mosaic.version = 14 : i64} {
  func.func @copy_kernel(%arg0: i32, %arg1: i32, %arg2: memref<8192x1024xf32, #tpu.memory_space<hbm>>, %arg3: memref<4x8192x1024xf32, #tpu.memory_space<hbm>>, %arg4: memref<3x32x1024xf32, #tpu.memory_space<vmem>>, %arg5: memref<3x!tpu.dma_semaphore, #tpu.memory_space<semaphore_mem>>, %arg6: memref<3x!tpu.dma_semaphore, #tpu.memory_space<semaphore_mem>>) attributes {dimension_semantics = [#tpu.dimension_semantics<core_parallel>, #tpu.dimension_semantics<subcore_parallel>], iteration_bounds = array<i64: 2, 16>, scalar_prefetch = 0 : i64, scratch_operands = 3 : i64, tpu.core_type = #tpu.core_type<sc_vector_subcore>, window_params = [{transform_indices = #map}, {transform_indices = #map1}]} {
    %mul3A = arith.constant 2 : i32
    %mul3A_0 = arith.muli %arg1, %mul3A : i32
    %add3A = arith.addi %mul3A_0, %arg0 : i32
    %mul3A_1 = arith.constant 256 : i32
    %mul3A_2 = arith.muli %add3A, %mul3A_1 : i32
    %add3A_3 = arith.constant 0 : i32
    %add3A_4 = arith.addi %mul3A_2, %add3A_3 : i32
    %dma_start3A = arith.constant 0 : i32
    %dma_start3A_5 = arith.constant 0 : i32
    %dma_start3A_6 = arith.constant 0 : i32
    %dma_start3A_7 = arith.constant 0 : i32
    %dma_start3A_8 = tpu.memref_slice %arg4[%dma_start3A, %dma_start3A_6, %dma_start3A_7] : memref<3x32x1024xf32, #tpu.memory_space<vmem>> -> memref<1x32x1024xf32, #tpu.memory_space<vmem>>
    %dma_start3A_9 = tpu.memref_squeeze %dma_start3A_8 : memref<1x32x1024xf32, #tpu.memory_space<vmem>> -> memref<32x1024xf32, #tpu.memory_space<vmem>>
    %dma_start3A_10 = arith.constant 0 : i32
    %dma_start3A_11 = tpu.memref_slice %arg2[%add3A_4, %dma_start3A_10] : memref<8192x1024xf32, #tpu.memory_space<hbm>> -> memref<32x1024xf32, #tpu.memory_space<hbm>>
    %dma_start3A_12 = tpu.memref_slice %arg5[%dma_start3A_5] : memref<3x!tpu.dma_semaphore, #tpu.memory_space<semaphore_mem>> -> memref<1x!tpu.dma_semaphore, #tpu.memory_space<semaphore_mem>>
    %dma_start3A_13 = tpu.memref_squeeze %dma_start3A_12 : memref<1x!tpu.dma_semaphore, #tpu.memory_space<semaphore_mem>> -> memref<!tpu.dma_semaphore, #tpu.memory_space<semaphore_mem>>
    %dma_start3A_14 = arith.constant 0 : i32
    %dma_start3A_15 = arith.constant 0 : i32
    %dma_start3A_16 = tpu.memref_slice %arg4[%dma_start3A, %dma_start3A_14, %dma_start3A_15] : memref<3x32x1024xf32, #tpu.memory_space<vmem>> -> memref<1x32x1024xf32, #tpu.memory_space<vmem>>
    %dma_start3A_17 = tpu.memref_squeeze %dma_start3A_16 : memref<1x32x1024xf32, #tpu.memory_space<vmem>> -> memref<32x1024xf32, #tpu.memory_space<vmem>>
    %dma_start3A_18 = arith.constant 0 : i32
    %dma_start3A_19 = tpu.memref_slice %arg2[%add3A_4, %dma_start3A_18] : memref<8192x1024xf32, #tpu.memory_space<hbm>> -> memref<32x1024xf32, #tpu.memory_space<hbm>>
    tpu.enqueue_dma source(%dma_start3A_19 : memref<32x1024xf32, #tpu.memory_space<hbm>>) target(%dma_start3A_17 : memref<32x1024xf32, #tpu.memory_space<vmem>>) target_semaphore(%dma_start3A_13 : memref<!tpu.dma_semaphore, #tpu.memory_space<semaphore_mem>>)
    %add3A_20 = arith.constant 32 : i32
    %add3A_21 = arith.addi %mul3A_2, %add3A_20 : i32
    %dma_start3A_22 = arith.constant 1 : i32
    %dma_start3A_23 = arith.constant 1 : i32
    %dma_start3A_24 = arith.constant 0 : i32
    %dma_start3A_25 = arith.constant 0 : i32
    %dma_start3A_26 = tpu.memref_slice %arg4[%dma_start3A_22, %dma_start3A_24, %dma_start3A_25] : memref<3x32x1024xf32, #tpu.memory_space<vmem>> -> memref<1x32x1024xf32, #tpu.memory_space<vmem>>
    %dma_start3A_27 = tpu.memref_squeeze %dma_start3A_26 : memref<1x32x1024xf32, #tpu.memory_space<vmem>> -> memref<32x1024xf32, #tpu.memory_space<vmem>>
    %dma_start3A_28 = arith.constant 0 : i32
    %dma_start3A_29 = tpu.memref_slice %arg2[%add3A_21, %dma_start3A_28] : memref<8192x1024xf32, #tpu.memory_space<hbm>> -> memref<32x1024xf32, #tpu.memory_space<hbm>>
    %dma_start3A_30 = tpu.memref_slice %arg5[%dma_start3A_23] : memref<3x!tpu.dma_semaphore, #tpu.memory_space<semaphore_mem>> -> memref<1x!tpu.dma_semaphore, #tpu.memory_space<semaphore_mem>>
    %dma_start3A_31 = tpu.memref_squeeze %dma_start3A_30 : memref<1x!tpu.dma_semaphore, #tpu.memory_space<semaphore_mem>> -> memref<!tpu.dma_semaphore, #tpu.memory_space<semaphore_mem>>
    %dma_start3A_32 = arith.constant 0 : i32
    %dma_start3A_33 = arith.constant 0 : i32
    %dma_start3A_34 = tpu.memref_slice %arg4[%dma_start3A_22, %dma_start3A_32, %dma_start3A_33] : memref<3x32x1024xf32, #tpu.memory_space<vmem>> -> memref<1x32x1024xf32, #tpu.memory_space<vmem>>
    %dma_start3A_35 = tpu.memref_squeeze %dma_start3A_34 : memref<1x32x1024xf32, #tpu.memory_space<vmem>> -> memref<32x1024xf32, #tpu.memory_space<vmem>>
    %dma_start3A_36 = arith.constant 0 : i32
    %dma_start3A_37 = tpu.memref_slice %arg2[%add3A_21, %dma_start3A_36] : memref<8192x1024xf32, #tpu.memory_space<hbm>> -> memref<32x1024xf32, #tpu.memory_space<hbm>>
    tpu.enqueue_dma source(%dma_start3A_37 : memref<32x1024xf32, #tpu.memory_space<hbm>>) target(%dma_start3A_35 : memref<32x1024xf32, #tpu.memory_space<vmem>>) target_semaphore(%dma_start3A_31 : memref<!tpu.dma_semaphore, #tpu.memory_space<semaphore_mem>>)
    %add3A_38 = arith.constant 64 : i32
    %add3A_39 = arith.addi %mul3A_2, %add3A_38 : i32
    %dma_start3A_40 = arith.constant 2 : i32
    %dma_start3A_41 = arith.constant 2 : i32
    %dma_start3A_42 = arith.constant 0 : i32
    %dma_start3A_43 = arith.constant 0 : i32
    %dma_start3A_44 = tpu.memref_slice %arg4[%dma_start3A_40, %dma_start3A_42, %dma_start3A_43] : memref<3x32x1024xf32, #tpu.memory_space<vmem>> -> memref<1x32x1024xf32, #tpu.memory_space<vmem>>
    %dma_start3A_45 = tpu.memref_squeeze %dma_start3A_44 : memref<1x32x1024xf32, #tpu.memory_space<vmem>> -> memref<32x1024xf32, #tpu.memory_space<vmem>>
    %dma_start3A_46 = arith.constant 0 : i32
    %dma_start3A_47 = tpu.memref_slice %arg2[%add3A_39, %dma_start3A_46] : memref<8192x1024xf32, #tpu.memory_space<hbm>> -> memref<32x1024xf32, #tpu.memory_space<hbm>>
    %dma_start3A_48 = tpu.memref_slice %arg5[%dma_start3A_41] : memref<3x!tpu.dma_semaphore, #tpu.memory_space<semaphore_mem>> -> memref<1x!tpu.dma_semaphore, #tpu.memory_space<semaphore_mem>>
    %dma_start3A_49 = tpu.memref_squeeze %dma_start3A_48 : memref<1x!tpu.dma_semaphore, #tpu.memory_space<semaphore_mem>> -> memref<!tpu.dma_semaphore, #tpu.memory_space<semaphore_mem>>
    %dma_start3A_50 = arith.constant 0 : i32
    %dma_start3A_51 = arith.constant 0 : i32
    %dma_start3A_52 = tpu.memref_slice %arg4[%dma_start3A_40, %dma_start3A_50, %dma_start3A_51] : memref<3x32x1024xf32, #tpu.memory_space<vmem>> -> memref<1x32x1024xf32, #tpu.memory_space<vmem>>
    %dma_start3A_53 = tpu.memref_squeeze %dma_start3A_52 : memref<1x32x1024xf32, #tpu.memory_space<vmem>> -> memref<32x1024xf32, #tpu.memory_space<vmem>>
    %dma_start3A_54 = arith.constant 0 : i32
    %dma_start3A_55 = tpu.memref_slice %arg2[%add3A_39, %dma_start3A_54] : memref<8192x1024xf32, #tpu.memory_space<hbm>> -> memref<32x1024xf32, #tpu.memory_space<hbm>>
    tpu.enqueue_dma source(%dma_start3A_55 : memref<32x1024xf32, #tpu.memory_space<hbm>>) target(%dma_start3A_53 : memref<32x1024xf32, #tpu.memory_space<vmem>>) target_semaphore(%dma_start3A_49 : memref<!tpu.dma_semaphore, #tpu.memory_space<semaphore_mem>>)
    %add3A_56 = arith.constant 0 : i32
    %add3A_57 = arith.addi %mul3A_2, %add3A_56 : i32
    %dma_wait3A = arith.constant 0 : i32
    %dma_wait3A_58 = arith.constant 0 : i32
    %dma_wait3A_59 = arith.constant 0 : i32
    %dma_wait3A_60 = arith.constant 0 : i32
    %dma_wait3A_61 = tpu.memref_slice %arg4[%dma_wait3A, %dma_wait3A_59, %dma_wait3A_60] : memref<3x32x1024xf32, #tpu.memory_space<vmem>> -> memref<1x32x1024xf32, #tpu.memory_space<vmem>>
    %dma_wait3A_62 = tpu.memref_squeeze %dma_wait3A_61 : memref<1x32x1024xf32, #tpu.memory_space<vmem>> -> memref<32x1024xf32, #tpu.memory_space<vmem>>
    %dma_wait3A_63 = arith.constant 0 : i32
    %dma_wait3A_64 = tpu.memref_slice %arg2[%add3A_57, %dma_wait3A_63] : memref<8192x1024xf32, #tpu.memory_space<hbm>> -> memref<32x1024xf32, #tpu.memory_space<hbm>>
    %dma_wait3A_65 = tpu.memref_slice %arg5[%dma_wait3A_58] : memref<3x!tpu.dma_semaphore, #tpu.memory_space<semaphore_mem>> -> memref<1x!tpu.dma_semaphore, #tpu.memory_space<semaphore_mem>>
    %dma_wait3A_66 = tpu.memref_squeeze %dma_wait3A_65 : memref<1x!tpu.dma_semaphore, #tpu.memory_space<semaphore_mem>> -> memref<!tpu.dma_semaphore, #tpu.memory_space<semaphore_mem>>
    %dma_wait3A_67 = arith.constant 0 : i32
    %dma_wait3A_68 = arith.constant 0 : i32
    %dma_wait3A_69 = tpu.memref_slice %arg4[%dma_wait3A, %dma_wait3A_67, %dma_wait3A_68] : memref<3x32x1024xf32, #tpu.memory_space<vmem>> -> memref<1x32x1024xf32, #tpu.memory_space<vmem>>
    %dma_wait3A_70 = tpu.memref_squeeze %dma_wait3A_69 : memref<1x32x1024xf32, #tpu.memory_space<vmem>> -> memref<32x1024xf32, #tpu.memory_space<vmem>>
    %dma_wait3A_71 = arith.constant 0 : i32
    %dma_wait3A_72 = tpu.memref_slice %arg2[%add3A_57, %dma_wait3A_71] : memref<8192x1024xf32, #tpu.memory_space<hbm>> -> memref<32x1024xf32, #tpu.memory_space<hbm>>
    tpu.wait_dma2 semaphore(%dma_wait3A_66 : memref<!tpu.dma_semaphore, #tpu.memory_space<semaphore_mem>>) src(%dma_wait3A_72 : memref<32x1024xf32, #tpu.memory_space<hbm>>) dst(%dma_wait3A_70 : memref<32x1024xf32, #tpu.memory_space<vmem>>)
    %add3A_73 = arith.constant 0 : i32
    %add3A_74 = arith.addi %mul3A_2, %add3A_73 : i32
    %dma_start3A_75 = arith.constant 0 : i32
    %dma_start3A_76 = arith.constant 0 : i32
    %dma_start3A_77 = arith.constant 0 : i32
    %dma_start3A_78 = arith.constant 0 : i32
    %dma_start3A_79 = arith.constant 0 : i32
    %dma_start3A_80 = tpu.memref_slice %arg4[%dma_start3A_75, %dma_start3A_78, %dma_start3A_79] : memref<3x32x1024xf32, #tpu.memory_space<vmem>> -> memref<1x32x1024xf32, #tpu.memory_space<vmem>>
    %dma_start3A_81 = tpu.memref_squeeze %dma_start3A_80 : memref<1x32x1024xf32, #tpu.memory_space<vmem>> -> memref<32x1024xf32, #tpu.memory_space<vmem>>
    %dma_start3A_82 = arith.constant 0 : i32
    %dma_start3A_83 = tpu.memref_slice %arg3[%dma_start3A_76, %add3A_74, %dma_start3A_82] : memref<4x8192x1024xf32, #tpu.memory_space<hbm>> -> memref<1x32x1024xf32, #tpu.memory_space<hbm>>
    %dma_start3A_84 = tpu.memref_squeeze %dma_start3A_83 : memref<1x32x1024xf32, #tpu.memory_space<hbm>> -> memref<32x1024xf32, #tpu.memory_space<hbm>>
    %dma_start3A_85 = tpu.memref_slice %arg6[%dma_start3A_77] : memref<3x!tpu.dma_semaphore, #tpu.memory_space<semaphore_mem>> -> memref<1x!tpu.dma_semaphore, #tpu.memory_space<semaphore_mem>>
    %dma_start3A_86 = tpu.memref_squeeze %dma_start3A_85 : memref<1x!tpu.dma_semaphore, #tpu.memory_space<semaphore_mem>> -> memref<!tpu.dma_semaphore, #tpu.memory_space<semaphore_mem>>
    %dma_start3A_87 = arith.constant 0 : i32
    %dma_start3A_88 = tpu.memref_slice %arg3[%dma_start3A_76, %add3A_74, %dma_start3A_87] : memref<4x8192x1024xf32, #tpu.memory_space<hbm>> -> memref<1x32x1024xf32, #tpu.memory_space<hbm>>
    %dma_start3A_89 = tpu.memref_squeeze %dma_start3A_88 : memref<1x32x1024xf32, #tpu.memory_space<hbm>> -> memref<32x1024xf32, #tpu.memory_space<hbm>>
    %dma_start3A_90 = arith.constant 0 : i32
    %dma_start3A_91 = arith.constant 0 : i32
    %dma_start3A_92 = tpu.memref_slice %arg4[%dma_start3A_75, %dma_start3A_90, %dma_start3A_91] : memref<3x32x1024xf32, #tpu.memory_space<vmem>> -> memref<1x32x1024xf32, #tpu.memory_space<vmem>>
    %dma_start3A_93 = tpu.memref_squeeze %dma_start3A_92 : memref<1x32x1024xf32, #tpu.memory_space<vmem>> -> memref<32x1024xf32, #tpu.memory_space<vmem>>
    tpu.enqueue_dma source(%dma_start3A_93 : memref<32x1024xf32, #tpu.memory_space<vmem>>) target(%dma_start3A_89 : memref<32x1024xf32, #tpu.memory_space<hbm>>) target_semaphore(%dma_start3A_86 : memref<!tpu.dma_semaphore, #tpu.memory_space<semaphore_mem>>)
    %add3A_94 = arith.constant 0 : i32
    %add3A_95 = arith.addi %mul3A_2, %add3A_94 : i32
    %dma_start3A_96 = arith.constant 0 : i32
    %dma_start3A_97 = arith.constant 1 : i32
    %dma_start3A_98 = arith.constant 0 : i32
    %dma_start3A_99 = arith.constant 0 : i32
    %dma_start3A_100 = arith.constant 0 : i32
    %dma_start3A_101 = tpu.memref_slice %arg4[%dma_start3A_96, %dma_start3A_99, %dma_start3A_100] : memref<3x32x1024xf32, #tpu.memory_space<vmem>> -> memref<1x32x1024xf32, #tpu.memory_space<vmem>>
    %dma_start3A_102 = tpu.memref_squeeze %dma_start3A_101 : memref<1x32x1024xf32, #tpu.memory_space<vmem>> -> memref<32x1024xf32, #tpu.memory_space<vmem>>
    %dma_start3A_103 = arith.constant 0 : i32
    %dma_start3A_104 = tpu.memref_slice %arg3[%dma_start3A_97, %add3A_95, %dma_start3A_103] : memref<4x8192x1024xf32, #tpu.memory_space<hbm>> -> memref<1x32x1024xf32, #tpu.memory_space<hbm>>
    %dma_start3A_105 = tpu.memref_squeeze %dma_start3A_104 : memref<1x32x1024xf32, #tpu.memory_space<hbm>> -> memref<32x1024xf32, #tpu.memory_space<hbm>>
    %dma_start3A_106 = tpu.memref_slice %arg6[%dma_start3A_98] : memref<3x!tpu.dma_semaphore, #tpu.memory_space<semaphore_mem>> -> memref<1x!tpu.dma_semaphore, #tpu.memory_space<semaphore_mem>>
    %dma_start3A_107 = tpu.memref_squeeze %dma_start3A_106 : memref<1x!tpu.dma_semaphore, #tpu.memory_space<semaphore_mem>> -> memref<!tpu.dma_semaphore, #tpu.memory_space<semaphore_mem>>
    %dma_start3A_108 = arith.constant 0 : i32
    %dma_start3A_109 = tpu.memref_slice %arg3[%dma_start3A_97, %add3A_95, %dma_start3A_108] : memref<4x8192x1024xf32, #tpu.memory_space<hbm>> -> memref<1x32x1024xf32, #tpu.memory_space<hbm>>
    %dma_start3A_110 = tpu.memref_squeeze %dma_start3A_109 : memref<1x32x1024xf32, #tpu.memory_space<hbm>> -> memref<32x1024xf32, #tpu.memory_space<hbm>>
    %dma_start3A_111 = arith.constant 0 : i32
    %dma_start3A_112 = arith.constant 0 : i32
    %dma_start3A_113 = tpu.memref_slice %arg4[%dma_start3A_96, %dma_start3A_111, %dma_start3A_112] : memref<3x32x1024xf32, #tpu.memory_space<vmem>> -> memref<1x32x1024xf32, #tpu.memory_space<vmem>>
    %dma_start3A_114 = tpu.memref_squeeze %dma_start3A_113 : memref<1x32x1024xf32, #tpu.memory_space<vmem>> -> memref<32x1024xf32, #tpu.memory_space<vmem>>
    tpu.enqueue_dma source(%dma_start3A_114 : memref<32x1024xf32, #tpu.memory_space<vmem>>) target(%dma_start3A_110 : memref<32x1024xf32, #tpu.memory_space<hbm>>) target_semaphore(%dma_start3A_107 : memref<!tpu.dma_semaphore, #tpu.memory_space<semaphore_mem>>)
    %add3A_115 = arith.constant 0 : i32
    %add3A_116 = arith.addi %mul3A_2, %add3A_115 : i32
    %dma_start3A_117 = arith.constant 0 : i32
    %dma_start3A_118 = arith.constant 2 : i32
    %dma_start3A_119 = arith.constant 0 : i32
    %dma_start3A_120 = arith.constant 0 : i32
    %dma_start3A_121 = arith.constant 0 : i32
    %dma_start3A_122 = tpu.memref_slice %arg4[%dma_start3A_117, %dma_start3A_120, %dma_start3A_121] : memref<3x32x1024xf32, #tpu.memory_space<vmem>> -> memref<1x32x1024xf32, #tpu.memory_space<vmem>>
    %dma_start3A_123 = tpu.memref_squeeze %dma_start3A_122 : memref<1x32x1024xf32, #tpu.memory_space<vmem>> -> memref<32x1024xf32, #tpu.memory_space<vmem>>
    %dma_start3A_124 = arith.constant 0 : i32
    %dma_start3A_125 = tpu.memref_slice %arg3[%dma_start3A_118, %add3A_116, %dma_start3A_124] : memref<4x8192x1024xf32, #tpu.memory_space<hbm>> -> memref<1x32x1024xf32, #tpu.memory_space<hbm>>
    %dma_start3A_126 = tpu.memref_squeeze %dma_start3A_125 : memref<1x32x1024xf32, #tpu.memory_space<hbm>> -> memref<32x1024xf32, #tpu.memory_space<hbm>>
    %dma_start3A_127 = tpu.memref_slice %arg6[%dma_start3A_119] : memref<3x!tpu.dma_semaphore, #tpu.memory_space<semaphore_mem>> -> memref<1x!tpu.dma_semaphore, #tpu.memory_space<semaphore_mem>>
    %dma_start3A_128 = tpu.memref_squeeze %dma_start3A_127 : memref<1x!tpu.dma_semaphore, #tpu.memory_space<semaphore_mem>> -> memref<!tpu.dma_semaphore, #tpu.memory_space<semaphore_mem>>
    %dma_start3A_129 = arith.constant 0 : i32
    %dma_start3A_130 = tpu.memref_slice %arg3[%dma_start3A_118, %add3A_116, %dma_start3A_129] : memref<4x8192x1024xf32, #tpu.memory_space<hbm>> -> memref<1x32x1024xf32, #tpu.memory_space<hbm>>
    %dma_start3A_131 = tpu.memref_squeeze %dma_start3A_130 : memref<1x32x1024xf32, #tpu.memory_space<hbm>> -> memref<32x1024xf32, #tpu.memory_space<hbm>>
    %dma_start3A_132 = arith.constant 0 : i32
    %dma_start3A_133 = arith.constant 0 : i32
    %dma_start3A_134 = tpu.memref_slice %arg4[%dma_start3A_117, %dma_start3A_132, %dma_start3A_133] : memref<3x32x1024xf32, #tpu.memory_space<vmem>> -> memref<1x32x1024xf32, #tpu.memory_space<vmem>>
    %dma_start3A_135 = tpu.memref_squeeze %dma_start3A_134 : memref<1x32x1024xf32, #tpu.memory_space<vmem>> -> memref<32x1024xf32, #tpu.memory_space<vmem>>
    tpu.enqueue_dma source(%dma_start3A_135 : memref<32x1024xf32, #tpu.memory_space<vmem>>) target(%dma_start3A_131 : memref<32x1024xf32, #tpu.memory_space<hbm>>) target_semaphore(%dma_start3A_128 : memref<!tpu.dma_semaphore, #tpu.memory_space<semaphore_mem>>)
    %add3A_136 = arith.constant 0 : i32
    %add3A_137 = arith.addi %mul3A_2, %add3A_136 : i32
    %dma_start3A_138 = arith.constant 0 : i32
    %dma_start3A_139 = arith.constant 3 : i32
    %dma_start3A_140 = arith.constant 0 : i32
    %dma_start3A_141 = arith.constant 0 : i32
    %dma_start3A_142 = arith.constant 0 : i32
    %dma_start3A_143 = tpu.memref_slice %arg4[%dma_start3A_138, %dma_start3A_141, %dma_start3A_142] : memref<3x32x1024xf32, #tpu.memory_space<vmem>> -> memref<1x32x1024xf32, #tpu.memory_space<vmem>>
    %dma_start3A_144 = tpu.memref_squeeze %dma_start3A_143 : memref<1x32x1024xf32, #tpu.memory_space<vmem>> -> memref<32x1024xf32, #tpu.memory_space<vmem>>
    %dma_start3A_145 = arith.constant 0 : i32
    %dma_start3A_146 = tpu.memref_slice %arg3[%dma_start3A_139, %add3A_137, %dma_start3A_145] : memref<4x8192x1024xf32, #tpu.memory_space<hbm>> -> memref<1x32x1024xf32, #tpu.memory_space<hbm>>
    %dma_start3A_147 = tpu.memref_squeeze %dma_start3A_146 : memref<1x32x1024xf32, #tpu.memory_space<hbm>> -> memref<32x1024xf32, #tpu.memory_space<hbm>>
    %dma_start3A_148 = tpu.memref_slice %arg6[%dma_start3A_140] : memref<3x!tpu.dma_semaphore, #tpu.memory_space<semaphore_mem>> -> memref<1x!tpu.dma_semaphore, #tpu.memory_space<semaphore_mem>>
    %dma_start3A_149 = tpu.memref_squeeze %dma_start3A_148 : memref<1x!tpu.dma_semaphore, #tpu.memory_space<semaphore_mem>> -> memref<!tpu.dma_semaphore, #tpu.memory_space<semaphore_mem>>
    %dma_start3A_150 = arith.constant 0 : i32
    %dma_start3A_151 = tpu.memref_slice %arg3[%dma_start3A_139, %add3A_137, %dma_start3A_150] : memref<4x8192x1024xf32, #tpu.memory_space<hbm>> -> memref<1x32x1024xf32, #tpu.memory_space<hbm>>
    %dma_start3A_152 = tpu.memref_squeeze %dma_start3A_151 : memref<1x32x1024xf32, #tpu.memory_space<hbm>> -> memref<32x1024xf32, #tpu.memory_space<hbm>>
    %dma_start3A_153 = arith.constant 0 : i32
    %dma_start3A_154 = arith.constant 0 : i32
    %dma_start3A_155 = tpu.memref_slice %arg4[%dma_start3A_138, %dma_start3A_153, %dma_start3A_154] : memref<3x32x1024xf32, #tpu.memory_space<vmem>> -> memref<1x32x1024xf32, #tpu.memory_space<vmem>>
    %dma_start3A_156 = tpu.memref_squeeze %dma_start3A_155 : memref<1x32x1024xf32, #tpu.memory_space<vmem>> -> memref<32x1024xf32, #tpu.memory_space<vmem>>
    tpu.enqueue_dma source(%dma_start3A_156 : memref<32x1024xf32, #tpu.memory_space<vmem>>) target(%dma_start3A_152 : memref<32x1024xf32, #tpu.memory_space<hbm>>) target_semaphore(%dma_start3A_149 : memref<!tpu.dma_semaphore, #tpu.memory_space<semaphore_mem>>)
    %add3A_157 = arith.constant 0 : i32
    %add3A_158 = arith.addi %mul3A_2, %add3A_157 : i32
    %dma_wait3A_159 = arith.constant 0 : i32
    %dma_wait3A_160 = arith.constant 0 : i32
    %dma_wait3A_161 = arith.constant 0 : i32
    %dma_wait3A_162 = arith.constant 0 : i32
    %dma_wait3A_163 = arith.constant 0 : i32
    %dma_wait3A_164 = tpu.memref_slice %arg4[%dma_wait3A_159, %dma_wait3A_162, %dma_wait3A_163] : memref<3x32x1024xf32, #tpu.memory_space<vmem>> -> memref<1x32x1024xf32, #tpu.memory_space<vmem>>
    %dma_wait3A_165 = tpu.memref_squeeze %dma_wait3A_164 : memref<1x32x1024xf32, #tpu.memory_space<vmem>> -> memref<32x1024xf32, #tpu.memory_space<vmem>>
    %dma_wait3A_166 = arith.constant 0 : i32
    %dma_wait3A_167 = tpu.memref_slice %arg3[%dma_wait3A_160, %add3A_158, %dma_wait3A_166] : memref<4x8192x1024xf32, #tpu.memory_space<hbm>> -> memref<1x32x1024xf32, #tpu.memory_space<hbm>>
    %dma_wait3A_168 = tpu.memref_squeeze %dma_wait3A_167 : memref<1x32x1024xf32, #tpu.memory_space<hbm>> -> memref<32x1024xf32, #tpu.memory_space<hbm>>
    %dma_wait3A_169 = tpu.memref_slice %arg6[%dma_wait3A_161] : memref<3x!tpu.dma_semaphore, #tpu.memory_space<semaphore_mem>> -> memref<1x!tpu.dma_semaphore, #tpu.memory_space<semaphore_mem>>
    %dma_wait3A_170 = tpu.memref_squeeze %dma_wait3A_169 : memref<1x!tpu.dma_semaphore, #tpu.memory_space<semaphore_mem>> -> memref<!tpu.dma_semaphore, #tpu.memory_space<semaphore_mem>>
    %dma_wait3A_171 = arith.constant 0 : i32
    %dma_wait3A_172 = tpu.memref_slice %arg3[%dma_wait3A_160, %add3A_158, %dma_wait3A_171] : memref<4x8192x1024xf32, #tpu.memory_space<hbm>> -> memref<1x32x1024xf32, #tpu.memory_space<hbm>>
    %dma_wait3A_173 = tpu.memref_squeeze %dma_wait3A_172 : memref<1x32x1024xf32, #tpu.memory_space<hbm>> -> memref<32x1024xf32, #tpu.memory_space<hbm>>
    %dma_wait3A_174 = arith.constant 0 : i32
    %dma_wait3A_175 = arith.constant 0 : i32
    %dma_wait3A_176 = tpu.memref_slice %arg4[%dma_wait3A_159, %dma_wait3A_174, %dma_wait3A_175] : memref<3x32x1024xf32, #tpu.memory_space<vmem>> -> memref<1x32x1024xf32, #tpu.memory_space<vmem>>
    %dma_wait3A_177 = tpu.memref_squeeze %dma_wait3A_176 : memref<1x32x1024xf32, #tpu.memory_space<vmem>> -> memref<32x1024xf32, #tpu.memory_space<vmem>>
    tpu.wait_dma2 semaphore(%dma_wait3A_170 : memref<!tpu.dma_semaphore, #tpu.memory_space<semaphore_mem>>) src(%dma_wait3A_177 : memref<32x1024xf32, #tpu.memory_space<vmem>>) dst(%dma_wait3A_173 : memref<32x1024xf32, #tpu.memory_space<hbm>>)
    %add3A_178 = arith.constant 0 : i32
    %add3A_179 = arith.addi %mul3A_2, %add3A_178 : i32
    %dma_wait3A_180 = arith.constant 0 : i32
    %dma_wait3A_181 = arith.constant 1 : i32
    %dma_wait3A_182 = arith.constant 0 : i32
    %dma_wait3A_183 = arith.constant 0 : i32
    %dma_wait3A_184 = arith.constant 0 : i32
    %dma_wait3A_185 = tpu.memref_slice %arg4[%dma_wait3A_180, %dma_wait3A_183, %dma_wait3A_184] : memref<3x32x1024xf32, #tpu.memory_space<vmem>> -> memref<1x32x1024xf32, #tpu.memory_space<vmem>>
    %dma_wait3A_186 = tpu.memref_squeeze %dma_wait3A_185 : memref<1x32x1024xf32, #tpu.memory_space<vmem>> -> memref<32x1024xf32, #tpu.memory_space<vmem>>
    %dma_wait3A_187 = arith.constant 0 : i32
    %dma_wait3A_188 = tpu.memref_slice %arg3[%dma_wait3A_181, %add3A_179, %dma_wait3A_187] : memref<4x8192x1024xf32, #tpu.memory_space<hbm>> -> memref<1x32x1024xf32, #tpu.memory_space<hbm>>
    %dma_wait3A_189 = tpu.memref_squeeze %dma_wait3A_188 : memref<1x32x1024xf32, #tpu.memory_space<hbm>> -> memref<32x1024xf32, #tpu.memory_space<hbm>>
    %dma_wait3A_190 = tpu.memref_slice %arg6[%dma_wait3A_182] : memref<3x!tpu.dma_semaphore, #tpu.memory_space<semaphore_mem>> -> memref<1x!tpu.dma_semaphore, #tpu.memory_space<semaphore_mem>>
    %dma_wait3A_191 = tpu.memref_squeeze %dma_wait3A_190 : memref<1x!tpu.dma_semaphore, #tpu.memory_space<semaphore_mem>> -> memref<!tpu.dma_semaphore, #tpu.memory_space<semaphore_mem>>
    %dma_wait3A_192 = arith.constant 0 : i32
    %dma_wait3A_193 = tpu.memref_slice %arg3[%dma_wait3A_181, %add3A_179, %dma_wait3A_192] : memref<4x8192x1024xf32, #tpu.memory_space<hbm>> -> memref<1x32x1024xf32, #tpu.memory_space<hbm>>
    %dma_wait3A_194 = tpu.memref_squeeze %dma_wait3A_193 : memref<1x32x1024xf32, #tpu.memory_space<hbm>> -> memref<32x1024xf32, #tpu.memory_space<hbm>>
    %dma_wait3A_195 = arith.constant 0 : i32
    %dma_wait3A_196 = arith.constant 0 : i32
    %dma_wait3A_197 = tpu.memref_slice %arg4[%dma_wait3A_180, %dma_wait3A_195, %dma_wait3A_196] : memref<3x32x1024xf32, #tpu.memory_space<vmem>> -> memref<1x32x1024xf32, #tpu.memory_space<vmem>>
    %dma_wait3A_198 = tpu.memref_squeeze %dma_wait3A_197 : memref<1x32x1024xf32, #tpu.memory_space<vmem>> -> memref<32x1024xf32, #tpu.memory_space<vmem>>
    tpu.wait_dma2 semaphore(%dma_wait3A_191 : memref<!tpu.dma_semaphore, #tpu.memory_space<semaphore_mem>>) src(%dma_wait3A_198 : memref<32x1024xf32, #tpu.memory_space<vmem>>) dst(%dma_wait3A_194 : memref<32x1024xf32, #tpu.memory_space<hbm>>)
    %add3A_199 = arith.constant 0 : i32
    %add3A_200 = arith.addi %mul3A_2, %add3A_199 : i32
    %dma_wait3A_201 = arith.constant 0 : i32
    %dma_wait3A_202 = arith.constant 2 : i32
    %dma_wait3A_203 = arith.constant 0 : i32
    %dma_wait3A_204 = arith.constant 0 : i32
    %dma_wait3A_205 = arith.constant 0 : i32
    %dma_wait3A_206 = tpu.memref_slice %arg4[%dma_wait3A_201, %dma_wait3A_204, %dma_wait3A_205] : memref<3x32x1024xf32, #tpu.memory_space<vmem>> -> memref<1x32x1024xf32, #tpu.memory_space<vmem>>
    %dma_wait3A_207 = tpu.memref_squeeze %dma_wait3A_206 : memref<1x32x1024xf32, #tpu.memory_space<vmem>> -> memref<32x1024xf32, #tpu.memory_space<vmem>>
    %dma_wait3A_208 = arith.constant 0 : i32
    %dma_wait3A_209 = tpu.memref_slice %arg3[%dma_wait3A_202, %add3A_200, %dma_wait3A_208] : memref<4x8192x1024xf32, #tpu.memory_space<hbm>> -> memref<1x32x1024xf32, #tpu.memory_space<hbm>>
    %dma_wait3A_210 = tpu.memref_squeeze %dma_wait3A_209 : memref<1x32x1024xf32, #tpu.memory_space<hbm>> -> memref<32x1024xf32, #tpu.memory_space<hbm>>
    %dma_wait3A_211 = tpu.memref_slice %arg6[%dma_wait3A_203] : memref<3x!tpu.dma_semaphore, #tpu.memory_space<semaphore_mem>> -> memref<1x!tpu.dma_semaphore, #tpu.memory_space<semaphore_mem>>
    %dma_wait3A_212 = tpu.memref_squeeze %dma_wait3A_211 : memref<1x!tpu.dma_semaphore, #tpu.memory_space<semaphore_mem>> -> memref<!tpu.dma_semaphore, #tpu.memory_space<semaphore_mem>>
    %dma_wait3A_213 = arith.constant 0 : i32
    %dma_wait3A_214 = tpu.memref_slice %arg3[%dma_wait3A_202, %add3A_200, %dma_wait3A_213] : memref<4x8192x1024xf32, #tpu.memory_space<hbm>> -> memref<1x32x1024xf32, #tpu.memory_space<hbm>>
    %dma_wait3A_215 = tpu.memref_squeeze %dma_wait3A_214 : memref<1x32x1024xf32, #tpu.memory_space<hbm>> -> memref<32x1024xf32, #tpu.memory_space<hbm>>
    %dma_wait3A_216 = arith.constant 0 : i32
    %dma_wait3A_217 = arith.constant 0 : i32
    %dma_wait3A_218 = tpu.memref_slice %arg4[%dma_wait3A_201, %dma_wait3A_216, %dma_wait3A_217] : memref<3x32x1024xf32, #tpu.memory_space<vmem>> -> memref<1x32x1024xf32, #tpu.memory_space<vmem>>
    %dma_wait3A_219 = tpu.memref_squeeze %dma_wait3A_218 : memref<1x32x1024xf32, #tpu.memory_space<vmem>> -> memref<32x1024xf32, #tpu.memory_space<vmem>>
    tpu.wait_dma2 semaphore(%dma_wait3A_212 : memref<!tpu.dma_semaphore, #tpu.memory_space<semaphore_mem>>) src(%dma_wait3A_219 : memref<32x1024xf32, #tpu.memory_space<vmem>>) dst(%dma_wait3A_215 : memref<32x1024xf32, #tpu.memory_space<hbm>>)
    %add3A_220 = arith.constant 0 : i32
    %add3A_221 = arith.addi %mul3A_2, %add3A_220 : i32
    %dma_wait3A_222 = arith.constant 0 : i32
    %dma_wait3A_223 = arith.constant 3 : i32
    %dma_wait3A_224 = arith.constant 0 : i32
    %dma_wait3A_225 = arith.constant 0 : i32
    %dma_wait3A_226 = arith.constant 0 : i32
    %dma_wait3A_227 = tpu.memref_slice %arg4[%dma_wait3A_222, %dma_wait3A_225, %dma_wait3A_226] : memref<3x32x1024xf32, #tpu.memory_space<vmem>> -> memref<1x32x1024xf32, #tpu.memory_space<vmem>>
    %dma_wait3A_228 = tpu.memref_squeeze %dma_wait3A_227 : memref<1x32x1024xf32, #tpu.memory_space<vmem>> -> memref<32x1024xf32, #tpu.memory_space<vmem>>
    %dma_wait3A_229 = arith.constant 0 : i32
    %dma_wait3A_230 = tpu.memref_slice %arg3[%dma_wait3A_223, %add3A_221, %dma_wait3A_229] : memref<4x8192x1024xf32, #tpu.memory_space<hbm>> -> memref<1x32x1024xf32, #tpu.memory_space<hbm>>
    %dma_wait3A_231 = tpu.memref_squeeze %dma_wait3A_230 : memref<1x32x1024xf32, #tpu.memory_space<hbm>> -> memref<32x1024xf32, #tpu.memory_space<hbm>>
    %dma_wait3A_232 = tpu.memref_slice %arg6[%dma_wait3A_224] : memref<3x!tpu.dma_semaphore, #tpu.memory_space<semaphore_mem>> -> memref<1x!tpu.dma_semaphore, #tpu.memory_space<semaphore_mem>>
    %dma_wait3A_233 = tpu.memref_squeeze %dma_wait3A_232 : memref<1x!tpu.dma_semaphore, #tpu.memory_space<semaphore_mem>> -> memref<!tpu.dma_semaphore, #tpu.memory_space<semaphore_mem>>
    %dma_wait3A_234 = arith.constant 0 : i32
    %dma_wait3A_235 = tpu.memref_slice %arg3[%dma_wait3A_223, %add3A_221, %dma_wait3A_234] : memref<4x8192x1024xf32, #tpu.memory_space<hbm>> -> memref<1x32x1024xf32, #tpu.memory_space<hbm>>
    %dma_wait3A_236 = tpu.memref_squeeze %dma_wait3A_235 : memref<1x32x1024xf32, #tpu.memory_space<hbm>> -> memref<32x1024xf32, #tpu.memory_space<hbm>>
    %dma_wait3A_237 = arith.constant 0 : i32
    %dma_wait3A_238 = arith.constant 0 : i32
    %dma_wait3A_239 = tpu.memref_slice %arg4[%dma_wait3A_222, %dma_wait3A_237, %dma_wait3A_238] : memref<3x32x1024xf32, #tpu.memory_space<vmem>> -> memref<1x32x1024xf32, #tpu.memory_space<vmem>>
    %dma_wait3A_240 = tpu.memref_squeeze %dma_wait3A_239 : memref<1x32x1024xf32, #tpu.memory_space<vmem>> -> memref<32x1024xf32, #tpu.memory_space<vmem>>
    tpu.wait_dma2 semaphore(%dma_wait3A_233 : memref<!tpu.dma_semaphore, #tpu.memory_space<semaphore_mem>>) src(%dma_wait3A_240 : memref<32x1024xf32, #tpu.memory_space<vmem>>) dst(%dma_wait3A_236 : memref<32x1024xf32, #tpu.memory_space<hbm>>)
    %add3A_241 = arith.constant 96 : i32
    %add3A_242 = arith.addi %mul3A_2, %add3A_241 : i32
    %dma_start3A_243 = arith.constant 0 : i32
    %dma_start3A_244 = arith.constant 0 : i32
    %dma_start3A_245 = arith.constant 0 : i32
    %dma_start3A_246 = arith.constant 0 : i32
    %dma_start3A_247 = tpu.memref_slice %arg4[%dma_start3A_243, %dma_start3A_245, %dma_start3A_246] : memref<3x32x1024xf32, #tpu.memory_space<vmem>> -> memref<1x32x1024xf32, #tpu.memory_space<vmem>>
    %dma_start3A_248 = tpu.memref_squeeze %dma_start3A_247 : memref<1x32x1024xf32, #tpu.memory_space<vmem>> -> memref<32x1024xf32, #tpu.memory_space<vmem>>
    %dma_start3A_249 = arith.constant 0 : i32
    %dma_start3A_250 = tpu.memref_slice %arg2[%add3A_242, %dma_start3A_249] : memref<8192x1024xf32, #tpu.memory_space<hbm>> -> memref<32x1024xf32, #tpu.memory_space<hbm>>
    %dma_start3A_251 = tpu.memref_slice %arg5[%dma_start3A_244] : memref<3x!tpu.dma_semaphore, #tpu.memory_space<semaphore_mem>> -> memref<1x!tpu.dma_semaphore, #tpu.memory_space<semaphore_mem>>
    %dma_start3A_252 = tpu.memref_squeeze %dma_start3A_251 : memref<1x!tpu.dma_semaphore, #tpu.memory_space<semaphore_mem>> -> memref<!tpu.dma_semaphore, #tpu.memory_space<semaphore_mem>>
    %dma_start3A_253 = arith.constant 0 : i32
    %dma_start3A_254 = arith.constant 0 : i32
    %dma_start3A_255 = tpu.memref_slice %arg4[%dma_start3A_243, %dma_start3A_253, %dma_start3A_254] : memref<3x32x1024xf32, #tpu.memory_space<vmem>> -> memref<1x32x1024xf32, #tpu.memory_space<vmem>>
    %dma_start3A_256 = tpu.memref_squeeze %dma_start3A_255 : memref<1x32x1024xf32, #tpu.memory_space<vmem>> -> memref<32x1024xf32, #tpu.memory_space<vmem>>
    %dma_start3A_257 = arith.constant 0 : i32
    %dma_start3A_258 = tpu.memref_slice %arg2[%add3A_242, %dma_start3A_257] : memref<8192x1024xf32, #tpu.memory_space<hbm>> -> memref<32x1024xf32, #tpu.memory_space<hbm>>
    tpu.enqueue_dma source(%dma_start3A_258 : memref<32x1024xf32, #tpu.memory_space<hbm>>) target(%dma_start3A_256 : memref<32x1024xf32, #tpu.memory_space<vmem>>) target_semaphore(%dma_start3A_252 : memref<!tpu.dma_semaphore, #tpu.memory_space<semaphore_mem>>)
    %add3A_259 = arith.constant 32 : i32
    %add3A_260 = arith.addi %mul3A_2, %add3A_259 : i32
    %dma_wait3A_261 = arith.constant 1 : i32
    %dma_wait3A_262 = arith.constant 1 : i32
    %dma_wait3A_263 = arith.constant 0 : i32
    %dma_wait3A_264 = arith.constant 0 : i32
    %dma_wait3A_265 = tpu.memref_slice %arg4[%dma_wait3A_261, %dma_wait3A_263, %dma_wait3A_264] : memref<3x32x1024xf32, #tpu.memory_space<vmem>> -> memref<1x32x1024xf32, #tpu.memory_space<vmem>>
    %dma_wait3A_266 = tpu.memref_squeeze %dma_wait3A_265 : memref<1x32x1024xf32, #tpu.memory_space<vmem>> -> memref<32x1024xf32, #tpu.memory_space<vmem>>
    %dma_wait3A_267 = arith.constant 0 : i32
    %dma_wait3A_268 = tpu.memref_slice %arg2[%add3A_260, %dma_wait3A_267] : memref<8192x1024xf32, #tpu.memory_space<hbm>> -> memref<32x1024xf32, #tpu.memory_space<hbm>>
    %dma_wait3A_269 = tpu.memref_slice %arg5[%dma_wait3A_262] : memref<3x!tpu.dma_semaphore, #tpu.memory_space<semaphore_mem>> -> memref<1x!tpu.dma_semaphore, #tpu.memory_space<semaphore_mem>>
    %dma_wait3A_270 = tpu.memref_squeeze %dma_wait3A_269 : memref<1x!tpu.dma_semaphore, #tpu.memory_space<semaphore_mem>> -> memref<!tpu.dma_semaphore, #tpu.memory_space<semaphore_mem>>
    %dma_wait3A_271 = arith.constant 0 : i32
    %dma_wait3A_272 = arith.constant 0 : i32
    %dma_wait3A_273 = tpu.memref_slice %arg4[%dma_wait3A_261, %dma_wait3A_271, %dma_wait3A_272] : memref<3x32x1024xf32, #tpu.memory_space<vmem>> -> memref<1x32x1024xf32, #tpu.memory_space<vmem>>
    %dma_wait3A_274 = tpu.memref_squeeze %dma_wait3A_273 : memref<1x32x1024xf32, #tpu.memory_space<vmem>> -> memref<32x1024xf32, #tpu.memory_space<vmem>>
    %dma_wait3A_275 = arith.constant 0 : i32
    %dma_wait3A_276 = tpu.memref_slice %arg2[%add3A_260, %dma_wait3A_275] : memref<8192x1024xf32, #tpu.memory_space<hbm>> -> memref<32x1024xf32, #tpu.memory_space<hbm>>
    tpu.wait_dma2 semaphore(%dma_wait3A_270 : memref<!tpu.dma_semaphore, #tpu.memory_space<semaphore_mem>>) src(%dma_wait3A_276 : memref<32x1024xf32, #tpu.memory_space<hbm>>) dst(%dma_wait3A_274 : memref<32x1024xf32, #tpu.memory_space<vmem>>)
    %add3A_277 = arith.constant 32 : i32
    %add3A_278 = arith.addi %mul3A_2, %add3A_277 : i32
    %dma_start3A_279 = arith.constant 1 : i32
    %dma_start3A_280 = arith.constant 0 : i32
    %dma_start3A_281 = arith.constant 1 : i32
    %dma_start3A_282 = arith.constant 0 : i32
    %dma_start3A_283 = arith.constant 0 : i32
    %dma_start3A_284 = tpu.memref_slice %arg4[%dma_start3A_279, %dma_start3A_282, %dma_start3A_283] : memref<3x32x1024xf32, #tpu.memory_space<vmem>> -> memref<1x32x1024xf32, #tpu.memory_space<vmem>>
    %dma_start3A_285 = tpu.memref_squeeze %dma_start3A_284 : memref<1x32x1024xf32, #tpu.memory_space<vmem>> -> memref<32x1024xf32, #tpu.memory_space<vmem>>
    %dma_start3A_286 = arith.constant 0 : i32
    %dma_start3A_287 = tpu.memref_slice %arg3[%dma_start3A_280, %add3A_278, %dma_start3A_286] : memref<4x8192x1024xf32, #tpu.memory_space<hbm>> -> memref<1x32x1024xf32, #tpu.memory_space<hbm>>
    %dma_start3A_288 = tpu.memref_squeeze %dma_start3A_287 : memref<1x32x1024xf32, #tpu.memory_space<hbm>> -> memref<32x1024xf32, #tpu.memory_space<hbm>>
    %dma_start3A_289 = tpu.memref_slice %arg6[%dma_start3A_281] : memref<3x!tpu.dma_semaphore, #tpu.memory_space<semaphore_mem>> -> memref<1x!tpu.dma_semaphore, #tpu.memory_space<semaphore_mem>>
    %dma_start3A_290 = tpu.memref_squeeze %dma_start3A_289 : memref<1x!tpu.dma_semaphore, #tpu.memory_space<semaphore_mem>> -> memref<!tpu.dma_semaphore, #tpu.memory_space<semaphore_mem>>
    %dma_start3A_291 = arith.constant 0 : i32
    %dma_start3A_292 = tpu.memref_slice %arg3[%dma_start3A_280, %add3A_278, %dma_start3A_291] : memref<4x8192x1024xf32, #tpu.memory_space<hbm>> -> memref<1x32x1024xf32, #tpu.memory_space<hbm>>
    %dma_start3A_293 = tpu.memref_squeeze %dma_start3A_292 : memref<1x32x1024xf32, #tpu.memory_space<hbm>> -> memref<32x1024xf32, #tpu.memory_space<hbm>>
    %dma_start3A_294 = arith.constant 0 : i32
    %dma_start3A_295 = arith.constant 0 : i32
    %dma_start3A_296 = tpu.memref_slice %arg4[%dma_start3A_279, %dma_start3A_294, %dma_start3A_295] : memref<3x32x1024xf32, #tpu.memory_space<vmem>> -> memref<1x32x1024xf32, #tpu.memory_space<vmem>>
    %dma_start3A_297 = tpu.memref_squeeze %dma_start3A_296 : memref<1x32x1024xf32, #tpu.memory_space<vmem>> -> memref<32x1024xf32, #tpu.memory_space<vmem>>
    tpu.enqueue_dma source(%dma_start3A_297 : memref<32x1024xf32, #tpu.memory_space<vmem>>) target(%dma_start3A_293 : memref<32x1024xf32, #tpu.memory_space<hbm>>) target_semaphore(%dma_start3A_290 : memref<!tpu.dma_semaphore, #tpu.memory_space<semaphore_mem>>)
    %add3A_298 = arith.constant 32 : i32
    %add3A_299 = arith.addi %mul3A_2, %add3A_298 : i32
    %dma_start3A_300 = arith.constant 1 : i32
    %dma_start3A_301 = arith.constant 1 : i32
    %dma_start3A_302 = arith.constant 1 : i32
    %dma_start3A_303 = arith.constant 0 : i32
    %dma_start3A_304 = arith.constant 0 : i32
    %dma_start3A_305 = tpu.memref_slice %arg4[%dma_start3A_300, %dma_start3A_303, %dma_start3A_304] : memref<3x32x1024xf32, #tpu.memory_space<vmem>> -> memref<1x32x1024xf32, #tpu.memory_space<vmem>>
    %dma_start3A_306 = tpu.memref_squeeze %dma_start3A_305 : memref<1x32x1024xf32, #tpu.memory_space<vmem>> -> memref<32x1024xf32, #tpu.memory_space<vmem>>
    %dma_start3A_307 = arith.constant 0 : i32
    %dma_start3A_308 = tpu.memref_slice %arg3[%dma_start3A_301, %add3A_299, %dma_start3A_307] : memref<4x8192x1024xf32, #tpu.memory_space<hbm>> -> memref<1x32x1024xf32, #tpu.memory_space<hbm>>
    %dma_start3A_309 = tpu.memref_squeeze %dma_start3A_308 : memref<1x32x1024xf32, #tpu.memory_space<hbm>> -> memref<32x1024xf32, #tpu.memory_space<hbm>>
    %dma_start3A_310 = tpu.memref_slice %arg6[%dma_start3A_302] : memref<3x!tpu.dma_semaphore, #tpu.memory_space<semaphore_mem>> -> memref<1x!tpu.dma_semaphore, #tpu.memory_space<semaphore_mem>>
    %dma_start3A_311 = tpu.memref_squeeze %dma_start3A_310 : memref<1x!tpu.dma_semaphore, #tpu.memory_space<semaphore_mem>> -> memref<!tpu.dma_semaphore, #tpu.memory_space<semaphore_mem>>
    %dma_start3A_312 = arith.constant 0 : i32
    %dma_start3A_313 = tpu.memref_slice %arg3[%dma_start3A_301, %add3A_299, %dma_start3A_312] : memref<4x8192x1024xf32, #tpu.memory_space<hbm>> -> memref<1x32x1024xf32, #tpu.memory_space<hbm>>
    %dma_start3A_314 = tpu.memref_squeeze %dma_start3A_313 : memref<1x32x1024xf32, #tpu.memory_space<hbm>> -> memref<32x1024xf32, #tpu.memory_space<hbm>>
    %dma_start3A_315 = arith.constant 0 : i32
    %dma_start3A_316 = arith.constant 0 : i32
    %dma_start3A_317 = tpu.memref_slice %arg4[%dma_start3A_300, %dma_start3A_315, %dma_start3A_316] : memref<3x32x1024xf32, #tpu.memory_space<vmem>> -> memref<1x32x1024xf32, #tpu.memory_space<vmem>>
    %dma_start3A_318 = tpu.memref_squeeze %dma_start3A_317 : memref<1x32x1024xf32, #tpu.memory_space<vmem>> -> memref<32x1024xf32, #tpu.memory_space<vmem>>
    tpu.enqueue_dma source(%dma_start3A_318 : memref<32x1024xf32, #tpu.memory_space<vmem>>) target(%dma_start3A_314 : memref<32x1024xf32, #tpu.memory_space<hbm>>) target_semaphore(%dma_start3A_311 : memref<!tpu.dma_semaphore, #tpu.memory_space<semaphore_mem>>)
    %add3A_319 = arith.constant 32 : i32
    %add3A_320 = arith.addi %mul3A_2, %add3A_319 : i32
    %dma_start3A_321 = arith.constant 1 : i32
    %dma_start3A_322 = arith.constant 2 : i32
    %dma_start3A_323 = arith.constant 1 : i32
    %dma_start3A_324 = arith.constant 0 : i32
    %dma_start3A_325 = arith.constant 0 : i32
    %dma_start3A_326 = tpu.memref_slice %arg4[%dma_start3A_321, %dma_start3A_324, %dma_start3A_325] : memref<3x32x1024xf32, #tpu.memory_space<vmem>> -> memref<1x32x1024xf32, #tpu.memory_space<vmem>>
    %dma_start3A_327 = tpu.memref_squeeze %dma_start3A_326 : memref<1x32x1024xf32, #tpu.memory_space<vmem>> -> memref<32x1024xf32, #tpu.memory_space<vmem>>
    %dma_start3A_328 = arith.constant 0 : i32
    %dma_start3A_329 = tpu.memref_slice %arg3[%dma_start3A_322, %add3A_320, %dma_start3A_328] : memref<4x8192x1024xf32, #tpu.memory_space<hbm>> -> memref<1x32x1024xf32, #tpu.memory_space<hbm>>
    %dma_start3A_330 = tpu.memref_squeeze %dma_start3A_329 : memref<1x32x1024xf32, #tpu.memory_space<hbm>> -> memref<32x1024xf32, #tpu.memory_space<hbm>>
    %dma_start3A_331 = tpu.memref_slice %arg6[%dma_start3A_323] : memref<3x!tpu.dma_semaphore, #tpu.memory_space<semaphore_mem>> -> memref<1x!tpu.dma_semaphore, #tpu.memory_space<semaphore_mem>>
    %dma_start3A_332 = tpu.memref_squeeze %dma_start3A_331 : memref<1x!tpu.dma_semaphore, #tpu.memory_space<semaphore_mem>> -> memref<!tpu.dma_semaphore, #tpu.memory_space<semaphore_mem>>
    %dma_start3A_333 = arith.constant 0 : i32
    %dma_start3A_334 = tpu.memref_slice %arg3[%dma_start3A_322, %add3A_320, %dma_start3A_333] : memref<4x8192x1024xf32, #tpu.memory_space<hbm>> -> memref<1x32x1024xf32, #tpu.memory_space<hbm>>
    %dma_start3A_335 = tpu.memref_squeeze %dma_start3A_334 : memref<1x32x1024xf32, #tpu.memory_space<hbm>> -> memref<32x1024xf32, #tpu.memory_space<hbm>>
    %dma_start3A_336 = arith.constant 0 : i32
    %dma_start3A_337 = arith.constant 0 : i32
    %dma_start3A_338 = tpu.memref_slice %arg4[%dma_start3A_321, %dma_start3A_336, %dma_start3A_337] : memref<3x32x1024xf32, #tpu.memory_space<vmem>> -> memref<1x32x1024xf32, #tpu.memory_space<vmem>>
    %dma_start3A_339 = tpu.memref_squeeze %dma_start3A_338 : memref<1x32x1024xf32, #tpu.memory_space<vmem>> -> memref<32x1024xf32, #tpu.memory_space<vmem>>
    tpu.enqueue_dma source(%dma_start3A_339 : memref<32x1024xf32, #tpu.memory_space<vmem>>) target(%dma_start3A_335 : memref<32x1024xf32, #tpu.memory_space<hbm>>) target_semaphore(%dma_start3A_332 : memref<!tpu.dma_semaphore, #tpu.memory_space<semaphore_mem>>)
    %add3A_340 = arith.constant 32 : i32
    %add3A_341 = arith.addi %mul3A_2, %add3A_340 : i32
    %dma_start3A_342 = arith.constant 1 : i32
    %dma_start3A_343 = arith.constant 3 : i32
    %dma_start3A_344 = arith.constant 1 : i32
    %dma_start3A_345 = arith.constant 0 : i32
    %dma_start3A_346 = arith.constant 0 : i32
    %dma_start3A_347 = tpu.memref_slice %arg4[%dma_start3A_342, %dma_start3A_345, %dma_start3A_346] : memref<3x32x1024xf32, #tpu.memory_space<vmem>> -> memref<1x32x1024xf32, #tpu.memory_space<vmem>>
    %dma_start3A_348 = tpu.memref_squeeze %dma_start3A_347 : memref<1x32x1024xf32, #tpu.memory_space<vmem>> -> memref<32x1024xf32, #tpu.memory_space<vmem>>
    %dma_start3A_349 = arith.constant 0 : i32
    %dma_start3A_350 = tpu.memref_slice %arg3[%dma_start3A_343, %add3A_341, %dma_start3A_349] : memref<4x8192x1024xf32, #tpu.memory_space<hbm>> -> memref<1x32x1024xf32, #tpu.memory_space<hbm>>
    %dma_start3A_351 = tpu.memref_squeeze %dma_start3A_350 : memref<1x32x1024xf32, #tpu.memory_space<hbm>> -> memref<32x1024xf32, #tpu.memory_space<hbm>>
    %dma_start3A_352 = tpu.memref_slice %arg6[%dma_start3A_344] : memref<3x!tpu.dma_semaphore, #tpu.memory_space<semaphore_mem>> -> memref<1x!tpu.dma_semaphore, #tpu.memory_space<semaphore_mem>>
    %dma_start3A_353 = tpu.memref_squeeze %dma_start3A_352 : memref<1x!tpu.dma_semaphore, #tpu.memory_space<semaphore_mem>> -> memref<!tpu.dma_semaphore, #tpu.memory_space<semaphore_mem>>
    %dma_start3A_354 = arith.constant 0 : i32
    %dma_start3A_355 = tpu.memref_slice %arg3[%dma_start3A_343, %add3A_341, %dma_start3A_354] : memref<4x8192x1024xf32, #tpu.memory_space<hbm>> -> memref<1x32x1024xf32, #tpu.memory_space<hbm>>
    %dma_start3A_356 = tpu.memref_squeeze %dma_start3A_355 : memref<1x32x1024xf32, #tpu.memory_space<hbm>> -> memref<32x1024xf32, #tpu.memory_space<hbm>>
    %dma_start3A_357 = arith.constant 0 : i32
    %dma_start3A_358 = arith.constant 0 : i32
    %dma_start3A_359 = tpu.memref_slice %arg4[%dma_start3A_342, %dma_start3A_357, %dma_start3A_358] : memref<3x32x1024xf32, #tpu.memory_space<vmem>> -> memref<1x32x1024xf32, #tpu.memory_space<vmem>>
    %dma_start3A_360 = tpu.memref_squeeze %dma_start3A_359 : memref<1x32x1024xf32, #tpu.memory_space<vmem>> -> memref<32x1024xf32, #tpu.memory_space<vmem>>
    tpu.enqueue_dma source(%dma_start3A_360 : memref<32x1024xf32, #tpu.memory_space<vmem>>) target(%dma_start3A_356 : memref<32x1024xf32, #tpu.memory_space<hbm>>) target_semaphore(%dma_start3A_353 : memref<!tpu.dma_semaphore, #tpu.memory_space<semaphore_mem>>)
    %add3A_361 = arith.constant 32 : i32
    %add3A_362 = arith.addi %mul3A_2, %add3A_361 : i32
    %dma_wait3A_363 = arith.constant 1 : i32
    %dma_wait3A_364 = arith.constant 0 : i32
    %dma_wait3A_365 = arith.constant 1 : i32
    %dma_wait3A_366 = arith.constant 0 : i32
    %dma_wait3A_367 = arith.constant 0 : i32
    %dma_wait3A_368 = tpu.memref_slice %arg4[%dma_wait3A_363, %dma_wait3A_366, %dma_wait3A_367] : memref<3x32x1024xf32, #tpu.memory_space<vmem>> -> memref<1x32x1024xf32, #tpu.memory_space<vmem>>
    %dma_wait3A_369 = tpu.memref_squeeze %dma_wait3A_368 : memref<1x32x1024xf32, #tpu.memory_space<vmem>> -> memref<32x1024xf32, #tpu.memory_space<vmem>>
    %dma_wait3A_370 = arith.constant 0 : i32
    %dma_wait3A_371 = tpu.memref_slice %arg3[%dma_wait3A_364, %add3A_362, %dma_wait3A_370] : memref<4x8192x1024xf32, #tpu.memory_space<hbm>> -> memref<1x32x1024xf32, #tpu.memory_space<hbm>>
    %dma_wait3A_372 = tpu.memref_squeeze %dma_wait3A_371 : memref<1x32x1024xf32, #tpu.memory_space<hbm>> -> memref<32x1024xf32, #tpu.memory_space<hbm>>
    %dma_wait3A_373 = tpu.memref_slice %arg6[%dma_wait3A_365] : memref<3x!tpu.dma_semaphore, #tpu.memory_space<semaphore_mem>> -> memref<1x!tpu.dma_semaphore, #tpu.memory_space<semaphore_mem>>
    %dma_wait3A_374 = tpu.memref_squeeze %dma_wait3A_373 : memref<1x!tpu.dma_semaphore, #tpu.memory_space<semaphore_mem>> -> memref<!tpu.dma_semaphore, #tpu.memory_space<semaphore_mem>>
    %dma_wait3A_375 = arith.constant 0 : i32
    %dma_wait3A_376 = tpu.memref_slice %arg3[%dma_wait3A_364, %add3A_362, %dma_wait3A_375] : memref<4x8192x1024xf32, #tpu.memory_space<hbm>> -> memref<1x32x1024xf32, #tpu.memory_space<hbm>>
    %dma_wait3A_377 = tpu.memref_squeeze %dma_wait3A_376 : memref<1x32x1024xf32, #tpu.memory_space<hbm>> -> memref<32x1024xf32, #tpu.memory_space<hbm>>
    %dma_wait3A_378 = arith.constant 0 : i32
    %dma_wait3A_379 = arith.constant 0 : i32
    %dma_wait3A_380 = tpu.memref_slice %arg4[%dma_wait3A_363, %dma_wait3A_378, %dma_wait3A_379] : memref<3x32x1024xf32, #tpu.memory_space<vmem>> -> memref<1x32x1024xf32, #tpu.memory_space<vmem>>
    %dma_wait3A_381 = tpu.memref_squeeze %dma_wait3A_380 : memref<1x32x1024xf32, #tpu.memory_space<vmem>> -> memref<32x1024xf32, #tpu.memory_space<vmem>>
    tpu.wait_dma2 semaphore(%dma_wait3A_374 : memref<!tpu.dma_semaphore, #tpu.memory_space<semaphore_mem>>) src(%dma_wait3A_381 : memref<32x1024xf32, #tpu.memory_space<vmem>>) dst(%dma_wait3A_377 : memref<32x1024xf32, #tpu.memory_space<hbm>>)
    %add3A_382 = arith.constant 32 : i32
    %add3A_383 = arith.addi %mul3A_2, %add3A_382 : i32
    %dma_wait3A_384 = arith.constant 1 : i32
    %dma_wait3A_385 = arith.constant 1 : i32
    %dma_wait3A_386 = arith.constant 1 : i32
    %dma_wait3A_387 = arith.constant 0 : i32
    %dma_wait3A_388 = arith.constant 0 : i32
    %dma_wait3A_389 = tpu.memref_slice %arg4[%dma_wait3A_384, %dma_wait3A_387, %dma_wait3A_388] : memref<3x32x1024xf32, #tpu.memory_space<vmem>> -> memref<1x32x1024xf32, #tpu.memory_space<vmem>>
    %dma_wait3A_390 = tpu.memref_squeeze %dma_wait3A_389 : memref<1x32x1024xf32, #tpu.memory_space<vmem>> -> memref<32x1024xf32, #tpu.memory_space<vmem>>
    %dma_wait3A_391 = arith.constant 0 : i32
    %dma_wait3A_392 = tpu.memref_slice %arg3[%dma_wait3A_385, %add3A_383, %dma_wait3A_391] : memref<4x8192x1024xf32, #tpu.memory_space<hbm>> -> memref<1x32x1024xf32, #tpu.memory_space<hbm>>
    %dma_wait3A_393 = tpu.memref_squeeze %dma_wait3A_392 : memref<1x32x1024xf32, #tpu.memory_space<hbm>> -> memref<32x1024xf32, #tpu.memory_space<hbm>>
    %dma_wait3A_394 = tpu.memref_slice %arg6[%dma_wait3A_386] : memref<3x!tpu.dma_semaphore, #tpu.memory_space<semaphore_mem>> -> memref<1x!tpu.dma_semaphore, #tpu.memory_space<semaphore_mem>>
    %dma_wait3A_395 = tpu.memref_squeeze %dma_wait3A_394 : memref<1x!tpu.dma_semaphore, #tpu.memory_space<semaphore_mem>> -> memref<!tpu.dma_semaphore, #tpu.memory_space<semaphore_mem>>
    %dma_wait3A_396 = arith.constant 0 : i32
    %dma_wait3A_397 = tpu.memref_slice %arg3[%dma_wait3A_385, %add3A_383, %dma_wait3A_396] : memref<4x8192x1024xf32, #tpu.memory_space<hbm>> -> memref<1x32x1024xf32, #tpu.memory_space<hbm>>
    %dma_wait3A_398 = tpu.memref_squeeze %dma_wait3A_397 : memref<1x32x1024xf32, #tpu.memory_space<hbm>> -> memref<32x1024xf32, #tpu.memory_space<hbm>>
    %dma_wait3A_399 = arith.constant 0 : i32
    %dma_wait3A_400 = arith.constant 0 : i32
    %dma_wait3A_401 = tpu.memref_slice %arg4[%dma_wait3A_384, %dma_wait3A_399, %dma_wait3A_400] : memref<3x32x1024xf32, #tpu.memory_space<vmem>> -> memref<1x32x1024xf32, #tpu.memory_space<vmem>>
    %dma_wait3A_402 = tpu.memref_squeeze %dma_wait3A_401 : memref<1x32x1024xf32, #tpu.memory_space<vmem>> -> memref<32x1024xf32, #tpu.memory_space<vmem>>
    tpu.wait_dma2 semaphore(%dma_wait3A_395 : memref<!tpu.dma_semaphore, #tpu.memory_space<semaphore_mem>>) src(%dma_wait3A_402 : memref<32x1024xf32, #tpu.memory_space<vmem>>) dst(%dma_wait3A_398 : memref<32x1024xf32, #tpu.memory_space<hbm>>)
    %add3A_403 = arith.constant 32 : i32
    %add3A_404 = arith.addi %mul3A_2, %add3A_403 : i32
    %dma_wait3A_405 = arith.constant 1 : i32
    %dma_wait3A_406 = arith.constant 2 : i32
    %dma_wait3A_407 = arith.constant 1 : i32
    %dma_wait3A_408 = arith.constant 0 : i32
    %dma_wait3A_409 = arith.constant 0 : i32
    %dma_wait3A_410 = tpu.memref_slice %arg4[%dma_wait3A_405, %dma_wait3A_408, %dma_wait3A_409] : memref<3x32x1024xf32, #tpu.memory_space<vmem>> -> memref<1x32x1024xf32, #tpu.memory_space<vmem>>
    %dma_wait3A_411 = tpu.memref_squeeze %dma_wait3A_410 : memref<1x32x1024xf32, #tpu.memory_space<vmem>> -> memref<32x1024xf32, #tpu.memory_space<vmem>>
    %dma_wait3A_412 = arith.constant 0 : i32
    %dma_wait3A_413 = tpu.memref_slice %arg3[%dma_wait3A_406, %add3A_404, %dma_wait3A_412] : memref<4x8192x1024xf32, #tpu.memory_space<hbm>> -> memref<1x32x1024xf32, #tpu.memory_space<hbm>>
    %dma_wait3A_414 = tpu.memref_squeeze %dma_wait3A_413 : memref<1x32x1024xf32, #tpu.memory_space<hbm>> -> memref<32x1024xf32, #tpu.memory_space<hbm>>
    %dma_wait3A_415 = tpu.memref_slice %arg6[%dma_wait3A_407] : memref<3x!tpu.dma_semaphore, #tpu.memory_space<semaphore_mem>> -> memref<1x!tpu.dma_semaphore, #tpu.memory_space<semaphore_mem>>
    %dma_wait3A_416 = tpu.memref_squeeze %dma_wait3A_415 : memref<1x!tpu.dma_semaphore, #tpu.memory_space<semaphore_mem>> -> memref<!tpu.dma_semaphore, #tpu.memory_space<semaphore_mem>>
    %dma_wait3A_417 = arith.constant 0 : i32
    %dma_wait3A_418 = tpu.memref_slice %arg3[%dma_wait3A_406, %add3A_404, %dma_wait3A_417] : memref<4x8192x1024xf32, #tpu.memory_space<hbm>> -> memref<1x32x1024xf32, #tpu.memory_space<hbm>>
    %dma_wait3A_419 = tpu.memref_squeeze %dma_wait3A_418 : memref<1x32x1024xf32, #tpu.memory_space<hbm>> -> memref<32x1024xf32, #tpu.memory_space<hbm>>
    %dma_wait3A_420 = arith.constant 0 : i32
    %dma_wait3A_421 = arith.constant 0 : i32
    %dma_wait3A_422 = tpu.memref_slice %arg4[%dma_wait3A_405, %dma_wait3A_420, %dma_wait3A_421] : memref<3x32x1024xf32, #tpu.memory_space<vmem>> -> memref<1x32x1024xf32, #tpu.memory_space<vmem>>
    %dma_wait3A_423 = tpu.memref_squeeze %dma_wait3A_422 : memref<1x32x1024xf32, #tpu.memory_space<vmem>> -> memref<32x1024xf32, #tpu.memory_space<vmem>>
    tpu.wait_dma2 semaphore(%dma_wait3A_416 : memref<!tpu.dma_semaphore, #tpu.memory_space<semaphore_mem>>) src(%dma_wait3A_423 : memref<32x1024xf32, #tpu.memory_space<vmem>>) dst(%dma_wait3A_419 : memref<32x1024xf32, #tpu.memory_space<hbm>>)
    %add3A_424 = arith.constant 32 : i32
    %add3A_425 = arith.addi %mul3A_2, %add3A_424 : i32
    %dma_wait3A_426 = arith.constant 1 : i32
    %dma_wait3A_427 = arith.constant 3 : i32
    %dma_wait3A_428 = arith.constant 1 : i32
    %dma_wait3A_429 = arith.constant 0 : i32
    %dma_wait3A_430 = arith.constant 0 : i32
    %dma_wait3A_431 = tpu.memref_slice %arg4[%dma_wait3A_426, %dma_wait3A_429, %dma_wait3A_430] : memref<3x32x1024xf32, #tpu.memory_space<vmem>> -> memref<1x32x1024xf32, #tpu.memory_space<vmem>>
    %dma_wait3A_432 = tpu.memref_squeeze %dma_wait3A_431 : memref<1x32x1024xf32, #tpu.memory_space<vmem>> -> memref<32x1024xf32, #tpu.memory_space<vmem>>
    %dma_wait3A_433 = arith.constant 0 : i32
    %dma_wait3A_434 = tpu.memref_slice %arg3[%dma_wait3A_427, %add3A_425, %dma_wait3A_433] : memref<4x8192x1024xf32, #tpu.memory_space<hbm>> -> memref<1x32x1024xf32, #tpu.memory_space<hbm>>
    %dma_wait3A_435 = tpu.memref_squeeze %dma_wait3A_434 : memref<1x32x1024xf32, #tpu.memory_space<hbm>> -> memref<32x1024xf32, #tpu.memory_space<hbm>>
    %dma_wait3A_436 = tpu.memref_slice %arg6[%dma_wait3A_428] : memref<3x!tpu.dma_semaphore, #tpu.memory_space<semaphore_mem>> -> memref<1x!tpu.dma_semaphore, #tpu.memory_space<semaphore_mem>>
    %dma_wait3A_437 = tpu.memref_squeeze %dma_wait3A_436 : memref<1x!tpu.dma_semaphore, #tpu.memory_space<semaphore_mem>> -> memref<!tpu.dma_semaphore, #tpu.memory_space<semaphore_mem>>
    %dma_wait3A_438 = arith.constant 0 : i32
    %dma_wait3A_439 = tpu.memref_slice %arg3[%dma_wait3A_427, %add3A_425, %dma_wait3A_438] : memref<4x8192x1024xf32, #tpu.memory_space<hbm>> -> memref<1x32x1024xf32, #tpu.memory_space<hbm>>
    %dma_wait3A_440 = tpu.memref_squeeze %dma_wait3A_439 : memref<1x32x1024xf32, #tpu.memory_space<hbm>> -> memref<32x1024xf32, #tpu.memory_space<hbm>>
    %dma_wait3A_441 = arith.constant 0 : i32
    %dma_wait3A_442 = arith.constant 0 : i32
    %dma_wait3A_443 = tpu.memref_slice %arg4[%dma_wait3A_426, %dma_wait3A_441, %dma_wait3A_442] : memref<3x32x1024xf32, #tpu.memory_space<vmem>> -> memref<1x32x1024xf32, #tpu.memory_space<vmem>>
    %dma_wait3A_444 = tpu.memref_squeeze %dma_wait3A_443 : memref<1x32x1024xf32, #tpu.memory_space<vmem>> -> memref<32x1024xf32, #tpu.memory_space<vmem>>
    tpu.wait_dma2 semaphore(%dma_wait3A_437 : memref<!tpu.dma_semaphore, #tpu.memory_space<semaphore_mem>>) src(%dma_wait3A_444 : memref<32x1024xf32, #tpu.memory_space<vmem>>) dst(%dma_wait3A_440 : memref<32x1024xf32, #tpu.memory_space<hbm>>)
    %add3A_445 = arith.constant 128 : i32
    %add3A_446 = arith.addi %mul3A_2, %add3A_445 : i32
    %dma_start3A_447 = arith.constant 1 : i32
    %dma_start3A_448 = arith.constant 1 : i32
    %dma_start3A_449 = arith.constant 0 : i32
    %dma_start3A_450 = arith.constant 0 : i32
    %dma_start3A_451 = tpu.memref_slice %arg4[%dma_start3A_447, %dma_start3A_449, %dma_start3A_450] : memref<3x32x1024xf32, #tpu.memory_space<vmem>> -> memref<1x32x1024xf32, #tpu.memory_space<vmem>>
    %dma_start3A_452 = tpu.memref_squeeze %dma_start3A_451 : memref<1x32x1024xf32, #tpu.memory_space<vmem>> -> memref<32x1024xf32, #tpu.memory_space<vmem>>
    %dma_start3A_453 = arith.constant 0 : i32
    %dma_start3A_454 = tpu.memref_slice %arg2[%add3A_446, %dma_start3A_453] : memref<8192x1024xf32, #tpu.memory_space<hbm>> -> memref<32x1024xf32, #tpu.memory_space<hbm>>
    %dma_start3A_455 = tpu.memref_slice %arg5[%dma_start3A_448] : memref<3x!tpu.dma_semaphore, #tpu.memory_space<semaphore_mem>> -> memref<1x!tpu.dma_semaphore, #tpu.memory_space<semaphore_mem>>
    %dma_start3A_456 = tpu.memref_squeeze %dma_start3A_455 : memref<1x!tpu.dma_semaphore, #tpu.memory_space<semaphore_mem>> -> memref<!tpu.dma_semaphore, #tpu.memory_space<semaphore_mem>>
    %dma_start3A_457 = arith.constant 0 : i32
    %dma_start3A_458 = arith.constant 0 : i32
    %dma_start3A_459 = tpu.memref_slice %arg4[%dma_start3A_447, %dma_start3A_457, %dma_start3A_458] : memref<3x32x1024xf32, #tpu.memory_space<vmem>> -> memref<1x32x1024xf32, #tpu.memory_space<vmem>>
    %dma_start3A_460 = tpu.memref_squeeze %dma_start3A_459 : memref<1x32x1024xf32, #tpu.memory_space<vmem>> -> memref<32x1024xf32, #tpu.memory_space<vmem>>
    %dma_start3A_461 = arith.constant 0 : i32
    %dma_start3A_462 = tpu.memref_slice %arg2[%add3A_446, %dma_start3A_461] : memref<8192x1024xf32, #tpu.memory_space<hbm>> -> memref<32x1024xf32, #tpu.memory_space<hbm>>
    tpu.enqueue_dma source(%dma_start3A_462 : memref<32x1024xf32, #tpu.memory_space<hbm>>) target(%dma_start3A_460 : memref<32x1024xf32, #tpu.memory_space<vmem>>) target_semaphore(%dma_start3A_456 : memref<!tpu.dma_semaphore, #tpu.memory_space<semaphore_mem>>)
    %add3A_463 = arith.constant 64 : i32
    %add3A_464 = arith.addi %mul3A_2, %add3A_463 : i32
    %dma_wait3A_465 = arith.constant 2 : i32
    %dma_wait3A_466 = arith.constant 2 : i32
    %dma_wait3A_467 = arith.constant 0 : i32
    %dma_wait3A_468 = arith.constant 0 : i32
    %dma_wait3A_469 = tpu.memref_slice %arg4[%dma_wait3A_465, %dma_wait3A_467, %dma_wait3A_468] : memref<3x32x1024xf32, #tpu.memory_space<vmem>> -> memref<1x32x1024xf32, #tpu.memory_space<vmem>>
    %dma_wait3A_470 = tpu.memref_squeeze %dma_wait3A_469 : memref<1x32x1024xf32, #tpu.memory_space<vmem>> -> memref<32x1024xf32, #tpu.memory_space<vmem>>
    %dma_wait3A_471 = arith.constant 0 : i32
    %dma_wait3A_472 = tpu.memref_slice %arg2[%add3A_464, %dma_wait3A_471] : memref<8192x1024xf32, #tpu.memory_space<hbm>> -> memref<32x1024xf32, #tpu.memory_space<hbm>>
    %dma_wait3A_473 = tpu.memref_slice %arg5[%dma_wait3A_466] : memref<3x!tpu.dma_semaphore, #tpu.memory_space<semaphore_mem>> -> memref<1x!tpu.dma_semaphore, #tpu.memory_space<semaphore_mem>>
    %dma_wait3A_474 = tpu.memref_squeeze %dma_wait3A_473 : memref<1x!tpu.dma_semaphore, #tpu.memory_space<semaphore_mem>> -> memref<!tpu.dma_semaphore, #tpu.memory_space<semaphore_mem>>
    %dma_wait3A_475 = arith.constant 0 : i32
    %dma_wait3A_476 = arith.constant 0 : i32
    %dma_wait3A_477 = tpu.memref_slice %arg4[%dma_wait3A_465, %dma_wait3A_475, %dma_wait3A_476] : memref<3x32x1024xf32, #tpu.memory_space<vmem>> -> memref<1x32x1024xf32, #tpu.memory_space<vmem>>
    %dma_wait3A_478 = tpu.memref_squeeze %dma_wait3A_477 : memref<1x32x1024xf32, #tpu.memory_space<vmem>> -> memref<32x1024xf32, #tpu.memory_space<vmem>>
    %dma_wait3A_479 = arith.constant 0 : i32
    %dma_wait3A_480 = tpu.memref_slice %arg2[%add3A_464, %dma_wait3A_479] : memref<8192x1024xf32, #tpu.memory_space<hbm>> -> memref<32x1024xf32, #tpu.memory_space<hbm>>
    tpu.wait_dma2 semaphore(%dma_wait3A_474 : memref<!tpu.dma_semaphore, #tpu.memory_space<semaphore_mem>>) src(%dma_wait3A_480 : memref<32x1024xf32, #tpu.memory_space<hbm>>) dst(%dma_wait3A_478 : memref<32x1024xf32, #tpu.memory_space<vmem>>)
    %add3A_481 = arith.constant 64 : i32
    %add3A_482 = arith.addi %mul3A_2, %add3A_481 : i32
    %dma_start3A_483 = arith.constant 2 : i32
    %dma_start3A_484 = arith.constant 0 : i32
    %dma_start3A_485 = arith.constant 2 : i32
    %dma_start3A_486 = arith.constant 0 : i32
    %dma_start3A_487 = arith.constant 0 : i32
    %dma_start3A_488 = tpu.memref_slice %arg4[%dma_start3A_483, %dma_start3A_486, %dma_start3A_487] : memref<3x32x1024xf32, #tpu.memory_space<vmem>> -> memref<1x32x1024xf32, #tpu.memory_space<vmem>>
    %dma_start3A_489 = tpu.memref_squeeze %dma_start3A_488 : memref<1x32x1024xf32, #tpu.memory_space<vmem>> -> memref<32x1024xf32, #tpu.memory_space<vmem>>
    %dma_start3A_490 = arith.constant 0 : i32
    %dma_start3A_491 = tpu.memref_slice %arg3[%dma_start3A_484, %add3A_482, %dma_start3A_490] : memref<4x8192x1024xf32, #tpu.memory_space<hbm>> -> memref<1x32x1024xf32, #tpu.memory_space<hbm>>
    %dma_start3A_492 = tpu.memref_squeeze %dma_start3A_491 : memref<1x32x1024xf32, #tpu.memory_space<hbm>> -> memref<32x1024xf32, #tpu.memory_space<hbm>>
    %dma_start3A_493 = tpu.memref_slice %arg6[%dma_start3A_485] : memref<3x!tpu.dma_semaphore, #tpu.memory_space<semaphore_mem>> -> memref<1x!tpu.dma_semaphore, #tpu.memory_space<semaphore_mem>>
    %dma_start3A_494 = tpu.memref_squeeze %dma_start3A_493 : memref<1x!tpu.dma_semaphore, #tpu.memory_space<semaphore_mem>> -> memref<!tpu.dma_semaphore, #tpu.memory_space<semaphore_mem>>
    %dma_start3A_495 = arith.constant 0 : i32
    %dma_start3A_496 = tpu.memref_slice %arg3[%dma_start3A_484, %add3A_482, %dma_start3A_495] : memref<4x8192x1024xf32, #tpu.memory_space<hbm>> -> memref<1x32x1024xf32, #tpu.memory_space<hbm>>
    %dma_start3A_497 = tpu.memref_squeeze %dma_start3A_496 : memref<1x32x1024xf32, #tpu.memory_space<hbm>> -> memref<32x1024xf32, #tpu.memory_space<hbm>>
    %dma_start3A_498 = arith.constant 0 : i32
    %dma_start3A_499 = arith.constant 0 : i32
    %dma_start3A_500 = tpu.memref_slice %arg4[%dma_start3A_483, %dma_start3A_498, %dma_start3A_499] : memref<3x32x1024xf32, #tpu.memory_space<vmem>> -> memref<1x32x1024xf32, #tpu.memory_space<vmem>>
    %dma_start3A_501 = tpu.memref_squeeze %dma_start3A_500 : memref<1x32x1024xf32, #tpu.memory_space<vmem>> -> memref<32x1024xf32, #tpu.memory_space<vmem>>
    tpu.enqueue_dma source(%dma_start3A_501 : memref<32x1024xf32, #tpu.memory_space<vmem>>) target(%dma_start3A_497 : memref<32x1024xf32, #tpu.memory_space<hbm>>) target_semaphore(%dma_start3A_494 : memref<!tpu.dma_semaphore, #tpu.memory_space<semaphore_mem>>)
    %add3A_502 = arith.constant 64 : i32
    %add3A_503 = arith.addi %mul3A_2, %add3A_502 : i32
    %dma_start3A_504 = arith.constant 2 : i32
    %dma_start3A_505 = arith.constant 1 : i32
    %dma_start3A_506 = arith.constant 2 : i32
    %dma_start3A_507 = arith.constant 0 : i32
    %dma_start3A_508 = arith.constant 0 : i32
    %dma_start3A_509 = tpu.memref_slice %arg4[%dma_start3A_504, %dma_start3A_507, %dma_start3A_508] : memref<3x32x1024xf32, #tpu.memory_space<vmem>> -> memref<1x32x1024xf32, #tpu.memory_space<vmem>>
    %dma_start3A_510 = tpu.memref_squeeze %dma_start3A_509 : memref<1x32x1024xf32, #tpu.memory_space<vmem>> -> memref<32x1024xf32, #tpu.memory_space<vmem>>
    %dma_start3A_511 = arith.constant 0 : i32
    %dma_start3A_512 = tpu.memref_slice %arg3[%dma_start3A_505, %add3A_503, %dma_start3A_511] : memref<4x8192x1024xf32, #tpu.memory_space<hbm>> -> memref<1x32x1024xf32, #tpu.memory_space<hbm>>
    %dma_start3A_513 = tpu.memref_squeeze %dma_start3A_512 : memref<1x32x1024xf32, #tpu.memory_space<hbm>> -> memref<32x1024xf32, #tpu.memory_space<hbm>>
    %dma_start3A_514 = tpu.memref_slice %arg6[%dma_start3A_506] : memref<3x!tpu.dma_semaphore, #tpu.memory_space<semaphore_mem>> -> memref<1x!tpu.dma_semaphore, #tpu.memory_space<semaphore_mem>>
    %dma_start3A_515 = tpu.memref_squeeze %dma_start3A_514 : memref<1x!tpu.dma_semaphore, #tpu.memory_space<semaphore_mem>> -> memref<!tpu.dma_semaphore, #tpu.memory_space<semaphore_mem>>
    %dma_start3A_516 = arith.constant 0 : i32
    %dma_start3A_517 = tpu.memref_slice %arg3[%dma_start3A_505, %add3A_503, %dma_start3A_516] : memref<4x8192x1024xf32, #tpu.memory_space<hbm>> -> memref<1x32x1024xf32, #tpu.memory_space<hbm>>
    %dma_start3A_518 = tpu.memref_squeeze %dma_start3A_517 : memref<1x32x1024xf32, #tpu.memory_space<hbm>> -> memref<32x1024xf32, #tpu.memory_space<hbm>>
    %dma_start3A_519 = arith.constant 0 : i32
    %dma_start3A_520 = arith.constant 0 : i32
    %dma_start3A_521 = tpu.memref_slice %arg4[%dma_start3A_504, %dma_start3A_519, %dma_start3A_520] : memref<3x32x1024xf32, #tpu.memory_space<vmem>> -> memref<1x32x1024xf32, #tpu.memory_space<vmem>>
    %dma_start3A_522 = tpu.memref_squeeze %dma_start3A_521 : memref<1x32x1024xf32, #tpu.memory_space<vmem>> -> memref<32x1024xf32, #tpu.memory_space<vmem>>
    tpu.enqueue_dma source(%dma_start3A_522 : memref<32x1024xf32, #tpu.memory_space<vmem>>) target(%dma_start3A_518 : memref<32x1024xf32, #tpu.memory_space<hbm>>) target_semaphore(%dma_start3A_515 : memref<!tpu.dma_semaphore, #tpu.memory_space<semaphore_mem>>)
    %add3A_523 = arith.constant 64 : i32
    %add3A_524 = arith.addi %mul3A_2, %add3A_523 : i32
    %dma_start3A_525 = arith.constant 2 : i32
    %dma_start3A_526 = arith.constant 2 : i32
    %dma_start3A_527 = arith.constant 2 : i32
    %dma_start3A_528 = arith.constant 0 : i32
    %dma_start3A_529 = arith.constant 0 : i32
    %dma_start3A_530 = tpu.memref_slice %arg4[%dma_start3A_525, %dma_start3A_528, %dma_start3A_529] : memref<3x32x1024xf32, #tpu.memory_space<vmem>> -> memref<1x32x1024xf32, #tpu.memory_space<vmem>>
    %dma_start3A_531 = tpu.memref_squeeze %dma_start3A_530 : memref<1x32x1024xf32, #tpu.memory_space<vmem>> -> memref<32x1024xf32, #tpu.memory_space<vmem>>
    %dma_start3A_532 = arith.constant 0 : i32
    %dma_start3A_533 = tpu.memref_slice %arg3[%dma_start3A_526, %add3A_524, %dma_start3A_532] : memref<4x8192x1024xf32, #tpu.memory_space<hbm>> -> memref<1x32x1024xf32, #tpu.memory_space<hbm>>
    %dma_start3A_534 = tpu.memref_squeeze %dma_start3A_533 : memref<1x32x1024xf32, #tpu.memory_space<hbm>> -> memref<32x1024xf32, #tpu.memory_space<hbm>>
    %dma_start3A_535 = tpu.memref_slice %arg6[%dma_start3A_527] : memref<3x!tpu.dma_semaphore, #tpu.memory_space<semaphore_mem>> -> memref<1x!tpu.dma_semaphore, #tpu.memory_space<semaphore_mem>>
    %dma_start3A_536 = tpu.memref_squeeze %dma_start3A_535 : memref<1x!tpu.dma_semaphore, #tpu.memory_space<semaphore_mem>> -> memref<!tpu.dma_semaphore, #tpu.memory_space<semaphore_mem>>
    %dma_start3A_537 = arith.constant 0 : i32
    %dma_start3A_538 = tpu.memref_slice %arg3[%dma_start3A_526, %add3A_524, %dma_start3A_537] : memref<4x8192x1024xf32, #tpu.memory_space<hbm>> -> memref<1x32x1024xf32, #tpu.memory_space<hbm>>
    %dma_start3A_539 = tpu.memref_squeeze %dma_start3A_538 : memref<1x32x1024xf32, #tpu.memory_space<hbm>> -> memref<32x1024xf32, #tpu.memory_space<hbm>>
    %dma_start3A_540 = arith.constant 0 : i32
    %dma_start3A_541 = arith.constant 0 : i32
    %dma_start3A_542 = tpu.memref_slice %arg4[%dma_start3A_525, %dma_start3A_540, %dma_start3A_541] : memref<3x32x1024xf32, #tpu.memory_space<vmem>> -> memref<1x32x1024xf32, #tpu.memory_space<vmem>>
    %dma_start3A_543 = tpu.memref_squeeze %dma_start3A_542 : memref<1x32x1024xf32, #tpu.memory_space<vmem>> -> memref<32x1024xf32, #tpu.memory_space<vmem>>
    tpu.enqueue_dma source(%dma_start3A_543 : memref<32x1024xf32, #tpu.memory_space<vmem>>) target(%dma_start3A_539 : memref<32x1024xf32, #tpu.memory_space<hbm>>) target_semaphore(%dma_start3A_536 : memref<!tpu.dma_semaphore, #tpu.memory_space<semaphore_mem>>)
    %add3A_544 = arith.constant 64 : i32
    %add3A_545 = arith.addi %mul3A_2, %add3A_544 : i32
    %dma_start3A_546 = arith.constant 2 : i32
    %dma_start3A_547 = arith.constant 3 : i32
    %dma_start3A_548 = arith.constant 2 : i32
    %dma_start3A_549 = arith.constant 0 : i32
    %dma_start3A_550 = arith.constant 0 : i32
    %dma_start3A_551 = tpu.memref_slice %arg4[%dma_start3A_546, %dma_start3A_549, %dma_start3A_550] : memref<3x32x1024xf32, #tpu.memory_space<vmem>> -> memref<1x32x1024xf32, #tpu.memory_space<vmem>>
    %dma_start3A_552 = tpu.memref_squeeze %dma_start3A_551 : memref<1x32x1024xf32, #tpu.memory_space<vmem>> -> memref<32x1024xf32, #tpu.memory_space<vmem>>
    %dma_start3A_553 = arith.constant 0 : i32
    %dma_start3A_554 = tpu.memref_slice %arg3[%dma_start3A_547, %add3A_545, %dma_start3A_553] : memref<4x8192x1024xf32, #tpu.memory_space<hbm>> -> memref<1x32x1024xf32, #tpu.memory_space<hbm>>
    %dma_start3A_555 = tpu.memref_squeeze %dma_start3A_554 : memref<1x32x1024xf32, #tpu.memory_space<hbm>> -> memref<32x1024xf32, #tpu.memory_space<hbm>>
    %dma_start3A_556 = tpu.memref_slice %arg6[%dma_start3A_548] : memref<3x!tpu.dma_semaphore, #tpu.memory_space<semaphore_mem>> -> memref<1x!tpu.dma_semaphore, #tpu.memory_space<semaphore_mem>>
    %dma_start3A_557 = tpu.memref_squeeze %dma_start3A_556 : memref<1x!tpu.dma_semaphore, #tpu.memory_space<semaphore_mem>> -> memref<!tpu.dma_semaphore, #tpu.memory_space<semaphore_mem>>
    %dma_start3A_558 = arith.constant 0 : i32
    %dma_start3A_559 = tpu.memref_slice %arg3[%dma_start3A_547, %add3A_545, %dma_start3A_558] : memref<4x8192x1024xf32, #tpu.memory_space<hbm>> -> memref<1x32x1024xf32, #tpu.memory_space<hbm>>
    %dma_start3A_560 = tpu.memref_squeeze %dma_start3A_559 : memref<1x32x1024xf32, #tpu.memory_space<hbm>> -> memref<32x1024xf32, #tpu.memory_space<hbm>>
    %dma_start3A_561 = arith.constant 0 : i32
    %dma_start3A_562 = arith.constant 0 : i32
    %dma_start3A_563 = tpu.memref_slice %arg4[%dma_start3A_546, %dma_start3A_561, %dma_start3A_562] : memref<3x32x1024xf32, #tpu.memory_space<vmem>> -> memref<1x32x1024xf32, #tpu.memory_space<vmem>>
    %dma_start3A_564 = tpu.memref_squeeze %dma_start3A_563 : memref<1x32x1024xf32, #tpu.memory_space<vmem>> -> memref<32x1024xf32, #tpu.memory_space<vmem>>
    tpu.enqueue_dma source(%dma_start3A_564 : memref<32x1024xf32, #tpu.memory_space<vmem>>) target(%dma_start3A_560 : memref<32x1024xf32, #tpu.memory_space<hbm>>) target_semaphore(%dma_start3A_557 : memref<!tpu.dma_semaphore, #tpu.memory_space<semaphore_mem>>)
    %add3A_565 = arith.constant 64 : i32
    %add3A_566 = arith.addi %mul3A_2, %add3A_565 : i32
    %dma_wait3A_567 = arith.constant 2 : i32
    %dma_wait3A_568 = arith.constant 0 : i32
    %dma_wait3A_569 = arith.constant 2 : i32
    %dma_wait3A_570 = arith.constant 0 : i32
    %dma_wait3A_571 = arith.constant 0 : i32
    %dma_wait3A_572 = tpu.memref_slice %arg4[%dma_wait3A_567, %dma_wait3A_570, %dma_wait3A_571] : memref<3x32x1024xf32, #tpu.memory_space<vmem>> -> memref<1x32x1024xf32, #tpu.memory_space<vmem>>
    %dma_wait3A_573 = tpu.memref_squeeze %dma_wait3A_572 : memref<1x32x1024xf32, #tpu.memory_space<vmem>> -> memref<32x1024xf32, #tpu.memory_space<vmem>>
    %dma_wait3A_574 = arith.constant 0 : i32
    %dma_wait3A_575 = tpu.memref_slice %arg3[%dma_wait3A_568, %add3A_566, %dma_wait3A_574] : memref<4x8192x1024xf32, #tpu.memory_space<hbm>> -> memref<1x32x1024xf32, #tpu.memory_space<hbm>>
    %dma_wait3A_576 = tpu.memref_squeeze %dma_wait3A_575 : memref<1x32x1024xf32, #tpu.memory_space<hbm>> -> memref<32x1024xf32, #tpu.memory_space<hbm>>
    %dma_wait3A_577 = tpu.memref_slice %arg6[%dma_wait3A_569] : memref<3x!tpu.dma_semaphore, #tpu.memory_space<semaphore_mem>> -> memref<1x!tpu.dma_semaphore, #tpu.memory_space<semaphore_mem>>
    %dma_wait3A_578 = tpu.memref_squeeze %dma_wait3A_577 : memref<1x!tpu.dma_semaphore, #tpu.memory_space<semaphore_mem>> -> memref<!tpu.dma_semaphore, #tpu.memory_space<semaphore_mem>>
    %dma_wait3A_579 = arith.constant 0 : i32
    %dma_wait3A_580 = tpu.memref_slice %arg3[%dma_wait3A_568, %add3A_566, %dma_wait3A_579] : memref<4x8192x1024xf32, #tpu.memory_space<hbm>> -> memref<1x32x1024xf32, #tpu.memory_space<hbm>>
    %dma_wait3A_581 = tpu.memref_squeeze %dma_wait3A_580 : memref<1x32x1024xf32, #tpu.memory_space<hbm>> -> memref<32x1024xf32, #tpu.memory_space<hbm>>
    %dma_wait3A_582 = arith.constant 0 : i32
    %dma_wait3A_583 = arith.constant 0 : i32
    %dma_wait3A_584 = tpu.memref_slice %arg4[%dma_wait3A_567, %dma_wait3A_582, %dma_wait3A_583] : memref<3x32x1024xf32, #tpu.memory_space<vmem>> -> memref<1x32x1024xf32, #tpu.memory_space<vmem>>
    %dma_wait3A_585 = tpu.memref_squeeze %dma_wait3A_584 : memref<1x32x1024xf32, #tpu.memory_space<vmem>> -> memref<32x1024xf32, #tpu.memory_space<vmem>>
    tpu.wait_dma2 semaphore(%dma_wait3A_578 : memref<!tpu.dma_semaphore, #tpu.memory_space<semaphore_mem>>) src(%dma_wait3A_585 : memref<32x1024xf32, #tpu.memory_space<vmem>>) dst(%dma_wait3A_581 : memref<32x1024xf32, #tpu.memory_space<hbm>>)
    %add3A_586 = arith.constant 64 : i32
    %add3A_587 = arith.addi %mul3A_2, %add3A_586 : i32
    %dma_wait3A_588 = arith.constant 2 : i32
    %dma_wait3A_589 = arith.constant 1 : i32
    %dma_wait3A_590 = arith.constant 2 : i32
    %dma_wait3A_591 = arith.constant 0 : i32
    %dma_wait3A_592 = arith.constant 0 : i32
    %dma_wait3A_593 = tpu.memref_slice %arg4[%dma_wait3A_588, %dma_wait3A_591, %dma_wait3A_592] : memref<3x32x1024xf32, #tpu.memory_space<vmem>> -> memref<1x32x1024xf32, #tpu.memory_space<vmem>>
    %dma_wait3A_594 = tpu.memref_squeeze %dma_wait3A_593 : memref<1x32x1024xf32, #tpu.memory_space<vmem>> -> memref<32x1024xf32, #tpu.memory_space<vmem>>
    %dma_wait3A_595 = arith.constant 0 : i32
    %dma_wait3A_596 = tpu.memref_slice %arg3[%dma_wait3A_589, %add3A_587, %dma_wait3A_595] : memref<4x8192x1024xf32, #tpu.memory_space<hbm>> -> memref<1x32x1024xf32, #tpu.memory_space<hbm>>
    %dma_wait3A_597 = tpu.memref_squeeze %dma_wait3A_596 : memref<1x32x1024xf32, #tpu.memory_space<hbm>> -> memref<32x1024xf32, #tpu.memory_space<hbm>>
    %dma_wait3A_598 = tpu.memref_slice %arg6[%dma_wait3A_590] : memref<3x!tpu.dma_semaphore, #tpu.memory_space<semaphore_mem>> -> memref<1x!tpu.dma_semaphore, #tpu.memory_space<semaphore_mem>>
    %dma_wait3A_599 = tpu.memref_squeeze %dma_wait3A_598 : memref<1x!tpu.dma_semaphore, #tpu.memory_space<semaphore_mem>> -> memref<!tpu.dma_semaphore, #tpu.memory_space<semaphore_mem>>
    %dma_wait3A_600 = arith.constant 0 : i32
    %dma_wait3A_601 = tpu.memref_slice %arg3[%dma_wait3A_589, %add3A_587, %dma_wait3A_600] : memref<4x8192x1024xf32, #tpu.memory_space<hbm>> -> memref<1x32x1024xf32, #tpu.memory_space<hbm>>
    %dma_wait3A_602 = tpu.memref_squeeze %dma_wait3A_601 : memref<1x32x1024xf32, #tpu.memory_space<hbm>> -> memref<32x1024xf32, #tpu.memory_space<hbm>>
    %dma_wait3A_603 = arith.constant 0 : i32
    %dma_wait3A_604 = arith.constant 0 : i32
    %dma_wait3A_605 = tpu.memref_slice %arg4[%dma_wait3A_588, %dma_wait3A_603, %dma_wait3A_604] : memref<3x32x1024xf32, #tpu.memory_space<vmem>> -> memref<1x32x1024xf32, #tpu.memory_space<vmem>>
    %dma_wait3A_606 = tpu.memref_squeeze %dma_wait3A_605 : memref<1x32x1024xf32, #tpu.memory_space<vmem>> -> memref<32x1024xf32, #tpu.memory_space<vmem>>
    tpu.wait_dma2 semaphore(%dma_wait3A_599 : memref<!tpu.dma_semaphore, #tpu.memory_space<semaphore_mem>>) src(%dma_wait3A_606 : memref<32x1024xf32, #tpu.memory_space<vmem>>) dst(%dma_wait3A_602 : memref<32x1024xf32, #tpu.memory_space<hbm>>)
    %add3A_607 = arith.constant 64 : i32
    %add3A_608 = arith.addi %mul3A_2, %add3A_607 : i32
    %dma_wait3A_609 = arith.constant 2 : i32
    %dma_wait3A_610 = arith.constant 2 : i32
    %dma_wait3A_611 = arith.constant 2 : i32
    %dma_wait3A_612 = arith.constant 0 : i32
    %dma_wait3A_613 = arith.constant 0 : i32
    %dma_wait3A_614 = tpu.memref_slice %arg4[%dma_wait3A_609, %dma_wait3A_612, %dma_wait3A_613] : memref<3x32x1024xf32, #tpu.memory_space<vmem>> -> memref<1x32x1024xf32, #tpu.memory_space<vmem>>
    %dma_wait3A_615 = tpu.memref_squeeze %dma_wait3A_614 : memref<1x32x1024xf32, #tpu.memory_space<vmem>> -> memref<32x1024xf32, #tpu.memory_space<vmem>>
    %dma_wait3A_616 = arith.constant 0 : i32
    %dma_wait3A_617 = tpu.memref_slice %arg3[%dma_wait3A_610, %add3A_608, %dma_wait3A_616] : memref<4x8192x1024xf32, #tpu.memory_space<hbm>> -> memref<1x32x1024xf32, #tpu.memory_space<hbm>>
    %dma_wait3A_618 = tpu.memref_squeeze %dma_wait3A_617 : memref<1x32x1024xf32, #tpu.memory_space<hbm>> -> memref<32x1024xf32, #tpu.memory_space<hbm>>
    %dma_wait3A_619 = tpu.memref_slice %arg6[%dma_wait3A_611] : memref<3x!tpu.dma_semaphore, #tpu.memory_space<semaphore_mem>> -> memref<1x!tpu.dma_semaphore, #tpu.memory_space<semaphore_mem>>
    %dma_wait3A_620 = tpu.memref_squeeze %dma_wait3A_619 : memref<1x!tpu.dma_semaphore, #tpu.memory_space<semaphore_mem>> -> memref<!tpu.dma_semaphore, #tpu.memory_space<semaphore_mem>>
    %dma_wait3A_621 = arith.constant 0 : i32
    %dma_wait3A_622 = tpu.memref_slice %arg3[%dma_wait3A_610, %add3A_608, %dma_wait3A_621] : memref<4x8192x1024xf32, #tpu.memory_space<hbm>> -> memref<1x32x1024xf32, #tpu.memory_space<hbm>>
    %dma_wait3A_623 = tpu.memref_squeeze %dma_wait3A_622 : memref<1x32x1024xf32, #tpu.memory_space<hbm>> -> memref<32x1024xf32, #tpu.memory_space<hbm>>
    %dma_wait3A_624 = arith.constant 0 : i32
    %dma_wait3A_625 = arith.constant 0 : i32
    %dma_wait3A_626 = tpu.memref_slice %arg4[%dma_wait3A_609, %dma_wait3A_624, %dma_wait3A_625] : memref<3x32x1024xf32, #tpu.memory_space<vmem>> -> memref<1x32x1024xf32, #tpu.memory_space<vmem>>
    %dma_wait3A_627 = tpu.memref_squeeze %dma_wait3A_626 : memref<1x32x1024xf32, #tpu.memory_space<vmem>> -> memref<32x1024xf32, #tpu.memory_space<vmem>>
    tpu.wait_dma2 semaphore(%dma_wait3A_620 : memref<!tpu.dma_semaphore, #tpu.memory_space<semaphore_mem>>) src(%dma_wait3A_627 : memref<32x1024xf32, #tpu.memory_space<vmem>>) dst(%dma_wait3A_623 : memref<32x1024xf32, #tpu.memory_space<hbm>>)
    %add3A_628 = arith.constant 64 : i32
    %add3A_629 = arith.addi %mul3A_2, %add3A_628 : i32
    %dma_wait3A_630 = arith.constant 2 : i32
    %dma_wait3A_631 = arith.constant 3 : i32
    %dma_wait3A_632 = arith.constant 2 : i32
    %dma_wait3A_633 = arith.constant 0 : i32
    %dma_wait3A_634 = arith.constant 0 : i32
    %dma_wait3A_635 = tpu.memref_slice %arg4[%dma_wait3A_630, %dma_wait3A_633, %dma_wait3A_634] : memref<3x32x1024xf32, #tpu.memory_space<vmem>> -> memref<1x32x1024xf32, #tpu.memory_space<vmem>>
    %dma_wait3A_636 = tpu.memref_squeeze %dma_wait3A_635 : memref<1x32x1024xf32, #tpu.memory_space<vmem>> -> memref<32x1024xf32, #tpu.memory_space<vmem>>
    %dma_wait3A_637 = arith.constant 0 : i32
    %dma_wait3A_638 = tpu.memref_slice %arg3[%dma_wait3A_631, %add3A_629, %dma_wait3A_637] : memref<4x8192x1024xf32, #tpu.memory_space<hbm>> -> memref<1x32x1024xf32, #tpu.memory_space<hbm>>
    %dma_wait3A_639 = tpu.memref_squeeze %dma_wait3A_638 : memref<1x32x1024xf32, #tpu.memory_space<hbm>> -> memref<32x1024xf32, #tpu.memory_space<hbm>>
    %dma_wait3A_640 = tpu.memref_slice %arg6[%dma_wait3A_632] : memref<3x!tpu.dma_semaphore, #tpu.memory_space<semaphore_mem>> -> memref<1x!tpu.dma_semaphore, #tpu.memory_space<semaphore_mem>>
    %dma_wait3A_641 = tpu.memref_squeeze %dma_wait3A_640 : memref<1x!tpu.dma_semaphore, #tpu.memory_space<semaphore_mem>> -> memref<!tpu.dma_semaphore, #tpu.memory_space<semaphore_mem>>
    %dma_wait3A_642 = arith.constant 0 : i32
    %dma_wait3A_643 = tpu.memref_slice %arg3[%dma_wait3A_631, %add3A_629, %dma_wait3A_642] : memref<4x8192x1024xf32, #tpu.memory_space<hbm>> -> memref<1x32x1024xf32, #tpu.memory_space<hbm>>
    %dma_wait3A_644 = tpu.memref_squeeze %dma_wait3A_643 : memref<1x32x1024xf32, #tpu.memory_space<hbm>> -> memref<32x1024xf32, #tpu.memory_space<hbm>>
    %dma_wait3A_645 = arith.constant 0 : i32
    %dma_wait3A_646 = arith.constant 0 : i32
    %dma_wait3A_647 = tpu.memref_slice %arg4[%dma_wait3A_630, %dma_wait3A_645, %dma_wait3A_646] : memref<3x32x1024xf32, #tpu.memory_space<vmem>> -> memref<1x32x1024xf32, #tpu.memory_space<vmem>>
    %dma_wait3A_648 = tpu.memref_squeeze %dma_wait3A_647 : memref<1x32x1024xf32, #tpu.memory_space<vmem>> -> memref<32x1024xf32, #tpu.memory_space<vmem>>
    tpu.wait_dma2 semaphore(%dma_wait3A_641 : memref<!tpu.dma_semaphore, #tpu.memory_space<semaphore_mem>>) src(%dma_wait3A_648 : memref<32x1024xf32, #tpu.memory_space<vmem>>) dst(%dma_wait3A_644 : memref<32x1024xf32, #tpu.memory_space<hbm>>)
    %add3A_649 = arith.constant 160 : i32
    %add3A_650 = arith.addi %mul3A_2, %add3A_649 : i32
    %dma_start3A_651 = arith.constant 2 : i32
    %dma_start3A_652 = arith.constant 2 : i32
    %dma_start3A_653 = arith.constant 0 : i32
    %dma_start3A_654 = arith.constant 0 : i32
    %dma_start3A_655 = tpu.memref_slice %arg4[%dma_start3A_651, %dma_start3A_653, %dma_start3A_654] : memref<3x32x1024xf32, #tpu.memory_space<vmem>> -> memref<1x32x1024xf32, #tpu.memory_space<vmem>>
    %dma_start3A_656 = tpu.memref_squeeze %dma_start3A_655 : memref<1x32x1024xf32, #tpu.memory_space<vmem>> -> memref<32x1024xf32, #tpu.memory_space<vmem>>
    %dma_start3A_657 = arith.constant 0 : i32
    %dma_start3A_658 = tpu.memref_slice %arg2[%add3A_650, %dma_start3A_657] : memref<8192x1024xf32, #tpu.memory_space<hbm>> -> memref<32x1024xf32, #tpu.memory_space<hbm>>
    %dma_start3A_659 = tpu.memref_slice %arg5[%dma_start3A_652] : memref<3x!tpu.dma_semaphore, #tpu.memory_space<semaphore_mem>> -> memref<1x!tpu.dma_semaphore, #tpu.memory_space<semaphore_mem>>
    %dma_start3A_660 = tpu.memref_squeeze %dma_start3A_659 : memref<1x!tpu.dma_semaphore, #tpu.memory_space<semaphore_mem>> -> memref<!tpu.dma_semaphore, #tpu.memory_space<semaphore_mem>>
    %dma_start3A_661 = arith.constant 0 : i32
    %dma_start3A_662 = arith.constant 0 : i32
    %dma_start3A_663 = tpu.memref_slice %arg4[%dma_start3A_651, %dma_start3A_661, %dma_start3A_662] : memref<3x32x1024xf32, #tpu.memory_space<vmem>> -> memref<1x32x1024xf32, #tpu.memory_space<vmem>>
    %dma_start3A_664 = tpu.memref_squeeze %dma_start3A_663 : memref<1x32x1024xf32, #tpu.memory_space<vmem>> -> memref<32x1024xf32, #tpu.memory_space<vmem>>
    %dma_start3A_665 = arith.constant 0 : i32
    %dma_start3A_666 = tpu.memref_slice %arg2[%add3A_650, %dma_start3A_665] : memref<8192x1024xf32, #tpu.memory_space<hbm>> -> memref<32x1024xf32, #tpu.memory_space<hbm>>
    tpu.enqueue_dma source(%dma_start3A_666 : memref<32x1024xf32, #tpu.memory_space<hbm>>) target(%dma_start3A_664 : memref<32x1024xf32, #tpu.memory_space<vmem>>) target_semaphore(%dma_start3A_660 : memref<!tpu.dma_semaphore, #tpu.memory_space<semaphore_mem>>)
    %add3A_667 = arith.constant 96 : i32
    %add3A_668 = arith.addi %mul3A_2, %add3A_667 : i32
    %dma_wait3A_669 = arith.constant 0 : i32
    %dma_wait3A_670 = arith.constant 0 : i32
    %dma_wait3A_671 = arith.constant 0 : i32
    %dma_wait3A_672 = arith.constant 0 : i32
    %dma_wait3A_673 = tpu.memref_slice %arg4[%dma_wait3A_669, %dma_wait3A_671, %dma_wait3A_672] : memref<3x32x1024xf32, #tpu.memory_space<vmem>> -> memref<1x32x1024xf32, #tpu.memory_space<vmem>>
    %dma_wait3A_674 = tpu.memref_squeeze %dma_wait3A_673 : memref<1x32x1024xf32, #tpu.memory_space<vmem>> -> memref<32x1024xf32, #tpu.memory_space<vmem>>
    %dma_wait3A_675 = arith.constant 0 : i32
    %dma_wait3A_676 = tpu.memref_slice %arg2[%add3A_668, %dma_wait3A_675] : memref<8192x1024xf32, #tpu.memory_space<hbm>> -> memref<32x1024xf32, #tpu.memory_space<hbm>>
    %dma_wait3A_677 = tpu.memref_slice %arg5[%dma_wait3A_670] : memref<3x!tpu.dma_semaphore, #tpu.memory_space<semaphore_mem>> -> memref<1x!tpu.dma_semaphore, #tpu.memory_space<semaphore_mem>>
    %dma_wait3A_678 = tpu.memref_squeeze %dma_wait3A_677 : memref<1x!tpu.dma_semaphore, #tpu.memory_space<semaphore_mem>> -> memref<!tpu.dma_semaphore, #tpu.memory_space<semaphore_mem>>
    %dma_wait3A_679 = arith.constant 0 : i32
    %dma_wait3A_680 = arith.constant 0 : i32
    %dma_wait3A_681 = tpu.memref_slice %arg4[%dma_wait3A_669, %dma_wait3A_679, %dma_wait3A_680] : memref<3x32x1024xf32, #tpu.memory_space<vmem>> -> memref<1x32x1024xf32, #tpu.memory_space<vmem>>
    %dma_wait3A_682 = tpu.memref_squeeze %dma_wait3A_681 : memref<1x32x1024xf32, #tpu.memory_space<vmem>> -> memref<32x1024xf32, #tpu.memory_space<vmem>>
    %dma_wait3A_683 = arith.constant 0 : i32
    %dma_wait3A_684 = tpu.memref_slice %arg2[%add3A_668, %dma_wait3A_683] : memref<8192x1024xf32, #tpu.memory_space<hbm>> -> memref<32x1024xf32, #tpu.memory_space<hbm>>
    tpu.wait_dma2 semaphore(%dma_wait3A_678 : memref<!tpu.dma_semaphore, #tpu.memory_space<semaphore_mem>>) src(%dma_wait3A_684 : memref<32x1024xf32, #tpu.memory_space<hbm>>) dst(%dma_wait3A_682 : memref<32x1024xf32, #tpu.memory_space<vmem>>)
    %add3A_685 = arith.constant 96 : i32
    %add3A_686 = arith.addi %mul3A_2, %add3A_685 : i32
    %dma_start3A_687 = arith.constant 0 : i32
    %dma_start3A_688 = arith.constant 0 : i32
    %dma_start3A_689 = arith.constant 0 : i32
    %dma_start3A_690 = arith.constant 0 : i32
    %dma_start3A_691 = arith.constant 0 : i32
    %dma_start3A_692 = tpu.memref_slice %arg4[%dma_start3A_687, %dma_start3A_690, %dma_start3A_691] : memref<3x32x1024xf32, #tpu.memory_space<vmem>> -> memref<1x32x1024xf32, #tpu.memory_space<vmem>>
    %dma_start3A_693 = tpu.memref_squeeze %dma_start3A_692 : memref<1x32x1024xf32, #tpu.memory_space<vmem>> -> memref<32x1024xf32, #tpu.memory_space<vmem>>
    %dma_start3A_694 = arith.constant 0 : i32
    %dma_start3A_695 = tpu.memref_slice %arg3[%dma_start3A_688, %add3A_686, %dma_start3A_694] : memref<4x8192x1024xf32, #tpu.memory_space<hbm>> -> memref<1x32x1024xf32, #tpu.memory_space<hbm>>
    %dma_start3A_696 = tpu.memref_squeeze %dma_start3A_695 : memref<1x32x1024xf32, #tpu.memory_space<hbm>> -> memref<32x1024xf32, #tpu.memory_space<hbm>>
    %dma_start3A_697 = tpu.memref_slice %arg6[%dma_start3A_689] : memref<3x!tpu.dma_semaphore, #tpu.memory_space<semaphore_mem>> -> memref<1x!tpu.dma_semaphore, #tpu.memory_space<semaphore_mem>>
    %dma_start3A_698 = tpu.memref_squeeze %dma_start3A_697 : memref<1x!tpu.dma_semaphore, #tpu.memory_space<semaphore_mem>> -> memref<!tpu.dma_semaphore, #tpu.memory_space<semaphore_mem>>
    %dma_start3A_699 = arith.constant 0 : i32
    %dma_start3A_700 = tpu.memref_slice %arg3[%dma_start3A_688, %add3A_686, %dma_start3A_699] : memref<4x8192x1024xf32, #tpu.memory_space<hbm>> -> memref<1x32x1024xf32, #tpu.memory_space<hbm>>
    %dma_start3A_701 = tpu.memref_squeeze %dma_start3A_700 : memref<1x32x1024xf32, #tpu.memory_space<hbm>> -> memref<32x1024xf32, #tpu.memory_space<hbm>>
    %dma_start3A_702 = arith.constant 0 : i32
    %dma_start3A_703 = arith.constant 0 : i32
    %dma_start3A_704 = tpu.memref_slice %arg4[%dma_start3A_687, %dma_start3A_702, %dma_start3A_703] : memref<3x32x1024xf32, #tpu.memory_space<vmem>> -> memref<1x32x1024xf32, #tpu.memory_space<vmem>>
    %dma_start3A_705 = tpu.memref_squeeze %dma_start3A_704 : memref<1x32x1024xf32, #tpu.memory_space<vmem>> -> memref<32x1024xf32, #tpu.memory_space<vmem>>
    tpu.enqueue_dma source(%dma_start3A_705 : memref<32x1024xf32, #tpu.memory_space<vmem>>) target(%dma_start3A_701 : memref<32x1024xf32, #tpu.memory_space<hbm>>) target_semaphore(%dma_start3A_698 : memref<!tpu.dma_semaphore, #tpu.memory_space<semaphore_mem>>)
    %add3A_706 = arith.constant 96 : i32
    %add3A_707 = arith.addi %mul3A_2, %add3A_706 : i32
    %dma_start3A_708 = arith.constant 0 : i32
    %dma_start3A_709 = arith.constant 1 : i32
    %dma_start3A_710 = arith.constant 0 : i32
    %dma_start3A_711 = arith.constant 0 : i32
    %dma_start3A_712 = arith.constant 0 : i32
    %dma_start3A_713 = tpu.memref_slice %arg4[%dma_start3A_708, %dma_start3A_711, %dma_start3A_712] : memref<3x32x1024xf32, #tpu.memory_space<vmem>> -> memref<1x32x1024xf32, #tpu.memory_space<vmem>>
    %dma_start3A_714 = tpu.memref_squeeze %dma_start3A_713 : memref<1x32x1024xf32, #tpu.memory_space<vmem>> -> memref<32x1024xf32, #tpu.memory_space<vmem>>
    %dma_start3A_715 = arith.constant 0 : i32
    %dma_start3A_716 = tpu.memref_slice %arg3[%dma_start3A_709, %add3A_707, %dma_start3A_715] : memref<4x8192x1024xf32, #tpu.memory_space<hbm>> -> memref<1x32x1024xf32, #tpu.memory_space<hbm>>
    %dma_start3A_717 = tpu.memref_squeeze %dma_start3A_716 : memref<1x32x1024xf32, #tpu.memory_space<hbm>> -> memref<32x1024xf32, #tpu.memory_space<hbm>>
    %dma_start3A_718 = tpu.memref_slice %arg6[%dma_start3A_710] : memref<3x!tpu.dma_semaphore, #tpu.memory_space<semaphore_mem>> -> memref<1x!tpu.dma_semaphore, #tpu.memory_space<semaphore_mem>>
    %dma_start3A_719 = tpu.memref_squeeze %dma_start3A_718 : memref<1x!tpu.dma_semaphore, #tpu.memory_space<semaphore_mem>> -> memref<!tpu.dma_semaphore, #tpu.memory_space<semaphore_mem>>
    %dma_start3A_720 = arith.constant 0 : i32
    %dma_start3A_721 = tpu.memref_slice %arg3[%dma_start3A_709, %add3A_707, %dma_start3A_720] : memref<4x8192x1024xf32, #tpu.memory_space<hbm>> -> memref<1x32x1024xf32, #tpu.memory_space<hbm>>
    %dma_start3A_722 = tpu.memref_squeeze %dma_start3A_721 : memref<1x32x1024xf32, #tpu.memory_space<hbm>> -> memref<32x1024xf32, #tpu.memory_space<hbm>>
    %dma_start3A_723 = arith.constant 0 : i32
    %dma_start3A_724 = arith.constant 0 : i32
    %dma_start3A_725 = tpu.memref_slice %arg4[%dma_start3A_708, %dma_start3A_723, %dma_start3A_724] : memref<3x32x1024xf32, #tpu.memory_space<vmem>> -> memref<1x32x1024xf32, #tpu.memory_space<vmem>>
    %dma_start3A_726 = tpu.memref_squeeze %dma_start3A_725 : memref<1x32x1024xf32, #tpu.memory_space<vmem>> -> memref<32x1024xf32, #tpu.memory_space<vmem>>
    tpu.enqueue_dma source(%dma_start3A_726 : memref<32x1024xf32, #tpu.memory_space<vmem>>) target(%dma_start3A_722 : memref<32x1024xf32, #tpu.memory_space<hbm>>) target_semaphore(%dma_start3A_719 : memref<!tpu.dma_semaphore, #tpu.memory_space<semaphore_mem>>)
    %add3A_727 = arith.constant 96 : i32
    %add3A_728 = arith.addi %mul3A_2, %add3A_727 : i32
    %dma_start3A_729 = arith.constant 0 : i32
    %dma_start3A_730 = arith.constant 2 : i32
    %dma_start3A_731 = arith.constant 0 : i32
    %dma_start3A_732 = arith.constant 0 : i32
    %dma_start3A_733 = arith.constant 0 : i32
    %dma_start3A_734 = tpu.memref_slice %arg4[%dma_start3A_729, %dma_start3A_732, %dma_start3A_733] : memref<3x32x1024xf32, #tpu.memory_space<vmem>> -> memref<1x32x1024xf32, #tpu.memory_space<vmem>>
    %dma_start3A_735 = tpu.memref_squeeze %dma_start3A_734 : memref<1x32x1024xf32, #tpu.memory_space<vmem>> -> memref<32x1024xf32, #tpu.memory_space<vmem>>
    %dma_start3A_736 = arith.constant 0 : i32
    %dma_start3A_737 = tpu.memref_slice %arg3[%dma_start3A_730, %add3A_728, %dma_start3A_736] : memref<4x8192x1024xf32, #tpu.memory_space<hbm>> -> memref<1x32x1024xf32, #tpu.memory_space<hbm>>
    %dma_start3A_738 = tpu.memref_squeeze %dma_start3A_737 : memref<1x32x1024xf32, #tpu.memory_space<hbm>> -> memref<32x1024xf32, #tpu.memory_space<hbm>>
    %dma_start3A_739 = tpu.memref_slice %arg6[%dma_start3A_731] : memref<3x!tpu.dma_semaphore, #tpu.memory_space<semaphore_mem>> -> memref<1x!tpu.dma_semaphore, #tpu.memory_space<semaphore_mem>>
    %dma_start3A_740 = tpu.memref_squeeze %dma_start3A_739 : memref<1x!tpu.dma_semaphore, #tpu.memory_space<semaphore_mem>> -> memref<!tpu.dma_semaphore, #tpu.memory_space<semaphore_mem>>
    %dma_start3A_741 = arith.constant 0 : i32
    %dma_start3A_742 = tpu.memref_slice %arg3[%dma_start3A_730, %add3A_728, %dma_start3A_741] : memref<4x8192x1024xf32, #tpu.memory_space<hbm>> -> memref<1x32x1024xf32, #tpu.memory_space<hbm>>
    %dma_start3A_743 = tpu.memref_squeeze %dma_start3A_742 : memref<1x32x1024xf32, #tpu.memory_space<hbm>> -> memref<32x1024xf32, #tpu.memory_space<hbm>>
    %dma_start3A_744 = arith.constant 0 : i32
    %dma_start3A_745 = arith.constant 0 : i32
    %dma_start3A_746 = tpu.memref_slice %arg4[%dma_start3A_729, %dma_start3A_744, %dma_start3A_745] : memref<3x32x1024xf32, #tpu.memory_space<vmem>> -> memref<1x32x1024xf32, #tpu.memory_space<vmem>>
    %dma_start3A_747 = tpu.memref_squeeze %dma_start3A_746 : memref<1x32x1024xf32, #tpu.memory_space<vmem>> -> memref<32x1024xf32, #tpu.memory_space<vmem>>
    tpu.enqueue_dma source(%dma_start3A_747 : memref<32x1024xf32, #tpu.memory_space<vmem>>) target(%dma_start3A_743 : memref<32x1024xf32, #tpu.memory_space<hbm>>) target_semaphore(%dma_start3A_740 : memref<!tpu.dma_semaphore, #tpu.memory_space<semaphore_mem>>)
    %add3A_748 = arith.constant 96 : i32
    %add3A_749 = arith.addi %mul3A_2, %add3A_748 : i32
    %dma_start3A_750 = arith.constant 0 : i32
    %dma_start3A_751 = arith.constant 3 : i32
    %dma_start3A_752 = arith.constant 0 : i32
    %dma_start3A_753 = arith.constant 0 : i32
    %dma_start3A_754 = arith.constant 0 : i32
    %dma_start3A_755 = tpu.memref_slice %arg4[%dma_start3A_750, %dma_start3A_753, %dma_start3A_754] : memref<3x32x1024xf32, #tpu.memory_space<vmem>> -> memref<1x32x1024xf32, #tpu.memory_space<vmem>>
    %dma_start3A_756 = tpu.memref_squeeze %dma_start3A_755 : memref<1x32x1024xf32, #tpu.memory_space<vmem>> -> memref<32x1024xf32, #tpu.memory_space<vmem>>
    %dma_start3A_757 = arith.constant 0 : i32
    %dma_start3A_758 = tpu.memref_slice %arg3[%dma_start3A_751, %add3A_749, %dma_start3A_757] : memref<4x8192x1024xf32, #tpu.memory_space<hbm>> -> memref<1x32x1024xf32, #tpu.memory_space<hbm>>
    %dma_start3A_759 = tpu.memref_squeeze %dma_start3A_758 : memref<1x32x1024xf32, #tpu.memory_space<hbm>> -> memref<32x1024xf32, #tpu.memory_space<hbm>>
    %dma_start3A_760 = tpu.memref_slice %arg6[%dma_start3A_752] : memref<3x!tpu.dma_semaphore, #tpu.memory_space<semaphore_mem>> -> memref<1x!tpu.dma_semaphore, #tpu.memory_space<semaphore_mem>>
    %dma_start3A_761 = tpu.memref_squeeze %dma_start3A_760 : memref<1x!tpu.dma_semaphore, #tpu.memory_space<semaphore_mem>> -> memref<!tpu.dma_semaphore, #tpu.memory_space<semaphore_mem>>
    %dma_start3A_762 = arith.constant 0 : i32
    %dma_start3A_763 = tpu.memref_slice %arg3[%dma_start3A_751, %add3A_749, %dma_start3A_762] : memref<4x8192x1024xf32, #tpu.memory_space<hbm>> -> memref<1x32x1024xf32, #tpu.memory_space<hbm>>
    %dma_start3A_764 = tpu.memref_squeeze %dma_start3A_763 : memref<1x32x1024xf32, #tpu.memory_space<hbm>> -> memref<32x1024xf32, #tpu.memory_space<hbm>>
    %dma_start3A_765 = arith.constant 0 : i32
    %dma_start3A_766 = arith.constant 0 : i32
    %dma_start3A_767 = tpu.memref_slice %arg4[%dma_start3A_750, %dma_start3A_765, %dma_start3A_766] : memref<3x32x1024xf32, #tpu.memory_space<vmem>> -> memref<1x32x1024xf32, #tpu.memory_space<vmem>>
    %dma_start3A_768 = tpu.memref_squeeze %dma_start3A_767 : memref<1x32x1024xf32, #tpu.memory_space<vmem>> -> memref<32x1024xf32, #tpu.memory_space<vmem>>
    tpu.enqueue_dma source(%dma_start3A_768 : memref<32x1024xf32, #tpu.memory_space<vmem>>) target(%dma_start3A_764 : memref<32x1024xf32, #tpu.memory_space<hbm>>) target_semaphore(%dma_start3A_761 : memref<!tpu.dma_semaphore, #tpu.memory_space<semaphore_mem>>)
    %add3A_769 = arith.constant 96 : i32
    %add3A_770 = arith.addi %mul3A_2, %add3A_769 : i32
    %dma_wait3A_771 = arith.constant 0 : i32
    %dma_wait3A_772 = arith.constant 0 : i32
    %dma_wait3A_773 = arith.constant 0 : i32
    %dma_wait3A_774 = arith.constant 0 : i32
    %dma_wait3A_775 = arith.constant 0 : i32
    %dma_wait3A_776 = tpu.memref_slice %arg4[%dma_wait3A_771, %dma_wait3A_774, %dma_wait3A_775] : memref<3x32x1024xf32, #tpu.memory_space<vmem>> -> memref<1x32x1024xf32, #tpu.memory_space<vmem>>
    %dma_wait3A_777 = tpu.memref_squeeze %dma_wait3A_776 : memref<1x32x1024xf32, #tpu.memory_space<vmem>> -> memref<32x1024xf32, #tpu.memory_space<vmem>>
    %dma_wait3A_778 = arith.constant 0 : i32
    %dma_wait3A_779 = tpu.memref_slice %arg3[%dma_wait3A_772, %add3A_770, %dma_wait3A_778] : memref<4x8192x1024xf32, #tpu.memory_space<hbm>> -> memref<1x32x1024xf32, #tpu.memory_space<hbm>>
    %dma_wait3A_780 = tpu.memref_squeeze %dma_wait3A_779 : memref<1x32x1024xf32, #tpu.memory_space<hbm>> -> memref<32x1024xf32, #tpu.memory_space<hbm>>
    %dma_wait3A_781 = tpu.memref_slice %arg6[%dma_wait3A_773] : memref<3x!tpu.dma_semaphore, #tpu.memory_space<semaphore_mem>> -> memref<1x!tpu.dma_semaphore, #tpu.memory_space<semaphore_mem>>
    %dma_wait3A_782 = tpu.memref_squeeze %dma_wait3A_781 : memref<1x!tpu.dma_semaphore, #tpu.memory_space<semaphore_mem>> -> memref<!tpu.dma_semaphore, #tpu.memory_space<semaphore_mem>>
    %dma_wait3A_783 = arith.constant 0 : i32
    %dma_wait3A_784 = tpu.memref_slice %arg3[%dma_wait3A_772, %add3A_770, %dma_wait3A_783] : memref<4x8192x1024xf32, #tpu.memory_space<hbm>> -> memref<1x32x1024xf32, #tpu.memory_space<hbm>>
    %dma_wait3A_785 = tpu.memref_squeeze %dma_wait3A_784 : memref<1x32x1024xf32, #tpu.memory_space<hbm>> -> memref<32x1024xf32, #tpu.memory_space<hbm>>
    %dma_wait3A_786 = arith.constant 0 : i32
    %dma_wait3A_787 = arith.constant 0 : i32
    %dma_wait3A_788 = tpu.memref_slice %arg4[%dma_wait3A_771, %dma_wait3A_786, %dma_wait3A_787] : memref<3x32x1024xf32, #tpu.memory_space<vmem>> -> memref<1x32x1024xf32, #tpu.memory_space<vmem>>
    %dma_wait3A_789 = tpu.memref_squeeze %dma_wait3A_788 : memref<1x32x1024xf32, #tpu.memory_space<vmem>> -> memref<32x1024xf32, #tpu.memory_space<vmem>>
    tpu.wait_dma2 semaphore(%dma_wait3A_782 : memref<!tpu.dma_semaphore, #tpu.memory_space<semaphore_mem>>) src(%dma_wait3A_789 : memref<32x1024xf32, #tpu.memory_space<vmem>>) dst(%dma_wait3A_785 : memref<32x1024xf32, #tpu.memory_space<hbm>>)
    %add3A_790 = arith.constant 96 : i32
    %add3A_791 = arith.addi %mul3A_2, %add3A_790 : i32
    %dma_wait3A_792 = arith.constant 0 : i32
    %dma_wait3A_793 = arith.constant 1 : i32
    %dma_wait3A_794 = arith.constant 0 : i32
    %dma_wait3A_795 = arith.constant 0 : i32
    %dma_wait3A_796 = arith.constant 0 : i32
    %dma_wait3A_797 = tpu.memref_slice %arg4[%dma_wait3A_792, %dma_wait3A_795, %dma_wait3A_796] : memref<3x32x1024xf32, #tpu.memory_space<vmem>> -> memref<1x32x1024xf32, #tpu.memory_space<vmem>>
    %dma_wait3A_798 = tpu.memref_squeeze %dma_wait3A_797 : memref<1x32x1024xf32, #tpu.memory_space<vmem>> -> memref<32x1024xf32, #tpu.memory_space<vmem>>
    %dma_wait3A_799 = arith.constant 0 : i32
    %dma_wait3A_800 = tpu.memref_slice %arg3[%dma_wait3A_793, %add3A_791, %dma_wait3A_799] : memref<4x8192x1024xf32, #tpu.memory_space<hbm>> -> memref<1x32x1024xf32, #tpu.memory_space<hbm>>
    %dma_wait3A_801 = tpu.memref_squeeze %dma_wait3A_800 : memref<1x32x1024xf32, #tpu.memory_space<hbm>> -> memref<32x1024xf32, #tpu.memory_space<hbm>>
    %dma_wait3A_802 = tpu.memref_slice %arg6[%dma_wait3A_794] : memref<3x!tpu.dma_semaphore, #tpu.memory_space<semaphore_mem>> -> memref<1x!tpu.dma_semaphore, #tpu.memory_space<semaphore_mem>>
    %dma_wait3A_803 = tpu.memref_squeeze %dma_wait3A_802 : memref<1x!tpu.dma_semaphore, #tpu.memory_space<semaphore_mem>> -> memref<!tpu.dma_semaphore, #tpu.memory_space<semaphore_mem>>
    %dma_wait3A_804 = arith.constant 0 : i32
    %dma_wait3A_805 = tpu.memref_slice %arg3[%dma_wait3A_793, %add3A_791, %dma_wait3A_804] : memref<4x8192x1024xf32, #tpu.memory_space<hbm>> -> memref<1x32x1024xf32, #tpu.memory_space<hbm>>
    %dma_wait3A_806 = tpu.memref_squeeze %dma_wait3A_805 : memref<1x32x1024xf32, #tpu.memory_space<hbm>> -> memref<32x1024xf32, #tpu.memory_space<hbm>>
    %dma_wait3A_807 = arith.constant 0 : i32
    %dma_wait3A_808 = arith.constant 0 : i32
    %dma_wait3A_809 = tpu.memref_slice %arg4[%dma_wait3A_792, %dma_wait3A_807, %dma_wait3A_808] : memref<3x32x1024xf32, #tpu.memory_space<vmem>> -> memref<1x32x1024xf32, #tpu.memory_space<vmem>>
    %dma_wait3A_810 = tpu.memref_squeeze %dma_wait3A_809 : memref<1x32x1024xf32, #tpu.memory_space<vmem>> -> memref<32x1024xf32, #tpu.memory_space<vmem>>
    tpu.wait_dma2 semaphore(%dma_wait3A_803 : memref<!tpu.dma_semaphore, #tpu.memory_space<semaphore_mem>>) src(%dma_wait3A_810 : memref<32x1024xf32, #tpu.memory_space<vmem>>) dst(%dma_wait3A_806 : memref<32x1024xf32, #tpu.memory_space<hbm>>)
    %add3A_811 = arith.constant 96 : i32
    %add3A_812 = arith.addi %mul3A_2, %add3A_811 : i32
    %dma_wait3A_813 = arith.constant 0 : i32
    %dma_wait3A_814 = arith.constant 2 : i32
    %dma_wait3A_815 = arith.constant 0 : i32
    %dma_wait3A_816 = arith.constant 0 : i32
    %dma_wait3A_817 = arith.constant 0 : i32
    %dma_wait3A_818 = tpu.memref_slice %arg4[%dma_wait3A_813, %dma_wait3A_816, %dma_wait3A_817] : memref<3x32x1024xf32, #tpu.memory_space<vmem>> -> memref<1x32x1024xf32, #tpu.memory_space<vmem>>
    %dma_wait3A_819 = tpu.memref_squeeze %dma_wait3A_818 : memref<1x32x1024xf32, #tpu.memory_space<vmem>> -> memref<32x1024xf32, #tpu.memory_space<vmem>>
    %dma_wait3A_820 = arith.constant 0 : i32
    %dma_wait3A_821 = tpu.memref_slice %arg3[%dma_wait3A_814, %add3A_812, %dma_wait3A_820] : memref<4x8192x1024xf32, #tpu.memory_space<hbm>> -> memref<1x32x1024xf32, #tpu.memory_space<hbm>>
    %dma_wait3A_822 = tpu.memref_squeeze %dma_wait3A_821 : memref<1x32x1024xf32, #tpu.memory_space<hbm>> -> memref<32x1024xf32, #tpu.memory_space<hbm>>
    %dma_wait3A_823 = tpu.memref_slice %arg6[%dma_wait3A_815] : memref<3x!tpu.dma_semaphore, #tpu.memory_space<semaphore_mem>> -> memref<1x!tpu.dma_semaphore, #tpu.memory_space<semaphore_mem>>
    %dma_wait3A_824 = tpu.memref_squeeze %dma_wait3A_823 : memref<1x!tpu.dma_semaphore, #tpu.memory_space<semaphore_mem>> -> memref<!tpu.dma_semaphore, #tpu.memory_space<semaphore_mem>>
    %dma_wait3A_825 = arith.constant 0 : i32
    %dma_wait3A_826 = tpu.memref_slice %arg3[%dma_wait3A_814, %add3A_812, %dma_wait3A_825] : memref<4x8192x1024xf32, #tpu.memory_space<hbm>> -> memref<1x32x1024xf32, #tpu.memory_space<hbm>>
    %dma_wait3A_827 = tpu.memref_squeeze %dma_wait3A_826 : memref<1x32x1024xf32, #tpu.memory_space<hbm>> -> memref<32x1024xf32, #tpu.memory_space<hbm>>
    %dma_wait3A_828 = arith.constant 0 : i32
    %dma_wait3A_829 = arith.constant 0 : i32
    %dma_wait3A_830 = tpu.memref_slice %arg4[%dma_wait3A_813, %dma_wait3A_828, %dma_wait3A_829] : memref<3x32x1024xf32, #tpu.memory_space<vmem>> -> memref<1x32x1024xf32, #tpu.memory_space<vmem>>
    %dma_wait3A_831 = tpu.memref_squeeze %dma_wait3A_830 : memref<1x32x1024xf32, #tpu.memory_space<vmem>> -> memref<32x1024xf32, #tpu.memory_space<vmem>>
    tpu.wait_dma2 semaphore(%dma_wait3A_824 : memref<!tpu.dma_semaphore, #tpu.memory_space<semaphore_mem>>) src(%dma_wait3A_831 : memref<32x1024xf32, #tpu.memory_space<vmem>>) dst(%dma_wait3A_827 : memref<32x1024xf32, #tpu.memory_space<hbm>>)
    %add3A_832 = arith.constant 96 : i32
    %add3A_833 = arith.addi %mul3A_2, %add3A_832 : i32
    %dma_wait3A_834 = arith.constant 0 : i32
    %dma_wait3A_835 = arith.constant 3 : i32
    %dma_wait3A_836 = arith.constant 0 : i32
    %dma_wait3A_837 = arith.constant 0 : i32
    %dma_wait3A_838 = arith.constant 0 : i32
    %dma_wait3A_839 = tpu.memref_slice %arg4[%dma_wait3A_834, %dma_wait3A_837, %dma_wait3A_838] : memref<3x32x1024xf32, #tpu.memory_space<vmem>> -> memref<1x32x1024xf32, #tpu.memory_space<vmem>>
    %dma_wait3A_840 = tpu.memref_squeeze %dma_wait3A_839 : memref<1x32x1024xf32, #tpu.memory_space<vmem>> -> memref<32x1024xf32, #tpu.memory_space<vmem>>
    %dma_wait3A_841 = arith.constant 0 : i32
    %dma_wait3A_842 = tpu.memref_slice %arg3[%dma_wait3A_835, %add3A_833, %dma_wait3A_841] : memref<4x8192x1024xf32, #tpu.memory_space<hbm>> -> memref<1x32x1024xf32, #tpu.memory_space<hbm>>
    %dma_wait3A_843 = tpu.memref_squeeze %dma_wait3A_842 : memref<1x32x1024xf32, #tpu.memory_space<hbm>> -> memref<32x1024xf32, #tpu.memory_space<hbm>>
    %dma_wait3A_844 = tpu.memref_slice %arg6[%dma_wait3A_836] : memref<3x!tpu.dma_semaphore, #tpu.memory_space<semaphore_mem>> -> memref<1x!tpu.dma_semaphore, #tpu.memory_space<semaphore_mem>>
    %dma_wait3A_845 = tpu.memref_squeeze %dma_wait3A_844 : memref<1x!tpu.dma_semaphore, #tpu.memory_space<semaphore_mem>> -> memref<!tpu.dma_semaphore, #tpu.memory_space<semaphore_mem>>
    %dma_wait3A_846 = arith.constant 0 : i32
    %dma_wait3A_847 = tpu.memref_slice %arg3[%dma_wait3A_835, %add3A_833, %dma_wait3A_846] : memref<4x8192x1024xf32, #tpu.memory_space<hbm>> -> memref<1x32x1024xf32, #tpu.memory_space<hbm>>
    %dma_wait3A_848 = tpu.memref_squeeze %dma_wait3A_847 : memref<1x32x1024xf32, #tpu.memory_space<hbm>> -> memref<32x1024xf32, #tpu.memory_space<hbm>>
    %dma_wait3A_849 = arith.constant 0 : i32
    %dma_wait3A_850 = arith.constant 0 : i32
    %dma_wait3A_851 = tpu.memref_slice %arg4[%dma_wait3A_834, %dma_wait3A_849, %dma_wait3A_850] : memref<3x32x1024xf32, #tpu.memory_space<vmem>> -> memref<1x32x1024xf32, #tpu.memory_space<vmem>>
    %dma_wait3A_852 = tpu.memref_squeeze %dma_wait3A_851 : memref<1x32x1024xf32, #tpu.memory_space<vmem>> -> memref<32x1024xf32, #tpu.memory_space<vmem>>
    tpu.wait_dma2 semaphore(%dma_wait3A_845 : memref<!tpu.dma_semaphore, #tpu.memory_space<semaphore_mem>>) src(%dma_wait3A_852 : memref<32x1024xf32, #tpu.memory_space<vmem>>) dst(%dma_wait3A_848 : memref<32x1024xf32, #tpu.memory_space<hbm>>)
    %add3A_853 = arith.constant 192 : i32
    %add3A_854 = arith.addi %mul3A_2, %add3A_853 : i32
    %dma_start3A_855 = arith.constant 0 : i32
    %dma_start3A_856 = arith.constant 0 : i32
    %dma_start3A_857 = arith.constant 0 : i32
    %dma_start3A_858 = arith.constant 0 : i32
    %dma_start3A_859 = tpu.memref_slice %arg4[%dma_start3A_855, %dma_start3A_857, %dma_start3A_858] : memref<3x32x1024xf32, #tpu.memory_space<vmem>> -> memref<1x32x1024xf32, #tpu.memory_space<vmem>>
    %dma_start3A_860 = tpu.memref_squeeze %dma_start3A_859 : memref<1x32x1024xf32, #tpu.memory_space<vmem>> -> memref<32x1024xf32, #tpu.memory_space<vmem>>
    %dma_start3A_861 = arith.constant 0 : i32
    %dma_start3A_862 = tpu.memref_slice %arg2[%add3A_854, %dma_start3A_861] : memref<8192x1024xf32, #tpu.memory_space<hbm>> -> memref<32x1024xf32, #tpu.memory_space<hbm>>
    %dma_start3A_863 = tpu.memref_slice %arg5[%dma_start3A_856] : memref<3x!tpu.dma_semaphore, #tpu.memory_space<semaphore_mem>> -> memref<1x!tpu.dma_semaphore, #tpu.memory_space<semaphore_mem>>
    %dma_start3A_864 = tpu.memref_squeeze %dma_start3A_863 : memref<1x!tpu.dma_semaphore, #tpu.memory_space<semaphore_mem>> -> memref<!tpu.dma_semaphore, #tpu.memory_space<semaphore_mem>>
    %dma_start3A_865 = arith.constant 0 : i32
    %dma_start3A_866 = arith.constant 0 : i32
    %dma_start3A_867 = tpu.memref_slice %arg4[%dma_start3A_855, %dma_start3A_865, %dma_start3A_866] : memref<3x32x1024xf32, #tpu.memory_space<vmem>> -> memref<1x32x1024xf32, #tpu.memory_space<vmem>>
    %dma_start3A_868 = tpu.memref_squeeze %dma_start3A_867 : memref<1x32x1024xf32, #tpu.memory_space<vmem>> -> memref<32x1024xf32, #tpu.memory_space<vmem>>
    %dma_start3A_869 = arith.constant 0 : i32
    %dma_start3A_870 = tpu.memref_slice %arg2[%add3A_854, %dma_start3A_869] : memref<8192x1024xf32, #tpu.memory_space<hbm>> -> memref<32x1024xf32, #tpu.memory_space<hbm>>
    tpu.enqueue_dma source(%dma_start3A_870 : memref<32x1024xf32, #tpu.memory_space<hbm>>) target(%dma_start3A_868 : memref<32x1024xf32, #tpu.memory_space<vmem>>) target_semaphore(%dma_start3A_864 : memref<!tpu.dma_semaphore, #tpu.memory_space<semaphore_mem>>)
    %add3A_871 = arith.constant 128 : i32
    %add3A_872 = arith.addi %mul3A_2, %add3A_871 : i32
    %dma_wait3A_873 = arith.constant 1 : i32
    %dma_wait3A_874 = arith.constant 1 : i32
    %dma_wait3A_875 = arith.constant 0 : i32
    %dma_wait3A_876 = arith.constant 0 : i32
    %dma_wait3A_877 = tpu.memref_slice %arg4[%dma_wait3A_873, %dma_wait3A_875, %dma_wait3A_876] : memref<3x32x1024xf32, #tpu.memory_space<vmem>> -> memref<1x32x1024xf32, #tpu.memory_space<vmem>>
    %dma_wait3A_878 = tpu.memref_squeeze %dma_wait3A_877 : memref<1x32x1024xf32, #tpu.memory_space<vmem>> -> memref<32x1024xf32, #tpu.memory_space<vmem>>
    %dma_wait3A_879 = arith.constant 0 : i32
    %dma_wait3A_880 = tpu.memref_slice %arg2[%add3A_872, %dma_wait3A_879] : memref<8192x1024xf32, #tpu.memory_space<hbm>> -> memref<32x1024xf32, #tpu.memory_space<hbm>>
    %dma_wait3A_881 = tpu.memref_slice %arg5[%dma_wait3A_874] : memref<3x!tpu.dma_semaphore, #tpu.memory_space<semaphore_mem>> -> memref<1x!tpu.dma_semaphore, #tpu.memory_space<semaphore_mem>>
    %dma_wait3A_882 = tpu.memref_squeeze %dma_wait3A_881 : memref<1x!tpu.dma_semaphore, #tpu.memory_space<semaphore_mem>> -> memref<!tpu.dma_semaphore, #tpu.memory_space<semaphore_mem>>
    %dma_wait3A_883 = arith.constant 0 : i32
    %dma_wait3A_884 = arith.constant 0 : i32
    %dma_wait3A_885 = tpu.memref_slice %arg4[%dma_wait3A_873, %dma_wait3A_883, %dma_wait3A_884] : memref<3x32x1024xf32, #tpu.memory_space<vmem>> -> memref<1x32x1024xf32, #tpu.memory_space<vmem>>
    %dma_wait3A_886 = tpu.memref_squeeze %dma_wait3A_885 : memref<1x32x1024xf32, #tpu.memory_space<vmem>> -> memref<32x1024xf32, #tpu.memory_space<vmem>>
    %dma_wait3A_887 = arith.constant 0 : i32
    %dma_wait3A_888 = tpu.memref_slice %arg2[%add3A_872, %dma_wait3A_887] : memref<8192x1024xf32, #tpu.memory_space<hbm>> -> memref<32x1024xf32, #tpu.memory_space<hbm>>
    tpu.wait_dma2 semaphore(%dma_wait3A_882 : memref<!tpu.dma_semaphore, #tpu.memory_space<semaphore_mem>>) src(%dma_wait3A_888 : memref<32x1024xf32, #tpu.memory_space<hbm>>) dst(%dma_wait3A_886 : memref<32x1024xf32, #tpu.memory_space<vmem>>)
    %add3A_889 = arith.constant 128 : i32
    %add3A_890 = arith.addi %mul3A_2, %add3A_889 : i32
    %dma_start3A_891 = arith.constant 1 : i32
    %dma_start3A_892 = arith.constant 0 : i32
    %dma_start3A_893 = arith.constant 1 : i32
    %dma_start3A_894 = arith.constant 0 : i32
    %dma_start3A_895 = arith.constant 0 : i32
    %dma_start3A_896 = tpu.memref_slice %arg4[%dma_start3A_891, %dma_start3A_894, %dma_start3A_895] : memref<3x32x1024xf32, #tpu.memory_space<vmem>> -> memref<1x32x1024xf32, #tpu.memory_space<vmem>>
    %dma_start3A_897 = tpu.memref_squeeze %dma_start3A_896 : memref<1x32x1024xf32, #tpu.memory_space<vmem>> -> memref<32x1024xf32, #tpu.memory_space<vmem>>
    %dma_start3A_898 = arith.constant 0 : i32
    %dma_start3A_899 = tpu.memref_slice %arg3[%dma_start3A_892, %add3A_890, %dma_start3A_898] : memref<4x8192x1024xf32, #tpu.memory_space<hbm>> -> memref<1x32x1024xf32, #tpu.memory_space<hbm>>
    %dma_start3A_900 = tpu.memref_squeeze %dma_start3A_899 : memref<1x32x1024xf32, #tpu.memory_space<hbm>> -> memref<32x1024xf32, #tpu.memory_space<hbm>>
    %dma_start3A_901 = tpu.memref_slice %arg6[%dma_start3A_893] : memref<3x!tpu.dma_semaphore, #tpu.memory_space<semaphore_mem>> -> memref<1x!tpu.dma_semaphore, #tpu.memory_space<semaphore_mem>>
    %dma_start3A_902 = tpu.memref_squeeze %dma_start3A_901 : memref<1x!tpu.dma_semaphore, #tpu.memory_space<semaphore_mem>> -> memref<!tpu.dma_semaphore, #tpu.memory_space<semaphore_mem>>
    %dma_start3A_903 = arith.constant 0 : i32
    %dma_start3A_904 = tpu.memref_slice %arg3[%dma_start3A_892, %add3A_890, %dma_start3A_903] : memref<4x8192x1024xf32, #tpu.memory_space<hbm>> -> memref<1x32x1024xf32, #tpu.memory_space<hbm>>
    %dma_start3A_905 = tpu.memref_squeeze %dma_start3A_904 : memref<1x32x1024xf32, #tpu.memory_space<hbm>> -> memref<32x1024xf32, #tpu.memory_space<hbm>>
    %dma_start3A_906 = arith.constant 0 : i32
    %dma_start3A_907 = arith.constant 0 : i32
    %dma_start3A_908 = tpu.memref_slice %arg4[%dma_start3A_891, %dma_start3A_906, %dma_start3A_907] : memref<3x32x1024xf32, #tpu.memory_space<vmem>> -> memref<1x32x1024xf32, #tpu.memory_space<vmem>>
    %dma_start3A_909 = tpu.memref_squeeze %dma_start3A_908 : memref<1x32x1024xf32, #tpu.memory_space<vmem>> -> memref<32x1024xf32, #tpu.memory_space<vmem>>
    tpu.enqueue_dma source(%dma_start3A_909 : memref<32x1024xf32, #tpu.memory_space<vmem>>) target(%dma_start3A_905 : memref<32x1024xf32, #tpu.memory_space<hbm>>) target_semaphore(%dma_start3A_902 : memref<!tpu.dma_semaphore, #tpu.memory_space<semaphore_mem>>)
    %add3A_910 = arith.constant 128 : i32
    %add3A_911 = arith.addi %mul3A_2, %add3A_910 : i32
    %dma_start3A_912 = arith.constant 1 : i32
    %dma_start3A_913 = arith.constant 1 : i32
    %dma_start3A_914 = arith.constant 1 : i32
    %dma_start3A_915 = arith.constant 0 : i32
    %dma_start3A_916 = arith.constant 0 : i32
    %dma_start3A_917 = tpu.memref_slice %arg4[%dma_start3A_912, %dma_start3A_915, %dma_start3A_916] : memref<3x32x1024xf32, #tpu.memory_space<vmem>> -> memref<1x32x1024xf32, #tpu.memory_space<vmem>>
    %dma_start3A_918 = tpu.memref_squeeze %dma_start3A_917 : memref<1x32x1024xf32, #tpu.memory_space<vmem>> -> memref<32x1024xf32, #tpu.memory_space<vmem>>
    %dma_start3A_919 = arith.constant 0 : i32
    %dma_start3A_920 = tpu.memref_slice %arg3[%dma_start3A_913, %add3A_911, %dma_start3A_919] : memref<4x8192x1024xf32, #tpu.memory_space<hbm>> -> memref<1x32x1024xf32, #tpu.memory_space<hbm>>
    %dma_start3A_921 = tpu.memref_squeeze %dma_start3A_920 : memref<1x32x1024xf32, #tpu.memory_space<hbm>> -> memref<32x1024xf32, #tpu.memory_space<hbm>>
    %dma_start3A_922 = tpu.memref_slice %arg6[%dma_start3A_914] : memref<3x!tpu.dma_semaphore, #tpu.memory_space<semaphore_mem>> -> memref<1x!tpu.dma_semaphore, #tpu.memory_space<semaphore_mem>>
    %dma_start3A_923 = tpu.memref_squeeze %dma_start3A_922 : memref<1x!tpu.dma_semaphore, #tpu.memory_space<semaphore_mem>> -> memref<!tpu.dma_semaphore, #tpu.memory_space<semaphore_mem>>
    %dma_start3A_924 = arith.constant 0 : i32
    %dma_start3A_925 = tpu.memref_slice %arg3[%dma_start3A_913, %add3A_911, %dma_start3A_924] : memref<4x8192x1024xf32, #tpu.memory_space<hbm>> -> memref<1x32x1024xf32, #tpu.memory_space<hbm>>
    %dma_start3A_926 = tpu.memref_squeeze %dma_start3A_925 : memref<1x32x1024xf32, #tpu.memory_space<hbm>> -> memref<32x1024xf32, #tpu.memory_space<hbm>>
    %dma_start3A_927 = arith.constant 0 : i32
    %dma_start3A_928 = arith.constant 0 : i32
    %dma_start3A_929 = tpu.memref_slice %arg4[%dma_start3A_912, %dma_start3A_927, %dma_start3A_928] : memref<3x32x1024xf32, #tpu.memory_space<vmem>> -> memref<1x32x1024xf32, #tpu.memory_space<vmem>>
    %dma_start3A_930 = tpu.memref_squeeze %dma_start3A_929 : memref<1x32x1024xf32, #tpu.memory_space<vmem>> -> memref<32x1024xf32, #tpu.memory_space<vmem>>
    tpu.enqueue_dma source(%dma_start3A_930 : memref<32x1024xf32, #tpu.memory_space<vmem>>) target(%dma_start3A_926 : memref<32x1024xf32, #tpu.memory_space<hbm>>) target_semaphore(%dma_start3A_923 : memref<!tpu.dma_semaphore, #tpu.memory_space<semaphore_mem>>)
    %add3A_931 = arith.constant 128 : i32
    %add3A_932 = arith.addi %mul3A_2, %add3A_931 : i32
    %dma_start3A_933 = arith.constant 1 : i32
    %dma_start3A_934 = arith.constant 2 : i32
    %dma_start3A_935 = arith.constant 1 : i32
    %dma_start3A_936 = arith.constant 0 : i32
    %dma_start3A_937 = arith.constant 0 : i32
    %dma_start3A_938 = tpu.memref_slice %arg4[%dma_start3A_933, %dma_start3A_936, %dma_start3A_937] : memref<3x32x1024xf32, #tpu.memory_space<vmem>> -> memref<1x32x1024xf32, #tpu.memory_space<vmem>>
    %dma_start3A_939 = tpu.memref_squeeze %dma_start3A_938 : memref<1x32x1024xf32, #tpu.memory_space<vmem>> -> memref<32x1024xf32, #tpu.memory_space<vmem>>
    %dma_start3A_940 = arith.constant 0 : i32
    %dma_start3A_941 = tpu.memref_slice %arg3[%dma_start3A_934, %add3A_932, %dma_start3A_940] : memref<4x8192x1024xf32, #tpu.memory_space<hbm>> -> memref<1x32x1024xf32, #tpu.memory_space<hbm>>
    %dma_start3A_942 = tpu.memref_squeeze %dma_start3A_941 : memref<1x32x1024xf32, #tpu.memory_space<hbm>> -> memref<32x1024xf32, #tpu.memory_space<hbm>>
    %dma_start3A_943 = tpu.memref_slice %arg6[%dma_start3A_935] : memref<3x!tpu.dma_semaphore, #tpu.memory_space<semaphore_mem>> -> memref<1x!tpu.dma_semaphore, #tpu.memory_space<semaphore_mem>>
    %dma_start3A_944 = tpu.memref_squeeze %dma_start3A_943 : memref<1x!tpu.dma_semaphore, #tpu.memory_space<semaphore_mem>> -> memref<!tpu.dma_semaphore, #tpu.memory_space<semaphore_mem>>
    %dma_start3A_945 = arith.constant 0 : i32
    %dma_start3A_946 = tpu.memref_slice %arg3[%dma_start3A_934, %add3A_932, %dma_start3A_945] : memref<4x8192x1024xf32, #tpu.memory_space<hbm>> -> memref<1x32x1024xf32, #tpu.memory_space<hbm>>
    %dma_start3A_947 = tpu.memref_squeeze %dma_start3A_946 : memref<1x32x1024xf32, #tpu.memory_space<hbm>> -> memref<32x1024xf32, #tpu.memory_space<hbm>>
    %dma_start3A_948 = arith.constant 0 : i32
    %dma_start3A_949 = arith.constant 0 : i32
    %dma_start3A_950 = tpu.memref_slice %arg4[%dma_start3A_933, %dma_start3A_948, %dma_start3A_949] : memref<3x32x1024xf32, #tpu.memory_space<vmem>> -> memref<1x32x1024xf32, #tpu.memory_space<vmem>>
    %dma_start3A_951 = tpu.memref_squeeze %dma_start3A_950 : memref<1x32x1024xf32, #tpu.memory_space<vmem>> -> memref<32x1024xf32, #tpu.memory_space<vmem>>
    tpu.enqueue_dma source(%dma_start3A_951 : memref<32x1024xf32, #tpu.memory_space<vmem>>) target(%dma_start3A_947 : memref<32x1024xf32, #tpu.memory_space<hbm>>) target_semaphore(%dma_start3A_944 : memref<!tpu.dma_semaphore, #tpu.memory_space<semaphore_mem>>)
    %add3A_952 = arith.constant 128 : i32
    %add3A_953 = arith.addi %mul3A_2, %add3A_952 : i32
    %dma_start3A_954 = arith.constant 1 : i32
    %dma_start3A_955 = arith.constant 3 : i32
    %dma_start3A_956 = arith.constant 1 : i32
    %dma_start3A_957 = arith.constant 0 : i32
    %dma_start3A_958 = arith.constant 0 : i32
    %dma_start3A_959 = tpu.memref_slice %arg4[%dma_start3A_954, %dma_start3A_957, %dma_start3A_958] : memref<3x32x1024xf32, #tpu.memory_space<vmem>> -> memref<1x32x1024xf32, #tpu.memory_space<vmem>>
    %dma_start3A_960 = tpu.memref_squeeze %dma_start3A_959 : memref<1x32x1024xf32, #tpu.memory_space<vmem>> -> memref<32x1024xf32, #tpu.memory_space<vmem>>
    %dma_start3A_961 = arith.constant 0 : i32
    %dma_start3A_962 = tpu.memref_slice %arg3[%dma_start3A_955, %add3A_953, %dma_start3A_961] : memref<4x8192x1024xf32, #tpu.memory_space<hbm>> -> memref<1x32x1024xf32, #tpu.memory_space<hbm>>
    %dma_start3A_963 = tpu.memref_squeeze %dma_start3A_962 : memref<1x32x1024xf32, #tpu.memory_space<hbm>> -> memref<32x1024xf32, #tpu.memory_space<hbm>>
    %dma_start3A_964 = tpu.memref_slice %arg6[%dma_start3A_956] : memref<3x!tpu.dma_semaphore, #tpu.memory_space<semaphore_mem>> -> memref<1x!tpu.dma_semaphore, #tpu.memory_space<semaphore_mem>>
    %dma_start3A_965 = tpu.memref_squeeze %dma_start3A_964 : memref<1x!tpu.dma_semaphore, #tpu.memory_space<semaphore_mem>> -> memref<!tpu.dma_semaphore, #tpu.memory_space<semaphore_mem>>
    %dma_start3A_966 = arith.constant 0 : i32
    %dma_start3A_967 = tpu.memref_slice %arg3[%dma_start3A_955, %add3A_953, %dma_start3A_966] : memref<4x8192x1024xf32, #tpu.memory_space<hbm>> -> memref<1x32x1024xf32, #tpu.memory_space<hbm>>
    %dma_start3A_968 = tpu.memref_squeeze %dma_start3A_967 : memref<1x32x1024xf32, #tpu.memory_space<hbm>> -> memref<32x1024xf32, #tpu.memory_space<hbm>>
    %dma_start3A_969 = arith.constant 0 : i32
    %dma_start3A_970 = arith.constant 0 : i32
    %dma_start3A_971 = tpu.memref_slice %arg4[%dma_start3A_954, %dma_start3A_969, %dma_start3A_970] : memref<3x32x1024xf32, #tpu.memory_space<vmem>> -> memref<1x32x1024xf32, #tpu.memory_space<vmem>>
    %dma_start3A_972 = tpu.memref_squeeze %dma_start3A_971 : memref<1x32x1024xf32, #tpu.memory_space<vmem>> -> memref<32x1024xf32, #tpu.memory_space<vmem>>
    tpu.enqueue_dma source(%dma_start3A_972 : memref<32x1024xf32, #tpu.memory_space<vmem>>) target(%dma_start3A_968 : memref<32x1024xf32, #tpu.memory_space<hbm>>) target_semaphore(%dma_start3A_965 : memref<!tpu.dma_semaphore, #tpu.memory_space<semaphore_mem>>)
    %add3A_973 = arith.constant 128 : i32
    %add3A_974 = arith.addi %mul3A_2, %add3A_973 : i32
    %dma_wait3A_975 = arith.constant 1 : i32
    %dma_wait3A_976 = arith.constant 0 : i32
    %dma_wait3A_977 = arith.constant 1 : i32
    %dma_wait3A_978 = arith.constant 0 : i32
    %dma_wait3A_979 = arith.constant 0 : i32
    %dma_wait3A_980 = tpu.memref_slice %arg4[%dma_wait3A_975, %dma_wait3A_978, %dma_wait3A_979] : memref<3x32x1024xf32, #tpu.memory_space<vmem>> -> memref<1x32x1024xf32, #tpu.memory_space<vmem>>
    %dma_wait3A_981 = tpu.memref_squeeze %dma_wait3A_980 : memref<1x32x1024xf32, #tpu.memory_space<vmem>> -> memref<32x1024xf32, #tpu.memory_space<vmem>>
    %dma_wait3A_982 = arith.constant 0 : i32
    %dma_wait3A_983 = tpu.memref_slice %arg3[%dma_wait3A_976, %add3A_974, %dma_wait3A_982] : memref<4x8192x1024xf32, #tpu.memory_space<hbm>> -> memref<1x32x1024xf32, #tpu.memory_space<hbm>>
    %dma_wait3A_984 = tpu.memref_squeeze %dma_wait3A_983 : memref<1x32x1024xf32, #tpu.memory_space<hbm>> -> memref<32x1024xf32, #tpu.memory_space<hbm>>
    %dma_wait3A_985 = tpu.memref_slice %arg6[%dma_wait3A_977] : memref<3x!tpu.dma_semaphore, #tpu.memory_space<semaphore_mem>> -> memref<1x!tpu.dma_semaphore, #tpu.memory_space<semaphore_mem>>
    %dma_wait3A_986 = tpu.memref_squeeze %dma_wait3A_985 : memref<1x!tpu.dma_semaphore, #tpu.memory_space<semaphore_mem>> -> memref<!tpu.dma_semaphore, #tpu.memory_space<semaphore_mem>>
    %dma_wait3A_987 = arith.constant 0 : i32
    %dma_wait3A_988 = tpu.memref_slice %arg3[%dma_wait3A_976, %add3A_974, %dma_wait3A_987] : memref<4x8192x1024xf32, #tpu.memory_space<hbm>> -> memref<1x32x1024xf32, #tpu.memory_space<hbm>>
    %dma_wait3A_989 = tpu.memref_squeeze %dma_wait3A_988 : memref<1x32x1024xf32, #tpu.memory_space<hbm>> -> memref<32x1024xf32, #tpu.memory_space<hbm>>
    %dma_wait3A_990 = arith.constant 0 : i32
    %dma_wait3A_991 = arith.constant 0 : i32
    %dma_wait3A_992 = tpu.memref_slice %arg4[%dma_wait3A_975, %dma_wait3A_990, %dma_wait3A_991] : memref<3x32x1024xf32, #tpu.memory_space<vmem>> -> memref<1x32x1024xf32, #tpu.memory_space<vmem>>
    %dma_wait3A_993 = tpu.memref_squeeze %dma_wait3A_992 : memref<1x32x1024xf32, #tpu.memory_space<vmem>> -> memref<32x1024xf32, #tpu.memory_space<vmem>>
    tpu.wait_dma2 semaphore(%dma_wait3A_986 : memref<!tpu.dma_semaphore, #tpu.memory_space<semaphore_mem>>) src(%dma_wait3A_993 : memref<32x1024xf32, #tpu.memory_space<vmem>>) dst(%dma_wait3A_989 : memref<32x1024xf32, #tpu.memory_space<hbm>>)
    %add3A_994 = arith.constant 128 : i32
    %add3A_995 = arith.addi %mul3A_2, %add3A_994 : i32
    %dma_wait3A_996 = arith.constant 1 : i32
    %dma_wait3A_997 = arith.constant 1 : i32
    %dma_wait3A_998 = arith.constant 1 : i32
    %dma_wait3A_999 = arith.constant 0 : i32
    %dma_wait3A_1000 = arith.constant 0 : i32
    %dma_wait3A_1001 = tpu.memref_slice %arg4[%dma_wait3A_996, %dma_wait3A_999, %dma_wait3A_1000] : memref<3x32x1024xf32, #tpu.memory_space<vmem>> -> memref<1x32x1024xf32, #tpu.memory_space<vmem>>
    %dma_wait3A_1002 = tpu.memref_squeeze %dma_wait3A_1001 : memref<1x32x1024xf32, #tpu.memory_space<vmem>> -> memref<32x1024xf32, #tpu.memory_space<vmem>>
    %dma_wait3A_1003 = arith.constant 0 : i32
    %dma_wait3A_1004 = tpu.memref_slice %arg3[%dma_wait3A_997, %add3A_995, %dma_wait3A_1003] : memref<4x8192x1024xf32, #tpu.memory_space<hbm>> -> memref<1x32x1024xf32, #tpu.memory_space<hbm>>
    %dma_wait3A_1005 = tpu.memref_squeeze %dma_wait3A_1004 : memref<1x32x1024xf32, #tpu.memory_space<hbm>> -> memref<32x1024xf32, #tpu.memory_space<hbm>>
    %dma_wait3A_1006 = tpu.memref_slice %arg6[%dma_wait3A_998] : memref<3x!tpu.dma_semaphore, #tpu.memory_space<semaphore_mem>> -> memref<1x!tpu.dma_semaphore, #tpu.memory_space<semaphore_mem>>
    %dma_wait3A_1007 = tpu.memref_squeeze %dma_wait3A_1006 : memref<1x!tpu.dma_semaphore, #tpu.memory_space<semaphore_mem>> -> memref<!tpu.dma_semaphore, #tpu.memory_space<semaphore_mem>>
    %dma_wait3A_1008 = arith.constant 0 : i32
    %dma_wait3A_1009 = tpu.memref_slice %arg3[%dma_wait3A_997, %add3A_995, %dma_wait3A_1008] : memref<4x8192x1024xf32, #tpu.memory_space<hbm>> -> memref<1x32x1024xf32, #tpu.memory_space<hbm>>
    %dma_wait3A_1010 = tpu.memref_squeeze %dma_wait3A_1009 : memref<1x32x1024xf32, #tpu.memory_space<hbm>> -> memref<32x1024xf32, #tpu.memory_space<hbm>>
    %dma_wait3A_1011 = arith.constant 0 : i32
    %dma_wait3A_1012 = arith.constant 0 : i32
    %dma_wait3A_1013 = tpu.memref_slice %arg4[%dma_wait3A_996, %dma_wait3A_1011, %dma_wait3A_1012] : memref<3x32x1024xf32, #tpu.memory_space<vmem>> -> memref<1x32x1024xf32, #tpu.memory_space<vmem>>
    %dma_wait3A_1014 = tpu.memref_squeeze %dma_wait3A_1013 : memref<1x32x1024xf32, #tpu.memory_space<vmem>> -> memref<32x1024xf32, #tpu.memory_space<vmem>>
    tpu.wait_dma2 semaphore(%dma_wait3A_1007 : memref<!tpu.dma_semaphore, #tpu.memory_space<semaphore_mem>>) src(%dma_wait3A_1014 : memref<32x1024xf32, #tpu.memory_space<vmem>>) dst(%dma_wait3A_1010 : memref<32x1024xf32, #tpu.memory_space<hbm>>)
    %add3A_1015 = arith.constant 128 : i32
    %add3A_1016 = arith.addi %mul3A_2, %add3A_1015 : i32
    %dma_wait3A_1017 = arith.constant 1 : i32
    %dma_wait3A_1018 = arith.constant 2 : i32
    %dma_wait3A_1019 = arith.constant 1 : i32
    %dma_wait3A_1020 = arith.constant 0 : i32
    %dma_wait3A_1021 = arith.constant 0 : i32
    %dma_wait3A_1022 = tpu.memref_slice %arg4[%dma_wait3A_1017, %dma_wait3A_1020, %dma_wait3A_1021] : memref<3x32x1024xf32, #tpu.memory_space<vmem>> -> memref<1x32x1024xf32, #tpu.memory_space<vmem>>
    %dma_wait3A_1023 = tpu.memref_squeeze %dma_wait3A_1022 : memref<1x32x1024xf32, #tpu.memory_space<vmem>> -> memref<32x1024xf32, #tpu.memory_space<vmem>>
    %dma_wait3A_1024 = arith.constant 0 : i32
    %dma_wait3A_1025 = tpu.memref_slice %arg3[%dma_wait3A_1018, %add3A_1016, %dma_wait3A_1024] : memref<4x8192x1024xf32, #tpu.memory_space<hbm>> -> memref<1x32x1024xf32, #tpu.memory_space<hbm>>
    %dma_wait3A_1026 = tpu.memref_squeeze %dma_wait3A_1025 : memref<1x32x1024xf32, #tpu.memory_space<hbm>> -> memref<32x1024xf32, #tpu.memory_space<hbm>>
    %dma_wait3A_1027 = tpu.memref_slice %arg6[%dma_wait3A_1019] : memref<3x!tpu.dma_semaphore, #tpu.memory_space<semaphore_mem>> -> memref<1x!tpu.dma_semaphore, #tpu.memory_space<semaphore_mem>>
    %dma_wait3A_1028 = tpu.memref_squeeze %dma_wait3A_1027 : memref<1x!tpu.dma_semaphore, #tpu.memory_space<semaphore_mem>> -> memref<!tpu.dma_semaphore, #tpu.memory_space<semaphore_mem>>
    %dma_wait3A_1029 = arith.constant 0 : i32
    %dma_wait3A_1030 = tpu.memref_slice %arg3[%dma_wait3A_1018, %add3A_1016, %dma_wait3A_1029] : memref<4x8192x1024xf32, #tpu.memory_space<hbm>> -> memref<1x32x1024xf32, #tpu.memory_space<hbm>>
    %dma_wait3A_1031 = tpu.memref_squeeze %dma_wait3A_1030 : memref<1x32x1024xf32, #tpu.memory_space<hbm>> -> memref<32x1024xf32, #tpu.memory_space<hbm>>
    %dma_wait3A_1032 = arith.constant 0 : i32
    %dma_wait3A_1033 = arith.constant 0 : i32
    %dma_wait3A_1034 = tpu.memref_slice %arg4[%dma_wait3A_1017, %dma_wait3A_1032, %dma_wait3A_1033] : memref<3x32x1024xf32, #tpu.memory_space<vmem>> -> memref<1x32x1024xf32, #tpu.memory_space<vmem>>
    %dma_wait3A_1035 = tpu.memref_squeeze %dma_wait3A_1034 : memref<1x32x1024xf32, #tpu.memory_space<vmem>> -> memref<32x1024xf32, #tpu.memory_space<vmem>>
    tpu.wait_dma2 semaphore(%dma_wait3A_1028 : memref<!tpu.dma_semaphore, #tpu.memory_space<semaphore_mem>>) src(%dma_wait3A_1035 : memref<32x1024xf32, #tpu.memory_space<vmem>>) dst(%dma_wait3A_1031 : memref<32x1024xf32, #tpu.memory_space<hbm>>)
    %add3A_1036 = arith.constant 128 : i32
    %add3A_1037 = arith.addi %mul3A_2, %add3A_1036 : i32
    %dma_wait3A_1038 = arith.constant 1 : i32
    %dma_wait3A_1039 = arith.constant 3 : i32
    %dma_wait3A_1040 = arith.constant 1 : i32
    %dma_wait3A_1041 = arith.constant 0 : i32
    %dma_wait3A_1042 = arith.constant 0 : i32
    %dma_wait3A_1043 = tpu.memref_slice %arg4[%dma_wait3A_1038, %dma_wait3A_1041, %dma_wait3A_1042] : memref<3x32x1024xf32, #tpu.memory_space<vmem>> -> memref<1x32x1024xf32, #tpu.memory_space<vmem>>
    %dma_wait3A_1044 = tpu.memref_squeeze %dma_wait3A_1043 : memref<1x32x1024xf32, #tpu.memory_space<vmem>> -> memref<32x1024xf32, #tpu.memory_space<vmem>>
    %dma_wait3A_1045 = arith.constant 0 : i32
    %dma_wait3A_1046 = tpu.memref_slice %arg3[%dma_wait3A_1039, %add3A_1037, %dma_wait3A_1045] : memref<4x8192x1024xf32, #tpu.memory_space<hbm>> -> memref<1x32x1024xf32, #tpu.memory_space<hbm>>
    %dma_wait3A_1047 = tpu.memref_squeeze %dma_wait3A_1046 : memref<1x32x1024xf32, #tpu.memory_space<hbm>> -> memref<32x1024xf32, #tpu.memory_space<hbm>>
    %dma_wait3A_1048 = tpu.memref_slice %arg6[%dma_wait3A_1040] : memref<3x!tpu.dma_semaphore, #tpu.memory_space<semaphore_mem>> -> memref<1x!tpu.dma_semaphore, #tpu.memory_space<semaphore_mem>>
    %dma_wait3A_1049 = tpu.memref_squeeze %dma_wait3A_1048 : memref<1x!tpu.dma_semaphore, #tpu.memory_space<semaphore_mem>> -> memref<!tpu.dma_semaphore, #tpu.memory_space<semaphore_mem>>
    %dma_wait3A_1050 = arith.constant 0 : i32
    %dma_wait3A_1051 = tpu.memref_slice %arg3[%dma_wait3A_1039, %add3A_1037, %dma_wait3A_1050] : memref<4x8192x1024xf32, #tpu.memory_space<hbm>> -> memref<1x32x1024xf32, #tpu.memory_space<hbm>>
    %dma_wait3A_1052 = tpu.memref_squeeze %dma_wait3A_1051 : memref<1x32x1024xf32, #tpu.memory_space<hbm>> -> memref<32x1024xf32, #tpu.memory_space<hbm>>
    %dma_wait3A_1053 = arith.constant 0 : i32
    %dma_wait3A_1054 = arith.constant 0 : i32
    %dma_wait3A_1055 = tpu.memref_slice %arg4[%dma_wait3A_1038, %dma_wait3A_1053, %dma_wait3A_1054] : memref<3x32x1024xf32, #tpu.memory_space<vmem>> -> memref<1x32x1024xf32, #tpu.memory_space<vmem>>
    %dma_wait3A_1056 = tpu.memref_squeeze %dma_wait3A_1055 : memref<1x32x1024xf32, #tpu.memory_space<vmem>> -> memref<32x1024xf32, #tpu.memory_space<vmem>>
    tpu.wait_dma2 semaphore(%dma_wait3A_1049 : memref<!tpu.dma_semaphore, #tpu.memory_space<semaphore_mem>>) src(%dma_wait3A_1056 : memref<32x1024xf32, #tpu.memory_space<vmem>>) dst(%dma_wait3A_1052 : memref<32x1024xf32, #tpu.memory_space<hbm>>)
    %add3A_1057 = arith.constant 224 : i32
    %add3A_1058 = arith.addi %mul3A_2, %add3A_1057 : i32
    %dma_start3A_1059 = arith.constant 1 : i32
    %dma_start3A_1060 = arith.constant 1 : i32
    %dma_start3A_1061 = arith.constant 0 : i32
    %dma_start3A_1062 = arith.constant 0 : i32
    %dma_start3A_1063 = tpu.memref_slice %arg4[%dma_start3A_1059, %dma_start3A_1061, %dma_start3A_1062] : memref<3x32x1024xf32, #tpu.memory_space<vmem>> -> memref<1x32x1024xf32, #tpu.memory_space<vmem>>
    %dma_start3A_1064 = tpu.memref_squeeze %dma_start3A_1063 : memref<1x32x1024xf32, #tpu.memory_space<vmem>> -> memref<32x1024xf32, #tpu.memory_space<vmem>>
    %dma_start3A_1065 = arith.constant 0 : i32
    %dma_start3A_1066 = tpu.memref_slice %arg2[%add3A_1058, %dma_start3A_1065] : memref<8192x1024xf32, #tpu.memory_space<hbm>> -> memref<32x1024xf32, #tpu.memory_space<hbm>>
    %dma_start3A_1067 = tpu.memref_slice %arg5[%dma_start3A_1060] : memref<3x!tpu.dma_semaphore, #tpu.memory_space<semaphore_mem>> -> memref<1x!tpu.dma_semaphore, #tpu.memory_space<semaphore_mem>>
    %dma_start3A_1068 = tpu.memref_squeeze %dma_start3A_1067 : memref<1x!tpu.dma_semaphore, #tpu.memory_space<semaphore_mem>> -> memref<!tpu.dma_semaphore, #tpu.memory_space<semaphore_mem>>
    %dma_start3A_1069 = arith.constant 0 : i32
    %dma_start3A_1070 = arith.constant 0 : i32
    %dma_start3A_1071 = tpu.memref_slice %arg4[%dma_start3A_1059, %dma_start3A_1069, %dma_start3A_1070] : memref<3x32x1024xf32, #tpu.memory_space<vmem>> -> memref<1x32x1024xf32, #tpu.memory_space<vmem>>
    %dma_start3A_1072 = tpu.memref_squeeze %dma_start3A_1071 : memref<1x32x1024xf32, #tpu.memory_space<vmem>> -> memref<32x1024xf32, #tpu.memory_space<vmem>>
    %dma_start3A_1073 = arith.constant 0 : i32
    %dma_start3A_1074 = tpu.memref_slice %arg2[%add3A_1058, %dma_start3A_1073] : memref<8192x1024xf32, #tpu.memory_space<hbm>> -> memref<32x1024xf32, #tpu.memory_space<hbm>>
    tpu.enqueue_dma source(%dma_start3A_1074 : memref<32x1024xf32, #tpu.memory_space<hbm>>) target(%dma_start3A_1072 : memref<32x1024xf32, #tpu.memory_space<vmem>>) target_semaphore(%dma_start3A_1068 : memref<!tpu.dma_semaphore, #tpu.memory_space<semaphore_mem>>)
    %add3A_1075 = arith.constant 160 : i32
    %add3A_1076 = arith.addi %mul3A_2, %add3A_1075 : i32
    %dma_wait3A_1077 = arith.constant 2 : i32
    %dma_wait3A_1078 = arith.constant 2 : i32
    %dma_wait3A_1079 = arith.constant 0 : i32
    %dma_wait3A_1080 = arith.constant 0 : i32
    %dma_wait3A_1081 = tpu.memref_slice %arg4[%dma_wait3A_1077, %dma_wait3A_1079, %dma_wait3A_1080] : memref<3x32x1024xf32, #tpu.memory_space<vmem>> -> memref<1x32x1024xf32, #tpu.memory_space<vmem>>
    %dma_wait3A_1082 = tpu.memref_squeeze %dma_wait3A_1081 : memref<1x32x1024xf32, #tpu.memory_space<vmem>> -> memref<32x1024xf32, #tpu.memory_space<vmem>>
    %dma_wait3A_1083 = arith.constant 0 : i32
    %dma_wait3A_1084 = tpu.memref_slice %arg2[%add3A_1076, %dma_wait3A_1083] : memref<8192x1024xf32, #tpu.memory_space<hbm>> -> memref<32x1024xf32, #tpu.memory_space<hbm>>
    %dma_wait3A_1085 = tpu.memref_slice %arg5[%dma_wait3A_1078] : memref<3x!tpu.dma_semaphore, #tpu.memory_space<semaphore_mem>> -> memref<1x!tpu.dma_semaphore, #tpu.memory_space<semaphore_mem>>
    %dma_wait3A_1086 = tpu.memref_squeeze %dma_wait3A_1085 : memref<1x!tpu.dma_semaphore, #tpu.memory_space<semaphore_mem>> -> memref<!tpu.dma_semaphore, #tpu.memory_space<semaphore_mem>>
    %dma_wait3A_1087 = arith.constant 0 : i32
    %dma_wait3A_1088 = arith.constant 0 : i32
    %dma_wait3A_1089 = tpu.memref_slice %arg4[%dma_wait3A_1077, %dma_wait3A_1087, %dma_wait3A_1088] : memref<3x32x1024xf32, #tpu.memory_space<vmem>> -> memref<1x32x1024xf32, #tpu.memory_space<vmem>>
    %dma_wait3A_1090 = tpu.memref_squeeze %dma_wait3A_1089 : memref<1x32x1024xf32, #tpu.memory_space<vmem>> -> memref<32x1024xf32, #tpu.memory_space<vmem>>
    %dma_wait3A_1091 = arith.constant 0 : i32
    %dma_wait3A_1092 = tpu.memref_slice %arg2[%add3A_1076, %dma_wait3A_1091] : memref<8192x1024xf32, #tpu.memory_space<hbm>> -> memref<32x1024xf32, #tpu.memory_space<hbm>>
    tpu.wait_dma2 semaphore(%dma_wait3A_1086 : memref<!tpu.dma_semaphore, #tpu.memory_space<semaphore_mem>>) src(%dma_wait3A_1092 : memref<32x1024xf32, #tpu.memory_space<hbm>>) dst(%dma_wait3A_1090 : memref<32x1024xf32, #tpu.memory_space<vmem>>)
    %add3A_1093 = arith.constant 160 : i32
    %add3A_1094 = arith.addi %mul3A_2, %add3A_1093 : i32
    %dma_start3A_1095 = arith.constant 2 : i32
    %dma_start3A_1096 = arith.constant 0 : i32
    %dma_start3A_1097 = arith.constant 2 : i32
    %dma_start3A_1098 = arith.constant 0 : i32
    %dma_start3A_1099 = arith.constant 0 : i32
    %dma_start3A_1100 = tpu.memref_slice %arg4[%dma_start3A_1095, %dma_start3A_1098, %dma_start3A_1099] : memref<3x32x1024xf32, #tpu.memory_space<vmem>> -> memref<1x32x1024xf32, #tpu.memory_space<vmem>>
    %dma_start3A_1101 = tpu.memref_squeeze %dma_start3A_1100 : memref<1x32x1024xf32, #tpu.memory_space<vmem>> -> memref<32x1024xf32, #tpu.memory_space<vmem>>
    %dma_start3A_1102 = arith.constant 0 : i32
    %dma_start3A_1103 = tpu.memref_slice %arg3[%dma_start3A_1096, %add3A_1094, %dma_start3A_1102] : memref<4x8192x1024xf32, #tpu.memory_space<hbm>> -> memref<1x32x1024xf32, #tpu.memory_space<hbm>>
    %dma_start3A_1104 = tpu.memref_squeeze %dma_start3A_1103 : memref<1x32x1024xf32, #tpu.memory_space<hbm>> -> memref<32x1024xf32, #tpu.memory_space<hbm>>
    %dma_start3A_1105 = tpu.memref_slice %arg6[%dma_start3A_1097] : memref<3x!tpu.dma_semaphore, #tpu.memory_space<semaphore_mem>> -> memref<1x!tpu.dma_semaphore, #tpu.memory_space<semaphore_mem>>
    %dma_start3A_1106 = tpu.memref_squeeze %dma_start3A_1105 : memref<1x!tpu.dma_semaphore, #tpu.memory_space<semaphore_mem>> -> memref<!tpu.dma_semaphore, #tpu.memory_space<semaphore_mem>>
    %dma_start3A_1107 = arith.constant 0 : i32
    %dma_start3A_1108 = tpu.memref_slice %arg3[%dma_start3A_1096, %add3A_1094, %dma_start3A_1107] : memref<4x8192x1024xf32, #tpu.memory_space<hbm>> -> memref<1x32x1024xf32, #tpu.memory_space<hbm>>
    %dma_start3A_1109 = tpu.memref_squeeze %dma_start3A_1108 : memref<1x32x1024xf32, #tpu.memory_space<hbm>> -> memref<32x1024xf32, #tpu.memory_space<hbm>>
    %dma_start3A_1110 = arith.constant 0 : i32
    %dma_start3A_1111 = arith.constant 0 : i32
    %dma_start3A_1112 = tpu.memref_slice %arg4[%dma_start3A_1095, %dma_start3A_1110, %dma_start3A_1111] : memref<3x32x1024xf32, #tpu.memory_space<vmem>> -> memref<1x32x1024xf32, #tpu.memory_space<vmem>>
    %dma_start3A_1113 = tpu.memref_squeeze %dma_start3A_1112 : memref<1x32x1024xf32, #tpu.memory_space<vmem>> -> memref<32x1024xf32, #tpu.memory_space<vmem>>
    tpu.enqueue_dma source(%dma_start3A_1113 : memref<32x1024xf32, #tpu.memory_space<vmem>>) target(%dma_start3A_1109 : memref<32x1024xf32, #tpu.memory_space<hbm>>) target_semaphore(%dma_start3A_1106 : memref<!tpu.dma_semaphore, #tpu.memory_space<semaphore_mem>>)
    %add3A_1114 = arith.constant 160 : i32
    %add3A_1115 = arith.addi %mul3A_2, %add3A_1114 : i32
    %dma_start3A_1116 = arith.constant 2 : i32
    %dma_start3A_1117 = arith.constant 1 : i32
    %dma_start3A_1118 = arith.constant 2 : i32
    %dma_start3A_1119 = arith.constant 0 : i32
    %dma_start3A_1120 = arith.constant 0 : i32
    %dma_start3A_1121 = tpu.memref_slice %arg4[%dma_start3A_1116, %dma_start3A_1119, %dma_start3A_1120] : memref<3x32x1024xf32, #tpu.memory_space<vmem>> -> memref<1x32x1024xf32, #tpu.memory_space<vmem>>
    %dma_start3A_1122 = tpu.memref_squeeze %dma_start3A_1121 : memref<1x32x1024xf32, #tpu.memory_space<vmem>> -> memref<32x1024xf32, #tpu.memory_space<vmem>>
    %dma_start3A_1123 = arith.constant 0 : i32
    %dma_start3A_1124 = tpu.memref_slice %arg3[%dma_start3A_1117, %add3A_1115, %dma_start3A_1123] : memref<4x8192x1024xf32, #tpu.memory_space<hbm>> -> memref<1x32x1024xf32, #tpu.memory_space<hbm>>
    %dma_start3A_1125 = tpu.memref_squeeze %dma_start3A_1124 : memref<1x32x1024xf32, #tpu.memory_space<hbm>> -> memref<32x1024xf32, #tpu.memory_space<hbm>>
    %dma_start3A_1126 = tpu.memref_slice %arg6[%dma_start3A_1118] : memref<3x!tpu.dma_semaphore, #tpu.memory_space<semaphore_mem>> -> memref<1x!tpu.dma_semaphore, #tpu.memory_space<semaphore_mem>>
    %dma_start3A_1127 = tpu.memref_squeeze %dma_start3A_1126 : memref<1x!tpu.dma_semaphore, #tpu.memory_space<semaphore_mem>> -> memref<!tpu.dma_semaphore, #tpu.memory_space<semaphore_mem>>
    %dma_start3A_1128 = arith.constant 0 : i32
    %dma_start3A_1129 = tpu.memref_slice %arg3[%dma_start3A_1117, %add3A_1115, %dma_start3A_1128] : memref<4x8192x1024xf32, #tpu.memory_space<hbm>> -> memref<1x32x1024xf32, #tpu.memory_space<hbm>>
    %dma_start3A_1130 = tpu.memref_squeeze %dma_start3A_1129 : memref<1x32x1024xf32, #tpu.memory_space<hbm>> -> memref<32x1024xf32, #tpu.memory_space<hbm>>
    %dma_start3A_1131 = arith.constant 0 : i32
    %dma_start3A_1132 = arith.constant 0 : i32
    %dma_start3A_1133 = tpu.memref_slice %arg4[%dma_start3A_1116, %dma_start3A_1131, %dma_start3A_1132] : memref<3x32x1024xf32, #tpu.memory_space<vmem>> -> memref<1x32x1024xf32, #tpu.memory_space<vmem>>
    %dma_start3A_1134 = tpu.memref_squeeze %dma_start3A_1133 : memref<1x32x1024xf32, #tpu.memory_space<vmem>> -> memref<32x1024xf32, #tpu.memory_space<vmem>>
    tpu.enqueue_dma source(%dma_start3A_1134 : memref<32x1024xf32, #tpu.memory_space<vmem>>) target(%dma_start3A_1130 : memref<32x1024xf32, #tpu.memory_space<hbm>>) target_semaphore(%dma_start3A_1127 : memref<!tpu.dma_semaphore, #tpu.memory_space<semaphore_mem>>)
    %add3A_1135 = arith.constant 160 : i32
    %add3A_1136 = arith.addi %mul3A_2, %add3A_1135 : i32
    %dma_start3A_1137 = arith.constant 2 : i32
    %dma_start3A_1138 = arith.constant 2 : i32
    %dma_start3A_1139 = arith.constant 2 : i32
    %dma_start3A_1140 = arith.constant 0 : i32
    %dma_start3A_1141 = arith.constant 0 : i32
    %dma_start3A_1142 = tpu.memref_slice %arg4[%dma_start3A_1137, %dma_start3A_1140, %dma_start3A_1141] : memref<3x32x1024xf32, #tpu.memory_space<vmem>> -> memref<1x32x1024xf32, #tpu.memory_space<vmem>>
    %dma_start3A_1143 = tpu.memref_squeeze %dma_start3A_1142 : memref<1x32x1024xf32, #tpu.memory_space<vmem>> -> memref<32x1024xf32, #tpu.memory_space<vmem>>
    %dma_start3A_1144 = arith.constant 0 : i32
    %dma_start3A_1145 = tpu.memref_slice %arg3[%dma_start3A_1138, %add3A_1136, %dma_start3A_1144] : memref<4x8192x1024xf32, #tpu.memory_space<hbm>> -> memref<1x32x1024xf32, #tpu.memory_space<hbm>>
    %dma_start3A_1146 = tpu.memref_squeeze %dma_start3A_1145 : memref<1x32x1024xf32, #tpu.memory_space<hbm>> -> memref<32x1024xf32, #tpu.memory_space<hbm>>
    %dma_start3A_1147 = tpu.memref_slice %arg6[%dma_start3A_1139] : memref<3x!tpu.dma_semaphore, #tpu.memory_space<semaphore_mem>> -> memref<1x!tpu.dma_semaphore, #tpu.memory_space<semaphore_mem>>
    %dma_start3A_1148 = tpu.memref_squeeze %dma_start3A_1147 : memref<1x!tpu.dma_semaphore, #tpu.memory_space<semaphore_mem>> -> memref<!tpu.dma_semaphore, #tpu.memory_space<semaphore_mem>>
    %dma_start3A_1149 = arith.constant 0 : i32
    %dma_start3A_1150 = tpu.memref_slice %arg3[%dma_start3A_1138, %add3A_1136, %dma_start3A_1149] : memref<4x8192x1024xf32, #tpu.memory_space<hbm>> -> memref<1x32x1024xf32, #tpu.memory_space<hbm>>
    %dma_start3A_1151 = tpu.memref_squeeze %dma_start3A_1150 : memref<1x32x1024xf32, #tpu.memory_space<hbm>> -> memref<32x1024xf32, #tpu.memory_space<hbm>>
    %dma_start3A_1152 = arith.constant 0 : i32
    %dma_start3A_1153 = arith.constant 0 : i32
    %dma_start3A_1154 = tpu.memref_slice %arg4[%dma_start3A_1137, %dma_start3A_1152, %dma_start3A_1153] : memref<3x32x1024xf32, #tpu.memory_space<vmem>> -> memref<1x32x1024xf32, #tpu.memory_space<vmem>>
    %dma_start3A_1155 = tpu.memref_squeeze %dma_start3A_1154 : memref<1x32x1024xf32, #tpu.memory_space<vmem>> -> memref<32x1024xf32, #tpu.memory_space<vmem>>
    tpu.enqueue_dma source(%dma_start3A_1155 : memref<32x1024xf32, #tpu.memory_space<vmem>>) target(%dma_start3A_1151 : memref<32x1024xf32, #tpu.memory_space<hbm>>) target_semaphore(%dma_start3A_1148 : memref<!tpu.dma_semaphore, #tpu.memory_space<semaphore_mem>>)
    %add3A_1156 = arith.constant 160 : i32
    %add3A_1157 = arith.addi %mul3A_2, %add3A_1156 : i32
    %dma_start3A_1158 = arith.constant 2 : i32
    %dma_start3A_1159 = arith.constant 3 : i32
    %dma_start3A_1160 = arith.constant 2 : i32
    %dma_start3A_1161 = arith.constant 0 : i32
    %dma_start3A_1162 = arith.constant 0 : i32
    %dma_start3A_1163 = tpu.memref_slice %arg4[%dma_start3A_1158, %dma_start3A_1161, %dma_start3A_1162] : memref<3x32x1024xf32, #tpu.memory_space<vmem>> -> memref<1x32x1024xf32, #tpu.memory_space<vmem>>
    %dma_start3A_1164 = tpu.memref_squeeze %dma_start3A_1163 : memref<1x32x1024xf32, #tpu.memory_space<vmem>> -> memref<32x1024xf32, #tpu.memory_space<vmem>>
    %dma_start3A_1165 = arith.constant 0 : i32
    %dma_start3A_1166 = tpu.memref_slice %arg3[%dma_start3A_1159, %add3A_1157, %dma_start3A_1165] : memref<4x8192x1024xf32, #tpu.memory_space<hbm>> -> memref<1x32x1024xf32, #tpu.memory_space<hbm>>
    %dma_start3A_1167 = tpu.memref_squeeze %dma_start3A_1166 : memref<1x32x1024xf32, #tpu.memory_space<hbm>> -> memref<32x1024xf32, #tpu.memory_space<hbm>>
    %dma_start3A_1168 = tpu.memref_slice %arg6[%dma_start3A_1160] : memref<3x!tpu.dma_semaphore, #tpu.memory_space<semaphore_mem>> -> memref<1x!tpu.dma_semaphore, #tpu.memory_space<semaphore_mem>>
    %dma_start3A_1169 = tpu.memref_squeeze %dma_start3A_1168 : memref<1x!tpu.dma_semaphore, #tpu.memory_space<semaphore_mem>> -> memref<!tpu.dma_semaphore, #tpu.memory_space<semaphore_mem>>
    %dma_start3A_1170 = arith.constant 0 : i32
    %dma_start3A_1171 = tpu.memref_slice %arg3[%dma_start3A_1159, %add3A_1157, %dma_start3A_1170] : memref<4x8192x1024xf32, #tpu.memory_space<hbm>> -> memref<1x32x1024xf32, #tpu.memory_space<hbm>>
    %dma_start3A_1172 = tpu.memref_squeeze %dma_start3A_1171 : memref<1x32x1024xf32, #tpu.memory_space<hbm>> -> memref<32x1024xf32, #tpu.memory_space<hbm>>
    %dma_start3A_1173 = arith.constant 0 : i32
    %dma_start3A_1174 = arith.constant 0 : i32
    %dma_start3A_1175 = tpu.memref_slice %arg4[%dma_start3A_1158, %dma_start3A_1173, %dma_start3A_1174] : memref<3x32x1024xf32, #tpu.memory_space<vmem>> -> memref<1x32x1024xf32, #tpu.memory_space<vmem>>
    %dma_start3A_1176 = tpu.memref_squeeze %dma_start3A_1175 : memref<1x32x1024xf32, #tpu.memory_space<vmem>> -> memref<32x1024xf32, #tpu.memory_space<vmem>>
    tpu.enqueue_dma source(%dma_start3A_1176 : memref<32x1024xf32, #tpu.memory_space<vmem>>) target(%dma_start3A_1172 : memref<32x1024xf32, #tpu.memory_space<hbm>>) target_semaphore(%dma_start3A_1169 : memref<!tpu.dma_semaphore, #tpu.memory_space<semaphore_mem>>)
    %add3A_1177 = arith.constant 192 : i32
    %add3A_1178 = arith.addi %mul3A_2, %add3A_1177 : i32
    %dma_wait3A_1179 = arith.constant 0 : i32
    %dma_wait3A_1180 = arith.constant 0 : i32
    %dma_wait3A_1181 = arith.constant 0 : i32
    %dma_wait3A_1182 = arith.constant 0 : i32
    %dma_wait3A_1183 = tpu.memref_slice %arg4[%dma_wait3A_1179, %dma_wait3A_1181, %dma_wait3A_1182] : memref<3x32x1024xf32, #tpu.memory_space<vmem>> -> memref<1x32x1024xf32, #tpu.memory_space<vmem>>
    %dma_wait3A_1184 = tpu.memref_squeeze %dma_wait3A_1183 : memref<1x32x1024xf32, #tpu.memory_space<vmem>> -> memref<32x1024xf32, #tpu.memory_space<vmem>>
    %dma_wait3A_1185 = arith.constant 0 : i32
    %dma_wait3A_1186 = tpu.memref_slice %arg2[%add3A_1178, %dma_wait3A_1185] : memref<8192x1024xf32, #tpu.memory_space<hbm>> -> memref<32x1024xf32, #tpu.memory_space<hbm>>
    %dma_wait3A_1187 = tpu.memref_slice %arg5[%dma_wait3A_1180] : memref<3x!tpu.dma_semaphore, #tpu.memory_space<semaphore_mem>> -> memref<1x!tpu.dma_semaphore, #tpu.memory_space<semaphore_mem>>
    %dma_wait3A_1188 = tpu.memref_squeeze %dma_wait3A_1187 : memref<1x!tpu.dma_semaphore, #tpu.memory_space<semaphore_mem>> -> memref<!tpu.dma_semaphore, #tpu.memory_space<semaphore_mem>>
    %dma_wait3A_1189 = arith.constant 0 : i32
    %dma_wait3A_1190 = arith.constant 0 : i32
    %dma_wait3A_1191 = tpu.memref_slice %arg4[%dma_wait3A_1179, %dma_wait3A_1189, %dma_wait3A_1190] : memref<3x32x1024xf32, #tpu.memory_space<vmem>> -> memref<1x32x1024xf32, #tpu.memory_space<vmem>>
    %dma_wait3A_1192 = tpu.memref_squeeze %dma_wait3A_1191 : memref<1x32x1024xf32, #tpu.memory_space<vmem>> -> memref<32x1024xf32, #tpu.memory_space<vmem>>
    %dma_wait3A_1193 = arith.constant 0 : i32
    %dma_wait3A_1194 = tpu.memref_slice %arg2[%add3A_1178, %dma_wait3A_1193] : memref<8192x1024xf32, #tpu.memory_space<hbm>> -> memref<32x1024xf32, #tpu.memory_space<hbm>>
    tpu.wait_dma2 semaphore(%dma_wait3A_1188 : memref<!tpu.dma_semaphore, #tpu.memory_space<semaphore_mem>>) src(%dma_wait3A_1194 : memref<32x1024xf32, #tpu.memory_space<hbm>>) dst(%dma_wait3A_1192 : memref<32x1024xf32, #tpu.memory_space<vmem>>)
    %add3A_1195 = arith.constant 192 : i32
    %add3A_1196 = arith.addi %mul3A_2, %add3A_1195 : i32
    %dma_start3A_1197 = arith.constant 0 : i32
    %dma_start3A_1198 = arith.constant 0 : i32
    %dma_start3A_1199 = arith.constant 0 : i32
    %dma_start3A_1200 = arith.constant 0 : i32
    %dma_start3A_1201 = arith.constant 0 : i32
    %dma_start3A_1202 = tpu.memref_slice %arg4[%dma_start3A_1197, %dma_start3A_1200, %dma_start3A_1201] : memref<3x32x1024xf32, #tpu.memory_space<vmem>> -> memref<1x32x1024xf32, #tpu.memory_space<vmem>>
    %dma_start3A_1203 = tpu.memref_squeeze %dma_start3A_1202 : memref<1x32x1024xf32, #tpu.memory_space<vmem>> -> memref<32x1024xf32, #tpu.memory_space<vmem>>
    %dma_start3A_1204 = arith.constant 0 : i32
    %dma_start3A_1205 = tpu.memref_slice %arg3[%dma_start3A_1198, %add3A_1196, %dma_start3A_1204] : memref<4x8192x1024xf32, #tpu.memory_space<hbm>> -> memref<1x32x1024xf32, #tpu.memory_space<hbm>>
    %dma_start3A_1206 = tpu.memref_squeeze %dma_start3A_1205 : memref<1x32x1024xf32, #tpu.memory_space<hbm>> -> memref<32x1024xf32, #tpu.memory_space<hbm>>
    %dma_start3A_1207 = tpu.memref_slice %arg6[%dma_start3A_1199] : memref<3x!tpu.dma_semaphore, #tpu.memory_space<semaphore_mem>> -> memref<1x!tpu.dma_semaphore, #tpu.memory_space<semaphore_mem>>
    %dma_start3A_1208 = tpu.memref_squeeze %dma_start3A_1207 : memref<1x!tpu.dma_semaphore, #tpu.memory_space<semaphore_mem>> -> memref<!tpu.dma_semaphore, #tpu.memory_space<semaphore_mem>>
    %dma_start3A_1209 = arith.constant 0 : i32
    %dma_start3A_1210 = tpu.memref_slice %arg3[%dma_start3A_1198, %add3A_1196, %dma_start3A_1209] : memref<4x8192x1024xf32, #tpu.memory_space<hbm>> -> memref<1x32x1024xf32, #tpu.memory_space<hbm>>
    %dma_start3A_1211 = tpu.memref_squeeze %dma_start3A_1210 : memref<1x32x1024xf32, #tpu.memory_space<hbm>> -> memref<32x1024xf32, #tpu.memory_space<hbm>>
    %dma_start3A_1212 = arith.constant 0 : i32
    %dma_start3A_1213 = arith.constant 0 : i32
    %dma_start3A_1214 = tpu.memref_slice %arg4[%dma_start3A_1197, %dma_start3A_1212, %dma_start3A_1213] : memref<3x32x1024xf32, #tpu.memory_space<vmem>> -> memref<1x32x1024xf32, #tpu.memory_space<vmem>>
    %dma_start3A_1215 = tpu.memref_squeeze %dma_start3A_1214 : memref<1x32x1024xf32, #tpu.memory_space<vmem>> -> memref<32x1024xf32, #tpu.memory_space<vmem>>
    tpu.enqueue_dma source(%dma_start3A_1215 : memref<32x1024xf32, #tpu.memory_space<vmem>>) target(%dma_start3A_1211 : memref<32x1024xf32, #tpu.memory_space<hbm>>) target_semaphore(%dma_start3A_1208 : memref<!tpu.dma_semaphore, #tpu.memory_space<semaphore_mem>>)
    %add3A_1216 = arith.constant 192 : i32
    %add3A_1217 = arith.addi %mul3A_2, %add3A_1216 : i32
    %dma_start3A_1218 = arith.constant 0 : i32
    %dma_start3A_1219 = arith.constant 1 : i32
    %dma_start3A_1220 = arith.constant 0 : i32
    %dma_start3A_1221 = arith.constant 0 : i32
    %dma_start3A_1222 = arith.constant 0 : i32
    %dma_start3A_1223 = tpu.memref_slice %arg4[%dma_start3A_1218, %dma_start3A_1221, %dma_start3A_1222] : memref<3x32x1024xf32, #tpu.memory_space<vmem>> -> memref<1x32x1024xf32, #tpu.memory_space<vmem>>
    %dma_start3A_1224 = tpu.memref_squeeze %dma_start3A_1223 : memref<1x32x1024xf32, #tpu.memory_space<vmem>> -> memref<32x1024xf32, #tpu.memory_space<vmem>>
    %dma_start3A_1225 = arith.constant 0 : i32
    %dma_start3A_1226 = tpu.memref_slice %arg3[%dma_start3A_1219, %add3A_1217, %dma_start3A_1225] : memref<4x8192x1024xf32, #tpu.memory_space<hbm>> -> memref<1x32x1024xf32, #tpu.memory_space<hbm>>
    %dma_start3A_1227 = tpu.memref_squeeze %dma_start3A_1226 : memref<1x32x1024xf32, #tpu.memory_space<hbm>> -> memref<32x1024xf32, #tpu.memory_space<hbm>>
    %dma_start3A_1228 = tpu.memref_slice %arg6[%dma_start3A_1220] : memref<3x!tpu.dma_semaphore, #tpu.memory_space<semaphore_mem>> -> memref<1x!tpu.dma_semaphore, #tpu.memory_space<semaphore_mem>>
    %dma_start3A_1229 = tpu.memref_squeeze %dma_start3A_1228 : memref<1x!tpu.dma_semaphore, #tpu.memory_space<semaphore_mem>> -> memref<!tpu.dma_semaphore, #tpu.memory_space<semaphore_mem>>
    %dma_start3A_1230 = arith.constant 0 : i32
    %dma_start3A_1231 = tpu.memref_slice %arg3[%dma_start3A_1219, %add3A_1217, %dma_start3A_1230] : memref<4x8192x1024xf32, #tpu.memory_space<hbm>> -> memref<1x32x1024xf32, #tpu.memory_space<hbm>>
    %dma_start3A_1232 = tpu.memref_squeeze %dma_start3A_1231 : memref<1x32x1024xf32, #tpu.memory_space<hbm>> -> memref<32x1024xf32, #tpu.memory_space<hbm>>
    %dma_start3A_1233 = arith.constant 0 : i32
    %dma_start3A_1234 = arith.constant 0 : i32
    %dma_start3A_1235 = tpu.memref_slice %arg4[%dma_start3A_1218, %dma_start3A_1233, %dma_start3A_1234] : memref<3x32x1024xf32, #tpu.memory_space<vmem>> -> memref<1x32x1024xf32, #tpu.memory_space<vmem>>
    %dma_start3A_1236 = tpu.memref_squeeze %dma_start3A_1235 : memref<1x32x1024xf32, #tpu.memory_space<vmem>> -> memref<32x1024xf32, #tpu.memory_space<vmem>>
    tpu.enqueue_dma source(%dma_start3A_1236 : memref<32x1024xf32, #tpu.memory_space<vmem>>) target(%dma_start3A_1232 : memref<32x1024xf32, #tpu.memory_space<hbm>>) target_semaphore(%dma_start3A_1229 : memref<!tpu.dma_semaphore, #tpu.memory_space<semaphore_mem>>)
    %add3A_1237 = arith.constant 192 : i32
    %add3A_1238 = arith.addi %mul3A_2, %add3A_1237 : i32
    %dma_start3A_1239 = arith.constant 0 : i32
    %dma_start3A_1240 = arith.constant 2 : i32
    %dma_start3A_1241 = arith.constant 0 : i32
    %dma_start3A_1242 = arith.constant 0 : i32
    %dma_start3A_1243 = arith.constant 0 : i32
    %dma_start3A_1244 = tpu.memref_slice %arg4[%dma_start3A_1239, %dma_start3A_1242, %dma_start3A_1243] : memref<3x32x1024xf32, #tpu.memory_space<vmem>> -> memref<1x32x1024xf32, #tpu.memory_space<vmem>>
    %dma_start3A_1245 = tpu.memref_squeeze %dma_start3A_1244 : memref<1x32x1024xf32, #tpu.memory_space<vmem>> -> memref<32x1024xf32, #tpu.memory_space<vmem>>
    %dma_start3A_1246 = arith.constant 0 : i32
    %dma_start3A_1247 = tpu.memref_slice %arg3[%dma_start3A_1240, %add3A_1238, %dma_start3A_1246] : memref<4x8192x1024xf32, #tpu.memory_space<hbm>> -> memref<1x32x1024xf32, #tpu.memory_space<hbm>>
    %dma_start3A_1248 = tpu.memref_squeeze %dma_start3A_1247 : memref<1x32x1024xf32, #tpu.memory_space<hbm>> -> memref<32x1024xf32, #tpu.memory_space<hbm>>
    %dma_start3A_1249 = tpu.memref_slice %arg6[%dma_start3A_1241] : memref<3x!tpu.dma_semaphore, #tpu.memory_space<semaphore_mem>> -> memref<1x!tpu.dma_semaphore, #tpu.memory_space<semaphore_mem>>
    %dma_start3A_1250 = tpu.memref_squeeze %dma_start3A_1249 : memref<1x!tpu.dma_semaphore, #tpu.memory_space<semaphore_mem>> -> memref<!tpu.dma_semaphore, #tpu.memory_space<semaphore_mem>>
    %dma_start3A_1251 = arith.constant 0 : i32
    %dma_start3A_1252 = tpu.memref_slice %arg3[%dma_start3A_1240, %add3A_1238, %dma_start3A_1251] : memref<4x8192x1024xf32, #tpu.memory_space<hbm>> -> memref<1x32x1024xf32, #tpu.memory_space<hbm>>
    %dma_start3A_1253 = tpu.memref_squeeze %dma_start3A_1252 : memref<1x32x1024xf32, #tpu.memory_space<hbm>> -> memref<32x1024xf32, #tpu.memory_space<hbm>>
    %dma_start3A_1254 = arith.constant 0 : i32
    %dma_start3A_1255 = arith.constant 0 : i32
    %dma_start3A_1256 = tpu.memref_slice %arg4[%dma_start3A_1239, %dma_start3A_1254, %dma_start3A_1255] : memref<3x32x1024xf32, #tpu.memory_space<vmem>> -> memref<1x32x1024xf32, #tpu.memory_space<vmem>>
    %dma_start3A_1257 = tpu.memref_squeeze %dma_start3A_1256 : memref<1x32x1024xf32, #tpu.memory_space<vmem>> -> memref<32x1024xf32, #tpu.memory_space<vmem>>
    tpu.enqueue_dma source(%dma_start3A_1257 : memref<32x1024xf32, #tpu.memory_space<vmem>>) target(%dma_start3A_1253 : memref<32x1024xf32, #tpu.memory_space<hbm>>) target_semaphore(%dma_start3A_1250 : memref<!tpu.dma_semaphore, #tpu.memory_space<semaphore_mem>>)
    %add3A_1258 = arith.constant 192 : i32
    %add3A_1259 = arith.addi %mul3A_2, %add3A_1258 : i32
    %dma_start3A_1260 = arith.constant 0 : i32
    %dma_start3A_1261 = arith.constant 3 : i32
    %dma_start3A_1262 = arith.constant 0 : i32
    %dma_start3A_1263 = arith.constant 0 : i32
    %dma_start3A_1264 = arith.constant 0 : i32
    %dma_start3A_1265 = tpu.memref_slice %arg4[%dma_start3A_1260, %dma_start3A_1263, %dma_start3A_1264] : memref<3x32x1024xf32, #tpu.memory_space<vmem>> -> memref<1x32x1024xf32, #tpu.memory_space<vmem>>
    %dma_start3A_1266 = tpu.memref_squeeze %dma_start3A_1265 : memref<1x32x1024xf32, #tpu.memory_space<vmem>> -> memref<32x1024xf32, #tpu.memory_space<vmem>>
    %dma_start3A_1267 = arith.constant 0 : i32
    %dma_start3A_1268 = tpu.memref_slice %arg3[%dma_start3A_1261, %add3A_1259, %dma_start3A_1267] : memref<4x8192x1024xf32, #tpu.memory_space<hbm>> -> memref<1x32x1024xf32, #tpu.memory_space<hbm>>
    %dma_start3A_1269 = tpu.memref_squeeze %dma_start3A_1268 : memref<1x32x1024xf32, #tpu.memory_space<hbm>> -> memref<32x1024xf32, #tpu.memory_space<hbm>>
    %dma_start3A_1270 = tpu.memref_slice %arg6[%dma_start3A_1262] : memref<3x!tpu.dma_semaphore, #tpu.memory_space<semaphore_mem>> -> memref<1x!tpu.dma_semaphore, #tpu.memory_space<semaphore_mem>>
    %dma_start3A_1271 = tpu.memref_squeeze %dma_start3A_1270 : memref<1x!tpu.dma_semaphore, #tpu.memory_space<semaphore_mem>> -> memref<!tpu.dma_semaphore, #tpu.memory_space<semaphore_mem>>
    %dma_start3A_1272 = arith.constant 0 : i32
    %dma_start3A_1273 = tpu.memref_slice %arg3[%dma_start3A_1261, %add3A_1259, %dma_start3A_1272] : memref<4x8192x1024xf32, #tpu.memory_space<hbm>> -> memref<1x32x1024xf32, #tpu.memory_space<hbm>>
    %dma_start3A_1274 = tpu.memref_squeeze %dma_start3A_1273 : memref<1x32x1024xf32, #tpu.memory_space<hbm>> -> memref<32x1024xf32, #tpu.memory_space<hbm>>
    %dma_start3A_1275 = arith.constant 0 : i32
    %dma_start3A_1276 = arith.constant 0 : i32
    %dma_start3A_1277 = tpu.memref_slice %arg4[%dma_start3A_1260, %dma_start3A_1275, %dma_start3A_1276] : memref<3x32x1024xf32, #tpu.memory_space<vmem>> -> memref<1x32x1024xf32, #tpu.memory_space<vmem>>
    %dma_start3A_1278 = tpu.memref_squeeze %dma_start3A_1277 : memref<1x32x1024xf32, #tpu.memory_space<vmem>> -> memref<32x1024xf32, #tpu.memory_space<vmem>>
    tpu.enqueue_dma source(%dma_start3A_1278 : memref<32x1024xf32, #tpu.memory_space<vmem>>) target(%dma_start3A_1274 : memref<32x1024xf32, #tpu.memory_space<hbm>>) target_semaphore(%dma_start3A_1271 : memref<!tpu.dma_semaphore, #tpu.memory_space<semaphore_mem>>)
    %add3A_1279 = arith.constant 224 : i32
    %add3A_1280 = arith.addi %mul3A_2, %add3A_1279 : i32
    %dma_wait3A_1281 = arith.constant 1 : i32
    %dma_wait3A_1282 = arith.constant 1 : i32
    %dma_wait3A_1283 = arith.constant 0 : i32
    %dma_wait3A_1284 = arith.constant 0 : i32
    %dma_wait3A_1285 = tpu.memref_slice %arg4[%dma_wait3A_1281, %dma_wait3A_1283, %dma_wait3A_1284] : memref<3x32x1024xf32, #tpu.memory_space<vmem>> -> memref<1x32x1024xf32, #tpu.memory_space<vmem>>
    %dma_wait3A_1286 = tpu.memref_squeeze %dma_wait3A_1285 : memref<1x32x1024xf32, #tpu.memory_space<vmem>> -> memref<32x1024xf32, #tpu.memory_space<vmem>>
    %dma_wait3A_1287 = arith.constant 0 : i32
    %dma_wait3A_1288 = tpu.memref_slice %arg2[%add3A_1280, %dma_wait3A_1287] : memref<8192x1024xf32, #tpu.memory_space<hbm>> -> memref<32x1024xf32, #tpu.memory_space<hbm>>
    %dma_wait3A_1289 = tpu.memref_slice %arg5[%dma_wait3A_1282] : memref<3x!tpu.dma_semaphore, #tpu.memory_space<semaphore_mem>> -> memref<1x!tpu.dma_semaphore, #tpu.memory_space<semaphore_mem>>
    %dma_wait3A_1290 = tpu.memref_squeeze %dma_wait3A_1289 : memref<1x!tpu.dma_semaphore, #tpu.memory_space<semaphore_mem>> -> memref<!tpu.dma_semaphore, #tpu.memory_space<semaphore_mem>>
    %dma_wait3A_1291 = arith.constant 0 : i32
    %dma_wait3A_1292 = arith.constant 0 : i32
    %dma_wait3A_1293 = tpu.memref_slice %arg4[%dma_wait3A_1281, %dma_wait3A_1291, %dma_wait3A_1292] : memref<3x32x1024xf32, #tpu.memory_space<vmem>> -> memref<1x32x1024xf32, #tpu.memory_space<vmem>>
    %dma_wait3A_1294 = tpu.memref_squeeze %dma_wait3A_1293 : memref<1x32x1024xf32, #tpu.memory_space<vmem>> -> memref<32x1024xf32, #tpu.memory_space<vmem>>
    %dma_wait3A_1295 = arith.constant 0 : i32
    %dma_wait3A_1296 = tpu.memref_slice %arg2[%add3A_1280, %dma_wait3A_1295] : memref<8192x1024xf32, #tpu.memory_space<hbm>> -> memref<32x1024xf32, #tpu.memory_space<hbm>>
    tpu.wait_dma2 semaphore(%dma_wait3A_1290 : memref<!tpu.dma_semaphore, #tpu.memory_space<semaphore_mem>>) src(%dma_wait3A_1296 : memref<32x1024xf32, #tpu.memory_space<hbm>>) dst(%dma_wait3A_1294 : memref<32x1024xf32, #tpu.memory_space<vmem>>)
    %add3A_1297 = arith.constant 224 : i32
    %add3A_1298 = arith.addi %mul3A_2, %add3A_1297 : i32
    %dma_start3A_1299 = arith.constant 1 : i32
    %dma_start3A_1300 = arith.constant 0 : i32
    %dma_start3A_1301 = arith.constant 1 : i32
    %dma_start3A_1302 = arith.constant 0 : i32
    %dma_start3A_1303 = arith.constant 0 : i32
    %dma_start3A_1304 = tpu.memref_slice %arg4[%dma_start3A_1299, %dma_start3A_1302, %dma_start3A_1303] : memref<3x32x1024xf32, #tpu.memory_space<vmem>> -> memref<1x32x1024xf32, #tpu.memory_space<vmem>>
    %dma_start3A_1305 = tpu.memref_squeeze %dma_start3A_1304 : memref<1x32x1024xf32, #tpu.memory_space<vmem>> -> memref<32x1024xf32, #tpu.memory_space<vmem>>
    %dma_start3A_1306 = arith.constant 0 : i32
    %dma_start3A_1307 = tpu.memref_slice %arg3[%dma_start3A_1300, %add3A_1298, %dma_start3A_1306] : memref<4x8192x1024xf32, #tpu.memory_space<hbm>> -> memref<1x32x1024xf32, #tpu.memory_space<hbm>>
    %dma_start3A_1308 = tpu.memref_squeeze %dma_start3A_1307 : memref<1x32x1024xf32, #tpu.memory_space<hbm>> -> memref<32x1024xf32, #tpu.memory_space<hbm>>
    %dma_start3A_1309 = tpu.memref_slice %arg6[%dma_start3A_1301] : memref<3x!tpu.dma_semaphore, #tpu.memory_space<semaphore_mem>> -> memref<1x!tpu.dma_semaphore, #tpu.memory_space<semaphore_mem>>
    %dma_start3A_1310 = tpu.memref_squeeze %dma_start3A_1309 : memref<1x!tpu.dma_semaphore, #tpu.memory_space<semaphore_mem>> -> memref<!tpu.dma_semaphore, #tpu.memory_space<semaphore_mem>>
    %dma_start3A_1311 = arith.constant 0 : i32
    %dma_start3A_1312 = tpu.memref_slice %arg3[%dma_start3A_1300, %add3A_1298, %dma_start3A_1311] : memref<4x8192x1024xf32, #tpu.memory_space<hbm>> -> memref<1x32x1024xf32, #tpu.memory_space<hbm>>
    %dma_start3A_1313 = tpu.memref_squeeze %dma_start3A_1312 : memref<1x32x1024xf32, #tpu.memory_space<hbm>> -> memref<32x1024xf32, #tpu.memory_space<hbm>>
    %dma_start3A_1314 = arith.constant 0 : i32
    %dma_start3A_1315 = arith.constant 0 : i32
    %dma_start3A_1316 = tpu.memref_slice %arg4[%dma_start3A_1299, %dma_start3A_1314, %dma_start3A_1315] : memref<3x32x1024xf32, #tpu.memory_space<vmem>> -> memref<1x32x1024xf32, #tpu.memory_space<vmem>>
    %dma_start3A_1317 = tpu.memref_squeeze %dma_start3A_1316 : memref<1x32x1024xf32, #tpu.memory_space<vmem>> -> memref<32x1024xf32, #tpu.memory_space<vmem>>
    tpu.enqueue_dma source(%dma_start3A_1317 : memref<32x1024xf32, #tpu.memory_space<vmem>>) target(%dma_start3A_1313 : memref<32x1024xf32, #tpu.memory_space<hbm>>) target_semaphore(%dma_start3A_1310 : memref<!tpu.dma_semaphore, #tpu.memory_space<semaphore_mem>>)
    %add3A_1318 = arith.constant 224 : i32
    %add3A_1319 = arith.addi %mul3A_2, %add3A_1318 : i32
    %dma_start3A_1320 = arith.constant 1 : i32
    %dma_start3A_1321 = arith.constant 1 : i32
    %dma_start3A_1322 = arith.constant 1 : i32
    %dma_start3A_1323 = arith.constant 0 : i32
    %dma_start3A_1324 = arith.constant 0 : i32
    %dma_start3A_1325 = tpu.memref_slice %arg4[%dma_start3A_1320, %dma_start3A_1323, %dma_start3A_1324] : memref<3x32x1024xf32, #tpu.memory_space<vmem>> -> memref<1x32x1024xf32, #tpu.memory_space<vmem>>
    %dma_start3A_1326 = tpu.memref_squeeze %dma_start3A_1325 : memref<1x32x1024xf32, #tpu.memory_space<vmem>> -> memref<32x1024xf32, #tpu.memory_space<vmem>>
    %dma_start3A_1327 = arith.constant 0 : i32
    %dma_start3A_1328 = tpu.memref_slice %arg3[%dma_start3A_1321, %add3A_1319, %dma_start3A_1327] : memref<4x8192x1024xf32, #tpu.memory_space<hbm>> -> memref<1x32x1024xf32, #tpu.memory_space<hbm>>
    %dma_start3A_1329 = tpu.memref_squeeze %dma_start3A_1328 : memref<1x32x1024xf32, #tpu.memory_space<hbm>> -> memref<32x1024xf32, #tpu.memory_space<hbm>>
    %dma_start3A_1330 = tpu.memref_slice %arg6[%dma_start3A_1322] : memref<3x!tpu.dma_semaphore, #tpu.memory_space<semaphore_mem>> -> memref<1x!tpu.dma_semaphore, #tpu.memory_space<semaphore_mem>>
    %dma_start3A_1331 = tpu.memref_squeeze %dma_start3A_1330 : memref<1x!tpu.dma_semaphore, #tpu.memory_space<semaphore_mem>> -> memref<!tpu.dma_semaphore, #tpu.memory_space<semaphore_mem>>
    %dma_start3A_1332 = arith.constant 0 : i32
    %dma_start3A_1333 = tpu.memref_slice %arg3[%dma_start3A_1321, %add3A_1319, %dma_start3A_1332] : memref<4x8192x1024xf32, #tpu.memory_space<hbm>> -> memref<1x32x1024xf32, #tpu.memory_space<hbm>>
    %dma_start3A_1334 = tpu.memref_squeeze %dma_start3A_1333 : memref<1x32x1024xf32, #tpu.memory_space<hbm>> -> memref<32x1024xf32, #tpu.memory_space<hbm>>
    %dma_start3A_1335 = arith.constant 0 : i32
    %dma_start3A_1336 = arith.constant 0 : i32
    %dma_start3A_1337 = tpu.memref_slice %arg4[%dma_start3A_1320, %dma_start3A_1335, %dma_start3A_1336] : memref<3x32x1024xf32, #tpu.memory_space<vmem>> -> memref<1x32x1024xf32, #tpu.memory_space<vmem>>
    %dma_start3A_1338 = tpu.memref_squeeze %dma_start3A_1337 : memref<1x32x1024xf32, #tpu.memory_space<vmem>> -> memref<32x1024xf32, #tpu.memory_space<vmem>>
    tpu.enqueue_dma source(%dma_start3A_1338 : memref<32x1024xf32, #tpu.memory_space<vmem>>) target(%dma_start3A_1334 : memref<32x1024xf32, #tpu.memory_space<hbm>>) target_semaphore(%dma_start3A_1331 : memref<!tpu.dma_semaphore, #tpu.memory_space<semaphore_mem>>)
    %add3A_1339 = arith.constant 224 : i32
    %add3A_1340 = arith.addi %mul3A_2, %add3A_1339 : i32
    %dma_start3A_1341 = arith.constant 1 : i32
    %dma_start3A_1342 = arith.constant 2 : i32
    %dma_start3A_1343 = arith.constant 1 : i32
    %dma_start3A_1344 = arith.constant 0 : i32
    %dma_start3A_1345 = arith.constant 0 : i32
    %dma_start3A_1346 = tpu.memref_slice %arg4[%dma_start3A_1341, %dma_start3A_1344, %dma_start3A_1345] : memref<3x32x1024xf32, #tpu.memory_space<vmem>> -> memref<1x32x1024xf32, #tpu.memory_space<vmem>>
    %dma_start3A_1347 = tpu.memref_squeeze %dma_start3A_1346 : memref<1x32x1024xf32, #tpu.memory_space<vmem>> -> memref<32x1024xf32, #tpu.memory_space<vmem>>
    %dma_start3A_1348 = arith.constant 0 : i32
    %dma_start3A_1349 = tpu.memref_slice %arg3[%dma_start3A_1342, %add3A_1340, %dma_start3A_1348] : memref<4x8192x1024xf32, #tpu.memory_space<hbm>> -> memref<1x32x1024xf32, #tpu.memory_space<hbm>>
    %dma_start3A_1350 = tpu.memref_squeeze %dma_start3A_1349 : memref<1x32x1024xf32, #tpu.memory_space<hbm>> -> memref<32x1024xf32, #tpu.memory_space<hbm>>
    %dma_start3A_1351 = tpu.memref_slice %arg6[%dma_start3A_1343] : memref<3x!tpu.dma_semaphore, #tpu.memory_space<semaphore_mem>> -> memref<1x!tpu.dma_semaphore, #tpu.memory_space<semaphore_mem>>
    %dma_start3A_1352 = tpu.memref_squeeze %dma_start3A_1351 : memref<1x!tpu.dma_semaphore, #tpu.memory_space<semaphore_mem>> -> memref<!tpu.dma_semaphore, #tpu.memory_space<semaphore_mem>>
    %dma_start3A_1353 = arith.constant 0 : i32
    %dma_start3A_1354 = tpu.memref_slice %arg3[%dma_start3A_1342, %add3A_1340, %dma_start3A_1353] : memref<4x8192x1024xf32, #tpu.memory_space<hbm>> -> memref<1x32x1024xf32, #tpu.memory_space<hbm>>
    %dma_start3A_1355 = tpu.memref_squeeze %dma_start3A_1354 : memref<1x32x1024xf32, #tpu.memory_space<hbm>> -> memref<32x1024xf32, #tpu.memory_space<hbm>>
    %dma_start3A_1356 = arith.constant 0 : i32
    %dma_start3A_1357 = arith.constant 0 : i32
    %dma_start3A_1358 = tpu.memref_slice %arg4[%dma_start3A_1341, %dma_start3A_1356, %dma_start3A_1357] : memref<3x32x1024xf32, #tpu.memory_space<vmem>> -> memref<1x32x1024xf32, #tpu.memory_space<vmem>>
    %dma_start3A_1359 = tpu.memref_squeeze %dma_start3A_1358 : memref<1x32x1024xf32, #tpu.memory_space<vmem>> -> memref<32x1024xf32, #tpu.memory_space<vmem>>
    tpu.enqueue_dma source(%dma_start3A_1359 : memref<32x1024xf32, #tpu.memory_space<vmem>>) target(%dma_start3A_1355 : memref<32x1024xf32, #tpu.memory_space<hbm>>) target_semaphore(%dma_start3A_1352 : memref<!tpu.dma_semaphore, #tpu.memory_space<semaphore_mem>>)
    %add3A_1360 = arith.constant 224 : i32
    %add3A_1361 = arith.addi %mul3A_2, %add3A_1360 : i32
    %dma_start3A_1362 = arith.constant 1 : i32
    %dma_start3A_1363 = arith.constant 3 : i32
    %dma_start3A_1364 = arith.constant 1 : i32
    %dma_start3A_1365 = arith.constant 0 : i32
    %dma_start3A_1366 = arith.constant 0 : i32
    %dma_start3A_1367 = tpu.memref_slice %arg4[%dma_start3A_1362, %dma_start3A_1365, %dma_start3A_1366] : memref<3x32x1024xf32, #tpu.memory_space<vmem>> -> memref<1x32x1024xf32, #tpu.memory_space<vmem>>
    %dma_start3A_1368 = tpu.memref_squeeze %dma_start3A_1367 : memref<1x32x1024xf32, #tpu.memory_space<vmem>> -> memref<32x1024xf32, #tpu.memory_space<vmem>>
    %dma_start3A_1369 = arith.constant 0 : i32
    %dma_start3A_1370 = tpu.memref_slice %arg3[%dma_start3A_1363, %add3A_1361, %dma_start3A_1369] : memref<4x8192x1024xf32, #tpu.memory_space<hbm>> -> memref<1x32x1024xf32, #tpu.memory_space<hbm>>
    %dma_start3A_1371 = tpu.memref_squeeze %dma_start3A_1370 : memref<1x32x1024xf32, #tpu.memory_space<hbm>> -> memref<32x1024xf32, #tpu.memory_space<hbm>>
    %dma_start3A_1372 = tpu.memref_slice %arg6[%dma_start3A_1364] : memref<3x!tpu.dma_semaphore, #tpu.memory_space<semaphore_mem>> -> memref<1x!tpu.dma_semaphore, #tpu.memory_space<semaphore_mem>>
    %dma_start3A_1373 = tpu.memref_squeeze %dma_start3A_1372 : memref<1x!tpu.dma_semaphore, #tpu.memory_space<semaphore_mem>> -> memref<!tpu.dma_semaphore, #tpu.memory_space<semaphore_mem>>
    %dma_start3A_1374 = arith.constant 0 : i32
    %dma_start3A_1375 = tpu.memref_slice %arg3[%dma_start3A_1363, %add3A_1361, %dma_start3A_1374] : memref<4x8192x1024xf32, #tpu.memory_space<hbm>> -> memref<1x32x1024xf32, #tpu.memory_space<hbm>>
    %dma_start3A_1376 = tpu.memref_squeeze %dma_start3A_1375 : memref<1x32x1024xf32, #tpu.memory_space<hbm>> -> memref<32x1024xf32, #tpu.memory_space<hbm>>
    %dma_start3A_1377 = arith.constant 0 : i32
    %dma_start3A_1378 = arith.constant 0 : i32
    %dma_start3A_1379 = tpu.memref_slice %arg4[%dma_start3A_1362, %dma_start3A_1377, %dma_start3A_1378] : memref<3x32x1024xf32, #tpu.memory_space<vmem>> -> memref<1x32x1024xf32, #tpu.memory_space<vmem>>
    %dma_start3A_1380 = tpu.memref_squeeze %dma_start3A_1379 : memref<1x32x1024xf32, #tpu.memory_space<vmem>> -> memref<32x1024xf32, #tpu.memory_space<vmem>>
    tpu.enqueue_dma source(%dma_start3A_1380 : memref<32x1024xf32, #tpu.memory_space<vmem>>) target(%dma_start3A_1376 : memref<32x1024xf32, #tpu.memory_space<hbm>>) target_semaphore(%dma_start3A_1373 : memref<!tpu.dma_semaphore, #tpu.memory_space<semaphore_mem>>)
    %add3A_1381 = arith.constant 160 : i32
    %add3A_1382 = arith.addi %mul3A_2, %add3A_1381 : i32
    %dma_wait3A_1383 = arith.constant 2 : i32
    %dma_wait3A_1384 = arith.constant 0 : i32
    %dma_wait3A_1385 = arith.constant 2 : i32
    %dma_wait3A_1386 = arith.constant 0 : i32
    %dma_wait3A_1387 = arith.constant 0 : i32
    %dma_wait3A_1388 = tpu.memref_slice %arg4[%dma_wait3A_1383, %dma_wait3A_1386, %dma_wait3A_1387] : memref<3x32x1024xf32, #tpu.memory_space<vmem>> -> memref<1x32x1024xf32, #tpu.memory_space<vmem>>
    %dma_wait3A_1389 = tpu.memref_squeeze %dma_wait3A_1388 : memref<1x32x1024xf32, #tpu.memory_space<vmem>> -> memref<32x1024xf32, #tpu.memory_space<vmem>>
    %dma_wait3A_1390 = arith.constant 0 : i32
    %dma_wait3A_1391 = tpu.memref_slice %arg3[%dma_wait3A_1384, %add3A_1382, %dma_wait3A_1390] : memref<4x8192x1024xf32, #tpu.memory_space<hbm>> -> memref<1x32x1024xf32, #tpu.memory_space<hbm>>
    %dma_wait3A_1392 = tpu.memref_squeeze %dma_wait3A_1391 : memref<1x32x1024xf32, #tpu.memory_space<hbm>> -> memref<32x1024xf32, #tpu.memory_space<hbm>>
    %dma_wait3A_1393 = tpu.memref_slice %arg6[%dma_wait3A_1385] : memref<3x!tpu.dma_semaphore, #tpu.memory_space<semaphore_mem>> -> memref<1x!tpu.dma_semaphore, #tpu.memory_space<semaphore_mem>>
    %dma_wait3A_1394 = tpu.memref_squeeze %dma_wait3A_1393 : memref<1x!tpu.dma_semaphore, #tpu.memory_space<semaphore_mem>> -> memref<!tpu.dma_semaphore, #tpu.memory_space<semaphore_mem>>
    %dma_wait3A_1395 = arith.constant 0 : i32
    %dma_wait3A_1396 = tpu.memref_slice %arg3[%dma_wait3A_1384, %add3A_1382, %dma_wait3A_1395] : memref<4x8192x1024xf32, #tpu.memory_space<hbm>> -> memref<1x32x1024xf32, #tpu.memory_space<hbm>>
    %dma_wait3A_1397 = tpu.memref_squeeze %dma_wait3A_1396 : memref<1x32x1024xf32, #tpu.memory_space<hbm>> -> memref<32x1024xf32, #tpu.memory_space<hbm>>
    %dma_wait3A_1398 = arith.constant 0 : i32
    %dma_wait3A_1399 = arith.constant 0 : i32
    %dma_wait3A_1400 = tpu.memref_slice %arg4[%dma_wait3A_1383, %dma_wait3A_1398, %dma_wait3A_1399] : memref<3x32x1024xf32, #tpu.memory_space<vmem>> -> memref<1x32x1024xf32, #tpu.memory_space<vmem>>
    %dma_wait3A_1401 = tpu.memref_squeeze %dma_wait3A_1400 : memref<1x32x1024xf32, #tpu.memory_space<vmem>> -> memref<32x1024xf32, #tpu.memory_space<vmem>>
    tpu.wait_dma2 semaphore(%dma_wait3A_1394 : memref<!tpu.dma_semaphore, #tpu.memory_space<semaphore_mem>>) src(%dma_wait3A_1401 : memref<32x1024xf32, #tpu.memory_space<vmem>>) dst(%dma_wait3A_1397 : memref<32x1024xf32, #tpu.memory_space<hbm>>)
    %add3A_1402 = arith.constant 160 : i32
    %add3A_1403 = arith.addi %mul3A_2, %add3A_1402 : i32
    %dma_wait3A_1404 = arith.constant 2 : i32
    %dma_wait3A_1405 = arith.constant 1 : i32
    %dma_wait3A_1406 = arith.constant 2 : i32
    %dma_wait3A_1407 = arith.constant 0 : i32
    %dma_wait3A_1408 = arith.constant 0 : i32
    %dma_wait3A_1409 = tpu.memref_slice %arg4[%dma_wait3A_1404, %dma_wait3A_1407, %dma_wait3A_1408] : memref<3x32x1024xf32, #tpu.memory_space<vmem>> -> memref<1x32x1024xf32, #tpu.memory_space<vmem>>
    %dma_wait3A_1410 = tpu.memref_squeeze %dma_wait3A_1409 : memref<1x32x1024xf32, #tpu.memory_space<vmem>> -> memref<32x1024xf32, #tpu.memory_space<vmem>>
    %dma_wait3A_1411 = arith.constant 0 : i32
    %dma_wait3A_1412 = tpu.memref_slice %arg3[%dma_wait3A_1405, %add3A_1403, %dma_wait3A_1411] : memref<4x8192x1024xf32, #tpu.memory_space<hbm>> -> memref<1x32x1024xf32, #tpu.memory_space<hbm>>
    %dma_wait3A_1413 = tpu.memref_squeeze %dma_wait3A_1412 : memref<1x32x1024xf32, #tpu.memory_space<hbm>> -> memref<32x1024xf32, #tpu.memory_space<hbm>>
    %dma_wait3A_1414 = tpu.memref_slice %arg6[%dma_wait3A_1406] : memref<3x!tpu.dma_semaphore, #tpu.memory_space<semaphore_mem>> -> memref<1x!tpu.dma_semaphore, #tpu.memory_space<semaphore_mem>>
    %dma_wait3A_1415 = tpu.memref_squeeze %dma_wait3A_1414 : memref<1x!tpu.dma_semaphore, #tpu.memory_space<semaphore_mem>> -> memref<!tpu.dma_semaphore, #tpu.memory_space<semaphore_mem>>
    %dma_wait3A_1416 = arith.constant 0 : i32
    %dma_wait3A_1417 = tpu.memref_slice %arg3[%dma_wait3A_1405, %add3A_1403, %dma_wait3A_1416] : memref<4x8192x1024xf32, #tpu.memory_space<hbm>> -> memref<1x32x1024xf32, #tpu.memory_space<hbm>>
    %dma_wait3A_1418 = tpu.memref_squeeze %dma_wait3A_1417 : memref<1x32x1024xf32, #tpu.memory_space<hbm>> -> memref<32x1024xf32, #tpu.memory_space<hbm>>
    %dma_wait3A_1419 = arith.constant 0 : i32
    %dma_wait3A_1420 = arith.constant 0 : i32
    %dma_wait3A_1421 = tpu.memref_slice %arg4[%dma_wait3A_1404, %dma_wait3A_1419, %dma_wait3A_1420] : memref<3x32x1024xf32, #tpu.memory_space<vmem>> -> memref<1x32x1024xf32, #tpu.memory_space<vmem>>
    %dma_wait3A_1422 = tpu.memref_squeeze %dma_wait3A_1421 : memref<1x32x1024xf32, #tpu.memory_space<vmem>> -> memref<32x1024xf32, #tpu.memory_space<vmem>>
    tpu.wait_dma2 semaphore(%dma_wait3A_1415 : memref<!tpu.dma_semaphore, #tpu.memory_space<semaphore_mem>>) src(%dma_wait3A_1422 : memref<32x1024xf32, #tpu.memory_space<vmem>>) dst(%dma_wait3A_1418 : memref<32x1024xf32, #tpu.memory_space<hbm>>)
    %add3A_1423 = arith.constant 160 : i32
    %add3A_1424 = arith.addi %mul3A_2, %add3A_1423 : i32
    %dma_wait3A_1425 = arith.constant 2 : i32
    %dma_wait3A_1426 = arith.constant 2 : i32
    %dma_wait3A_1427 = arith.constant 2 : i32
    %dma_wait3A_1428 = arith.constant 0 : i32
    %dma_wait3A_1429 = arith.constant 0 : i32
    %dma_wait3A_1430 = tpu.memref_slice %arg4[%dma_wait3A_1425, %dma_wait3A_1428, %dma_wait3A_1429] : memref<3x32x1024xf32, #tpu.memory_space<vmem>> -> memref<1x32x1024xf32, #tpu.memory_space<vmem>>
    %dma_wait3A_1431 = tpu.memref_squeeze %dma_wait3A_1430 : memref<1x32x1024xf32, #tpu.memory_space<vmem>> -> memref<32x1024xf32, #tpu.memory_space<vmem>>
    %dma_wait3A_1432 = arith.constant 0 : i32
    %dma_wait3A_1433 = tpu.memref_slice %arg3[%dma_wait3A_1426, %add3A_1424, %dma_wait3A_1432] : memref<4x8192x1024xf32, #tpu.memory_space<hbm>> -> memref<1x32x1024xf32, #tpu.memory_space<hbm>>
    %dma_wait3A_1434 = tpu.memref_squeeze %dma_wait3A_1433 : memref<1x32x1024xf32, #tpu.memory_space<hbm>> -> memref<32x1024xf32, #tpu.memory_space<hbm>>
    %dma_wait3A_1435 = tpu.memref_slice %arg6[%dma_wait3A_1427] : memref<3x!tpu.dma_semaphore, #tpu.memory_space<semaphore_mem>> -> memref<1x!tpu.dma_semaphore, #tpu.memory_space<semaphore_mem>>
    %dma_wait3A_1436 = tpu.memref_squeeze %dma_wait3A_1435 : memref<1x!tpu.dma_semaphore, #tpu.memory_space<semaphore_mem>> -> memref<!tpu.dma_semaphore, #tpu.memory_space<semaphore_mem>>
    %dma_wait3A_1437 = arith.constant 0 : i32
    %dma_wait3A_1438 = tpu.memref_slice %arg3[%dma_wait3A_1426, %add3A_1424, %dma_wait3A_1437] : memref<4x8192x1024xf32, #tpu.memory_space<hbm>> -> memref<1x32x1024xf32, #tpu.memory_space<hbm>>
    %dma_wait3A_1439 = tpu.memref_squeeze %dma_wait3A_1438 : memref<1x32x1024xf32, #tpu.memory_space<hbm>> -> memref<32x1024xf32, #tpu.memory_space<hbm>>
    %dma_wait3A_1440 = arith.constant 0 : i32
    %dma_wait3A_1441 = arith.constant 0 : i32
    %dma_wait3A_1442 = tpu.memref_slice %arg4[%dma_wait3A_1425, %dma_wait3A_1440, %dma_wait3A_1441] : memref<3x32x1024xf32, #tpu.memory_space<vmem>> -> memref<1x32x1024xf32, #tpu.memory_space<vmem>>
    %dma_wait3A_1443 = tpu.memref_squeeze %dma_wait3A_1442 : memref<1x32x1024xf32, #tpu.memory_space<vmem>> -> memref<32x1024xf32, #tpu.memory_space<vmem>>
    tpu.wait_dma2 semaphore(%dma_wait3A_1436 : memref<!tpu.dma_semaphore, #tpu.memory_space<semaphore_mem>>) src(%dma_wait3A_1443 : memref<32x1024xf32, #tpu.memory_space<vmem>>) dst(%dma_wait3A_1439 : memref<32x1024xf32, #tpu.memory_space<hbm>>)
    %add3A_1444 = arith.constant 160 : i32
    %add3A_1445 = arith.addi %mul3A_2, %add3A_1444 : i32
    %dma_wait3A_1446 = arith.constant 2 : i32
    %dma_wait3A_1447 = arith.constant 3 : i32
    %dma_wait3A_1448 = arith.constant 2 : i32
    %dma_wait3A_1449 = arith.constant 0 : i32
    %dma_wait3A_1450 = arith.constant 0 : i32
    %dma_wait3A_1451 = tpu.memref_slice %arg4[%dma_wait3A_1446, %dma_wait3A_1449, %dma_wait3A_1450] : memref<3x32x1024xf32, #tpu.memory_space<vmem>> -> memref<1x32x1024xf32, #tpu.memory_space<vmem>>
    %dma_wait3A_1452 = tpu.memref_squeeze %dma_wait3A_1451 : memref<1x32x1024xf32, #tpu.memory_space<vmem>> -> memref<32x1024xf32, #tpu.memory_space<vmem>>
    %dma_wait3A_1453 = arith.constant 0 : i32
    %dma_wait3A_1454 = tpu.memref_slice %arg3[%dma_wait3A_1447, %add3A_1445, %dma_wait3A_1453] : memref<4x8192x1024xf32, #tpu.memory_space<hbm>> -> memref<1x32x1024xf32, #tpu.memory_space<hbm>>
    %dma_wait3A_1455 = tpu.memref_squeeze %dma_wait3A_1454 : memref<1x32x1024xf32, #tpu.memory_space<hbm>> -> memref<32x1024xf32, #tpu.memory_space<hbm>>
    %dma_wait3A_1456 = tpu.memref_slice %arg6[%dma_wait3A_1448] : memref<3x!tpu.dma_semaphore, #tpu.memory_space<semaphore_mem>> -> memref<1x!tpu.dma_semaphore, #tpu.memory_space<semaphore_mem>>
    %dma_wait3A_1457 = tpu.memref_squeeze %dma_wait3A_1456 : memref<1x!tpu.dma_semaphore, #tpu.memory_space<semaphore_mem>> -> memref<!tpu.dma_semaphore, #tpu.memory_space<semaphore_mem>>
    %dma_wait3A_1458 = arith.constant 0 : i32
    %dma_wait3A_1459 = tpu.memref_slice %arg3[%dma_wait3A_1447, %add3A_1445, %dma_wait3A_1458] : memref<4x8192x1024xf32, #tpu.memory_space<hbm>> -> memref<1x32x1024xf32, #tpu.memory_space<hbm>>
    %dma_wait3A_1460 = tpu.memref_squeeze %dma_wait3A_1459 : memref<1x32x1024xf32, #tpu.memory_space<hbm>> -> memref<32x1024xf32, #tpu.memory_space<hbm>>
    %dma_wait3A_1461 = arith.constant 0 : i32
    %dma_wait3A_1462 = arith.constant 0 : i32
    %dma_wait3A_1463 = tpu.memref_slice %arg4[%dma_wait3A_1446, %dma_wait3A_1461, %dma_wait3A_1462] : memref<3x32x1024xf32, #tpu.memory_space<vmem>> -> memref<1x32x1024xf32, #tpu.memory_space<vmem>>
    %dma_wait3A_1464 = tpu.memref_squeeze %dma_wait3A_1463 : memref<1x32x1024xf32, #tpu.memory_space<vmem>> -> memref<32x1024xf32, #tpu.memory_space<vmem>>
    tpu.wait_dma2 semaphore(%dma_wait3A_1457 : memref<!tpu.dma_semaphore, #tpu.memory_space<semaphore_mem>>) src(%dma_wait3A_1464 : memref<32x1024xf32, #tpu.memory_space<vmem>>) dst(%dma_wait3A_1460 : memref<32x1024xf32, #tpu.memory_space<hbm>>)
    %add3A_1465 = arith.constant 192 : i32
    %add3A_1466 = arith.addi %mul3A_2, %add3A_1465 : i32
    %dma_wait3A_1467 = arith.constant 0 : i32
    %dma_wait3A_1468 = arith.constant 0 : i32
    %dma_wait3A_1469 = arith.constant 0 : i32
    %dma_wait3A_1470 = arith.constant 0 : i32
    %dma_wait3A_1471 = arith.constant 0 : i32
    %dma_wait3A_1472 = tpu.memref_slice %arg4[%dma_wait3A_1467, %dma_wait3A_1470, %dma_wait3A_1471] : memref<3x32x1024xf32, #tpu.memory_space<vmem>> -> memref<1x32x1024xf32, #tpu.memory_space<vmem>>
    %dma_wait3A_1473 = tpu.memref_squeeze %dma_wait3A_1472 : memref<1x32x1024xf32, #tpu.memory_space<vmem>> -> memref<32x1024xf32, #tpu.memory_space<vmem>>
    %dma_wait3A_1474 = arith.constant 0 : i32
    %dma_wait3A_1475 = tpu.memref_slice %arg3[%dma_wait3A_1468, %add3A_1466, %dma_wait3A_1474] : memref<4x8192x1024xf32, #tpu.memory_space<hbm>> -> memref<1x32x1024xf32, #tpu.memory_space<hbm>>
    %dma_wait3A_1476 = tpu.memref_squeeze %dma_wait3A_1475 : memref<1x32x1024xf32, #tpu.memory_space<hbm>> -> memref<32x1024xf32, #tpu.memory_space<hbm>>
    %dma_wait3A_1477 = tpu.memref_slice %arg6[%dma_wait3A_1469] : memref<3x!tpu.dma_semaphore, #tpu.memory_space<semaphore_mem>> -> memref<1x!tpu.dma_semaphore, #tpu.memory_space<semaphore_mem>>
    %dma_wait3A_1478 = tpu.memref_squeeze %dma_wait3A_1477 : memref<1x!tpu.dma_semaphore, #tpu.memory_space<semaphore_mem>> -> memref<!tpu.dma_semaphore, #tpu.memory_space<semaphore_mem>>
    %dma_wait3A_1479 = arith.constant 0 : i32
    %dma_wait3A_1480 = tpu.memref_slice %arg3[%dma_wait3A_1468, %add3A_1466, %dma_wait3A_1479] : memref<4x8192x1024xf32, #tpu.memory_space<hbm>> -> memref<1x32x1024xf32, #tpu.memory_space<hbm>>
    %dma_wait3A_1481 = tpu.memref_squeeze %dma_wait3A_1480 : memref<1x32x1024xf32, #tpu.memory_space<hbm>> -> memref<32x1024xf32, #tpu.memory_space<hbm>>
    %dma_wait3A_1482 = arith.constant 0 : i32
    %dma_wait3A_1483 = arith.constant 0 : i32
    %dma_wait3A_1484 = tpu.memref_slice %arg4[%dma_wait3A_1467, %dma_wait3A_1482, %dma_wait3A_1483] : memref<3x32x1024xf32, #tpu.memory_space<vmem>> -> memref<1x32x1024xf32, #tpu.memory_space<vmem>>
    %dma_wait3A_1485 = tpu.memref_squeeze %dma_wait3A_1484 : memref<1x32x1024xf32, #tpu.memory_space<vmem>> -> memref<32x1024xf32, #tpu.memory_space<vmem>>
    tpu.wait_dma2 semaphore(%dma_wait3A_1478 : memref<!tpu.dma_semaphore, #tpu.memory_space<semaphore_mem>>) src(%dma_wait3A_1485 : memref<32x1024xf32, #tpu.memory_space<vmem>>) dst(%dma_wait3A_1481 : memref<32x1024xf32, #tpu.memory_space<hbm>>)
    %add3A_1486 = arith.constant 192 : i32
    %add3A_1487 = arith.addi %mul3A_2, %add3A_1486 : i32
    %dma_wait3A_1488 = arith.constant 0 : i32
    %dma_wait3A_1489 = arith.constant 1 : i32
    %dma_wait3A_1490 = arith.constant 0 : i32
    %dma_wait3A_1491 = arith.constant 0 : i32
    %dma_wait3A_1492 = arith.constant 0 : i32
    %dma_wait3A_1493 = tpu.memref_slice %arg4[%dma_wait3A_1488, %dma_wait3A_1491, %dma_wait3A_1492] : memref<3x32x1024xf32, #tpu.memory_space<vmem>> -> memref<1x32x1024xf32, #tpu.memory_space<vmem>>
    %dma_wait3A_1494 = tpu.memref_squeeze %dma_wait3A_1493 : memref<1x32x1024xf32, #tpu.memory_space<vmem>> -> memref<32x1024xf32, #tpu.memory_space<vmem>>
    %dma_wait3A_1495 = arith.constant 0 : i32
    %dma_wait3A_1496 = tpu.memref_slice %arg3[%dma_wait3A_1489, %add3A_1487, %dma_wait3A_1495] : memref<4x8192x1024xf32, #tpu.memory_space<hbm>> -> memref<1x32x1024xf32, #tpu.memory_space<hbm>>
    %dma_wait3A_1497 = tpu.memref_squeeze %dma_wait3A_1496 : memref<1x32x1024xf32, #tpu.memory_space<hbm>> -> memref<32x1024xf32, #tpu.memory_space<hbm>>
    %dma_wait3A_1498 = tpu.memref_slice %arg6[%dma_wait3A_1490] : memref<3x!tpu.dma_semaphore, #tpu.memory_space<semaphore_mem>> -> memref<1x!tpu.dma_semaphore, #tpu.memory_space<semaphore_mem>>
    %dma_wait3A_1499 = tpu.memref_squeeze %dma_wait3A_1498 : memref<1x!tpu.dma_semaphore, #tpu.memory_space<semaphore_mem>> -> memref<!tpu.dma_semaphore, #tpu.memory_space<semaphore_mem>>
    %dma_wait3A_1500 = arith.constant 0 : i32
    %dma_wait3A_1501 = tpu.memref_slice %arg3[%dma_wait3A_1489, %add3A_1487, %dma_wait3A_1500] : memref<4x8192x1024xf32, #tpu.memory_space<hbm>> -> memref<1x32x1024xf32, #tpu.memory_space<hbm>>
    %dma_wait3A_1502 = tpu.memref_squeeze %dma_wait3A_1501 : memref<1x32x1024xf32, #tpu.memory_space<hbm>> -> memref<32x1024xf32, #tpu.memory_space<hbm>>
    %dma_wait3A_1503 = arith.constant 0 : i32
    %dma_wait3A_1504 = arith.constant 0 : i32
    %dma_wait3A_1505 = tpu.memref_slice %arg4[%dma_wait3A_1488, %dma_wait3A_1503, %dma_wait3A_1504] : memref<3x32x1024xf32, #tpu.memory_space<vmem>> -> memref<1x32x1024xf32, #tpu.memory_space<vmem>>
    %dma_wait3A_1506 = tpu.memref_squeeze %dma_wait3A_1505 : memref<1x32x1024xf32, #tpu.memory_space<vmem>> -> memref<32x1024xf32, #tpu.memory_space<vmem>>
    tpu.wait_dma2 semaphore(%dma_wait3A_1499 : memref<!tpu.dma_semaphore, #tpu.memory_space<semaphore_mem>>) src(%dma_wait3A_1506 : memref<32x1024xf32, #tpu.memory_space<vmem>>) dst(%dma_wait3A_1502 : memref<32x1024xf32, #tpu.memory_space<hbm>>)
    %add3A_1507 = arith.constant 192 : i32
    %add3A_1508 = arith.addi %mul3A_2, %add3A_1507 : i32
    %dma_wait3A_1509 = arith.constant 0 : i32
    %dma_wait3A_1510 = arith.constant 2 : i32
    %dma_wait3A_1511 = arith.constant 0 : i32
    %dma_wait3A_1512 = arith.constant 0 : i32
    %dma_wait3A_1513 = arith.constant 0 : i32
    %dma_wait3A_1514 = tpu.memref_slice %arg4[%dma_wait3A_1509, %dma_wait3A_1512, %dma_wait3A_1513] : memref<3x32x1024xf32, #tpu.memory_space<vmem>> -> memref<1x32x1024xf32, #tpu.memory_space<vmem>>
    %dma_wait3A_1515 = tpu.memref_squeeze %dma_wait3A_1514 : memref<1x32x1024xf32, #tpu.memory_space<vmem>> -> memref<32x1024xf32, #tpu.memory_space<vmem>>
    %dma_wait3A_1516 = arith.constant 0 : i32
    %dma_wait3A_1517 = tpu.memref_slice %arg3[%dma_wait3A_1510, %add3A_1508, %dma_wait3A_1516] : memref<4x8192x1024xf32, #tpu.memory_space<hbm>> -> memref<1x32x1024xf32, #tpu.memory_space<hbm>>
    %dma_wait3A_1518 = tpu.memref_squeeze %dma_wait3A_1517 : memref<1x32x1024xf32, #tpu.memory_space<hbm>> -> memref<32x1024xf32, #tpu.memory_space<hbm>>
    %dma_wait3A_1519 = tpu.memref_slice %arg6[%dma_wait3A_1511] : memref<3x!tpu.dma_semaphore, #tpu.memory_space<semaphore_mem>> -> memref<1x!tpu.dma_semaphore, #tpu.memory_space<semaphore_mem>>
    %dma_wait3A_1520 = tpu.memref_squeeze %dma_wait3A_1519 : memref<1x!tpu.dma_semaphore, #tpu.memory_space<semaphore_mem>> -> memref<!tpu.dma_semaphore, #tpu.memory_space<semaphore_mem>>
    %dma_wait3A_1521 = arith.constant 0 : i32
    %dma_wait3A_1522 = tpu.memref_slice %arg3[%dma_wait3A_1510, %add3A_1508, %dma_wait3A_1521] : memref<4x8192x1024xf32, #tpu.memory_space<hbm>> -> memref<1x32x1024xf32, #tpu.memory_space<hbm>>
    %dma_wait3A_1523 = tpu.memref_squeeze %dma_wait3A_1522 : memref<1x32x1024xf32, #tpu.memory_space<hbm>> -> memref<32x1024xf32, #tpu.memory_space<hbm>>
    %dma_wait3A_1524 = arith.constant 0 : i32
    %dma_wait3A_1525 = arith.constant 0 : i32
    %dma_wait3A_1526 = tpu.memref_slice %arg4[%dma_wait3A_1509, %dma_wait3A_1524, %dma_wait3A_1525] : memref<3x32x1024xf32, #tpu.memory_space<vmem>> -> memref<1x32x1024xf32, #tpu.memory_space<vmem>>
    %dma_wait3A_1527 = tpu.memref_squeeze %dma_wait3A_1526 : memref<1x32x1024xf32, #tpu.memory_space<vmem>> -> memref<32x1024xf32, #tpu.memory_space<vmem>>
    tpu.wait_dma2 semaphore(%dma_wait3A_1520 : memref<!tpu.dma_semaphore, #tpu.memory_space<semaphore_mem>>) src(%dma_wait3A_1527 : memref<32x1024xf32, #tpu.memory_space<vmem>>) dst(%dma_wait3A_1523 : memref<32x1024xf32, #tpu.memory_space<hbm>>)
    %add3A_1528 = arith.constant 192 : i32
    %add3A_1529 = arith.addi %mul3A_2, %add3A_1528 : i32
    %dma_wait3A_1530 = arith.constant 0 : i32
    %dma_wait3A_1531 = arith.constant 3 : i32
    %dma_wait3A_1532 = arith.constant 0 : i32
    %dma_wait3A_1533 = arith.constant 0 : i32
    %dma_wait3A_1534 = arith.constant 0 : i32
    %dma_wait3A_1535 = tpu.memref_slice %arg4[%dma_wait3A_1530, %dma_wait3A_1533, %dma_wait3A_1534] : memref<3x32x1024xf32, #tpu.memory_space<vmem>> -> memref<1x32x1024xf32, #tpu.memory_space<vmem>>
    %dma_wait3A_1536 = tpu.memref_squeeze %dma_wait3A_1535 : memref<1x32x1024xf32, #tpu.memory_space<vmem>> -> memref<32x1024xf32, #tpu.memory_space<vmem>>
    %dma_wait3A_1537 = arith.constant 0 : i32
    %dma_wait3A_1538 = tpu.memref_slice %arg3[%dma_wait3A_1531, %add3A_1529, %dma_wait3A_1537] : memref<4x8192x1024xf32, #tpu.memory_space<hbm>> -> memref<1x32x1024xf32, #tpu.memory_space<hbm>>
    %dma_wait3A_1539 = tpu.memref_squeeze %dma_wait3A_1538 : memref<1x32x1024xf32, #tpu.memory_space<hbm>> -> memref<32x1024xf32, #tpu.memory_space<hbm>>
    %dma_wait3A_1540 = tpu.memref_slice %arg6[%dma_wait3A_1532] : memref<3x!tpu.dma_semaphore, #tpu.memory_space<semaphore_mem>> -> memref<1x!tpu.dma_semaphore, #tpu.memory_space<semaphore_mem>>
    %dma_wait3A_1541 = tpu.memref_squeeze %dma_wait3A_1540 : memref<1x!tpu.dma_semaphore, #tpu.memory_space<semaphore_mem>> -> memref<!tpu.dma_semaphore, #tpu.memory_space<semaphore_mem>>
    %dma_wait3A_1542 = arith.constant 0 : i32
    %dma_wait3A_1543 = tpu.memref_slice %arg3[%dma_wait3A_1531, %add3A_1529, %dma_wait3A_1542] : memref<4x8192x1024xf32, #tpu.memory_space<hbm>> -> memref<1x32x1024xf32, #tpu.memory_space<hbm>>
    %dma_wait3A_1544 = tpu.memref_squeeze %dma_wait3A_1543 : memref<1x32x1024xf32, #tpu.memory_space<hbm>> -> memref<32x1024xf32, #tpu.memory_space<hbm>>
    %dma_wait3A_1545 = arith.constant 0 : i32
    %dma_wait3A_1546 = arith.constant 0 : i32
    %dma_wait3A_1547 = tpu.memref_slice %arg4[%dma_wait3A_1530, %dma_wait3A_1545, %dma_wait3A_1546] : memref<3x32x1024xf32, #tpu.memory_space<vmem>> -> memref<1x32x1024xf32, #tpu.memory_space<vmem>>
    %dma_wait3A_1548 = tpu.memref_squeeze %dma_wait3A_1547 : memref<1x32x1024xf32, #tpu.memory_space<vmem>> -> memref<32x1024xf32, #tpu.memory_space<vmem>>
    tpu.wait_dma2 semaphore(%dma_wait3A_1541 : memref<!tpu.dma_semaphore, #tpu.memory_space<semaphore_mem>>) src(%dma_wait3A_1548 : memref<32x1024xf32, #tpu.memory_space<vmem>>) dst(%dma_wait3A_1544 : memref<32x1024xf32, #tpu.memory_space<hbm>>)
    %add3A_1549 = arith.constant 224 : i32
    %add3A_1550 = arith.addi %mul3A_2, %add3A_1549 : i32
    %dma_wait3A_1551 = arith.constant 1 : i32
    %dma_wait3A_1552 = arith.constant 0 : i32
    %dma_wait3A_1553 = arith.constant 1 : i32
    %dma_wait3A_1554 = arith.constant 0 : i32
    %dma_wait3A_1555 = arith.constant 0 : i32
    %dma_wait3A_1556 = tpu.memref_slice %arg4[%dma_wait3A_1551, %dma_wait3A_1554, %dma_wait3A_1555] : memref<3x32x1024xf32, #tpu.memory_space<vmem>> -> memref<1x32x1024xf32, #tpu.memory_space<vmem>>
    %dma_wait3A_1557 = tpu.memref_squeeze %dma_wait3A_1556 : memref<1x32x1024xf32, #tpu.memory_space<vmem>> -> memref<32x1024xf32, #tpu.memory_space<vmem>>
    %dma_wait3A_1558 = arith.constant 0 : i32
    %dma_wait3A_1559 = tpu.memref_slice %arg3[%dma_wait3A_1552, %add3A_1550, %dma_wait3A_1558] : memref<4x8192x1024xf32, #tpu.memory_space<hbm>> -> memref<1x32x1024xf32, #tpu.memory_space<hbm>>
    %dma_wait3A_1560 = tpu.memref_squeeze %dma_wait3A_1559 : memref<1x32x1024xf32, #tpu.memory_space<hbm>> -> memref<32x1024xf32, #tpu.memory_space<hbm>>
    %dma_wait3A_1561 = tpu.memref_slice %arg6[%dma_wait3A_1553] : memref<3x!tpu.dma_semaphore, #tpu.memory_space<semaphore_mem>> -> memref<1x!tpu.dma_semaphore, #tpu.memory_space<semaphore_mem>>
    %dma_wait3A_1562 = tpu.memref_squeeze %dma_wait3A_1561 : memref<1x!tpu.dma_semaphore, #tpu.memory_space<semaphore_mem>> -> memref<!tpu.dma_semaphore, #tpu.memory_space<semaphore_mem>>
    %dma_wait3A_1563 = arith.constant 0 : i32
    %dma_wait3A_1564 = tpu.memref_slice %arg3[%dma_wait3A_1552, %add3A_1550, %dma_wait3A_1563] : memref<4x8192x1024xf32, #tpu.memory_space<hbm>> -> memref<1x32x1024xf32, #tpu.memory_space<hbm>>
    %dma_wait3A_1565 = tpu.memref_squeeze %dma_wait3A_1564 : memref<1x32x1024xf32, #tpu.memory_space<hbm>> -> memref<32x1024xf32, #tpu.memory_space<hbm>>
    %dma_wait3A_1566 = arith.constant 0 : i32
    %dma_wait3A_1567 = arith.constant 0 : i32
    %dma_wait3A_1568 = tpu.memref_slice %arg4[%dma_wait3A_1551, %dma_wait3A_1566, %dma_wait3A_1567] : memref<3x32x1024xf32, #tpu.memory_space<vmem>> -> memref<1x32x1024xf32, #tpu.memory_space<vmem>>
    %dma_wait3A_1569 = tpu.memref_squeeze %dma_wait3A_1568 : memref<1x32x1024xf32, #tpu.memory_space<vmem>> -> memref<32x1024xf32, #tpu.memory_space<vmem>>
    tpu.wait_dma2 semaphore(%dma_wait3A_1562 : memref<!tpu.dma_semaphore, #tpu.memory_space<semaphore_mem>>) src(%dma_wait3A_1569 : memref<32x1024xf32, #tpu.memory_space<vmem>>) dst(%dma_wait3A_1565 : memref<32x1024xf32, #tpu.memory_space<hbm>>)
    %add3A_1570 = arith.constant 224 : i32
    %add3A_1571 = arith.addi %mul3A_2, %add3A_1570 : i32
    %dma_wait3A_1572 = arith.constant 1 : i32
    %dma_wait3A_1573 = arith.constant 1 : i32
    %dma_wait3A_1574 = arith.constant 1 : i32
    %dma_wait3A_1575 = arith.constant 0 : i32
    %dma_wait3A_1576 = arith.constant 0 : i32
    %dma_wait3A_1577 = tpu.memref_slice %arg4[%dma_wait3A_1572, %dma_wait3A_1575, %dma_wait3A_1576] : memref<3x32x1024xf32, #tpu.memory_space<vmem>> -> memref<1x32x1024xf32, #tpu.memory_space<vmem>>
    %dma_wait3A_1578 = tpu.memref_squeeze %dma_wait3A_1577 : memref<1x32x1024xf32, #tpu.memory_space<vmem>> -> memref<32x1024xf32, #tpu.memory_space<vmem>>
    %dma_wait3A_1579 = arith.constant 0 : i32
    %dma_wait3A_1580 = tpu.memref_slice %arg3[%dma_wait3A_1573, %add3A_1571, %dma_wait3A_1579] : memref<4x8192x1024xf32, #tpu.memory_space<hbm>> -> memref<1x32x1024xf32, #tpu.memory_space<hbm>>
    %dma_wait3A_1581 = tpu.memref_squeeze %dma_wait3A_1580 : memref<1x32x1024xf32, #tpu.memory_space<hbm>> -> memref<32x1024xf32, #tpu.memory_space<hbm>>
    %dma_wait3A_1582 = tpu.memref_slice %arg6[%dma_wait3A_1574] : memref<3x!tpu.dma_semaphore, #tpu.memory_space<semaphore_mem>> -> memref<1x!tpu.dma_semaphore, #tpu.memory_space<semaphore_mem>>
    %dma_wait3A_1583 = tpu.memref_squeeze %dma_wait3A_1582 : memref<1x!tpu.dma_semaphore, #tpu.memory_space<semaphore_mem>> -> memref<!tpu.dma_semaphore, #tpu.memory_space<semaphore_mem>>
    %dma_wait3A_1584 = arith.constant 0 : i32
    %dma_wait3A_1585 = tpu.memref_slice %arg3[%dma_wait3A_1573, %add3A_1571, %dma_wait3A_1584] : memref<4x8192x1024xf32, #tpu.memory_space<hbm>> -> memref<1x32x1024xf32, #tpu.memory_space<hbm>>
    %dma_wait3A_1586 = tpu.memref_squeeze %dma_wait3A_1585 : memref<1x32x1024xf32, #tpu.memory_space<hbm>> -> memref<32x1024xf32, #tpu.memory_space<hbm>>
    %dma_wait3A_1587 = arith.constant 0 : i32
    %dma_wait3A_1588 = arith.constant 0 : i32
    %dma_wait3A_1589 = tpu.memref_slice %arg4[%dma_wait3A_1572, %dma_wait3A_1587, %dma_wait3A_1588] : memref<3x32x1024xf32, #tpu.memory_space<vmem>> -> memref<1x32x1024xf32, #tpu.memory_space<vmem>>
    %dma_wait3A_1590 = tpu.memref_squeeze %dma_wait3A_1589 : memref<1x32x1024xf32, #tpu.memory_space<vmem>> -> memref<32x1024xf32, #tpu.memory_space<vmem>>
    tpu.wait_dma2 semaphore(%dma_wait3A_1583 : memref<!tpu.dma_semaphore, #tpu.memory_space<semaphore_mem>>) src(%dma_wait3A_1590 : memref<32x1024xf32, #tpu.memory_space<vmem>>) dst(%dma_wait3A_1586 : memref<32x1024xf32, #tpu.memory_space<hbm>>)
    %add3A_1591 = arith.constant 224 : i32
    %add3A_1592 = arith.addi %mul3A_2, %add3A_1591 : i32
    %dma_wait3A_1593 = arith.constant 1 : i32
    %dma_wait3A_1594 = arith.constant 2 : i32
    %dma_wait3A_1595 = arith.constant 1 : i32
    %dma_wait3A_1596 = arith.constant 0 : i32
    %dma_wait3A_1597 = arith.constant 0 : i32
    %dma_wait3A_1598 = tpu.memref_slice %arg4[%dma_wait3A_1593, %dma_wait3A_1596, %dma_wait3A_1597] : memref<3x32x1024xf32, #tpu.memory_space<vmem>> -> memref<1x32x1024xf32, #tpu.memory_space<vmem>>
    %dma_wait3A_1599 = tpu.memref_squeeze %dma_wait3A_1598 : memref<1x32x1024xf32, #tpu.memory_space<vmem>> -> memref<32x1024xf32, #tpu.memory_space<vmem>>
    %dma_wait3A_1600 = arith.constant 0 : i32
    %dma_wait3A_1601 = tpu.memref_slice %arg3[%dma_wait3A_1594, %add3A_1592, %dma_wait3A_1600] : memref<4x8192x1024xf32, #tpu.memory_space<hbm>> -> memref<1x32x1024xf32, #tpu.memory_space<hbm>>
    %dma_wait3A_1602 = tpu.memref_squeeze %dma_wait3A_1601 : memref<1x32x1024xf32, #tpu.memory_space<hbm>> -> memref<32x1024xf32, #tpu.memory_space<hbm>>
    %dma_wait3A_1603 = tpu.memref_slice %arg6[%dma_wait3A_1595] : memref<3x!tpu.dma_semaphore, #tpu.memory_space<semaphore_mem>> -> memref<1x!tpu.dma_semaphore, #tpu.memory_space<semaphore_mem>>
    %dma_wait3A_1604 = tpu.memref_squeeze %dma_wait3A_1603 : memref<1x!tpu.dma_semaphore, #tpu.memory_space<semaphore_mem>> -> memref<!tpu.dma_semaphore, #tpu.memory_space<semaphore_mem>>
    %dma_wait3A_1605 = arith.constant 0 : i32
    %dma_wait3A_1606 = tpu.memref_slice %arg3[%dma_wait3A_1594, %add3A_1592, %dma_wait3A_1605] : memref<4x8192x1024xf32, #tpu.memory_space<hbm>> -> memref<1x32x1024xf32, #tpu.memory_space<hbm>>
    %dma_wait3A_1607 = tpu.memref_squeeze %dma_wait3A_1606 : memref<1x32x1024xf32, #tpu.memory_space<hbm>> -> memref<32x1024xf32, #tpu.memory_space<hbm>>
    %dma_wait3A_1608 = arith.constant 0 : i32
    %dma_wait3A_1609 = arith.constant 0 : i32
    %dma_wait3A_1610 = tpu.memref_slice %arg4[%dma_wait3A_1593, %dma_wait3A_1608, %dma_wait3A_1609] : memref<3x32x1024xf32, #tpu.memory_space<vmem>> -> memref<1x32x1024xf32, #tpu.memory_space<vmem>>
    %dma_wait3A_1611 = tpu.memref_squeeze %dma_wait3A_1610 : memref<1x32x1024xf32, #tpu.memory_space<vmem>> -> memref<32x1024xf32, #tpu.memory_space<vmem>>
    tpu.wait_dma2 semaphore(%dma_wait3A_1604 : memref<!tpu.dma_semaphore, #tpu.memory_space<semaphore_mem>>) src(%dma_wait3A_1611 : memref<32x1024xf32, #tpu.memory_space<vmem>>) dst(%dma_wait3A_1607 : memref<32x1024xf32, #tpu.memory_space<hbm>>)
    %add3A_1612 = arith.constant 224 : i32
    %add3A_1613 = arith.addi %mul3A_2, %add3A_1612 : i32
    %dma_wait3A_1614 = arith.constant 1 : i32
    %dma_wait3A_1615 = arith.constant 3 : i32
    %dma_wait3A_1616 = arith.constant 1 : i32
    %dma_wait3A_1617 = arith.constant 0 : i32
    %dma_wait3A_1618 = arith.constant 0 : i32
    %dma_wait3A_1619 = tpu.memref_slice %arg4[%dma_wait3A_1614, %dma_wait3A_1617, %dma_wait3A_1618] : memref<3x32x1024xf32, #tpu.memory_space<vmem>> -> memref<1x32x1024xf32, #tpu.memory_space<vmem>>
    %dma_wait3A_1620 = tpu.memref_squeeze %dma_wait3A_1619 : memref<1x32x1024xf32, #tpu.memory_space<vmem>> -> memref<32x1024xf32, #tpu.memory_space<vmem>>
    %dma_wait3A_1621 = arith.constant 0 : i32
    %dma_wait3A_1622 = tpu.memref_slice %arg3[%dma_wait3A_1615, %add3A_1613, %dma_wait3A_1621] : memref<4x8192x1024xf32, #tpu.memory_space<hbm>> -> memref<1x32x1024xf32, #tpu.memory_space<hbm>>
    %dma_wait3A_1623 = tpu.memref_squeeze %dma_wait3A_1622 : memref<1x32x1024xf32, #tpu.memory_space<hbm>> -> memref<32x1024xf32, #tpu.memory_space<hbm>>
    %dma_wait3A_1624 = tpu.memref_slice %arg6[%dma_wait3A_1616] : memref<3x!tpu.dma_semaphore, #tpu.memory_space<semaphore_mem>> -> memref<1x!tpu.dma_semaphore, #tpu.memory_space<semaphore_mem>>
    %dma_wait3A_1625 = tpu.memref_squeeze %dma_wait3A_1624 : memref<1x!tpu.dma_semaphore, #tpu.memory_space<semaphore_mem>> -> memref<!tpu.dma_semaphore, #tpu.memory_space<semaphore_mem>>
    %dma_wait3A_1626 = arith.constant 0 : i32
    %dma_wait3A_1627 = tpu.memref_slice %arg3[%dma_wait3A_1615, %add3A_1613, %dma_wait3A_1626] : memref<4x8192x1024xf32, #tpu.memory_space<hbm>> -> memref<1x32x1024xf32, #tpu.memory_space<hbm>>
    %dma_wait3A_1628 = tpu.memref_squeeze %dma_wait3A_1627 : memref<1x32x1024xf32, #tpu.memory_space<hbm>> -> memref<32x1024xf32, #tpu.memory_space<hbm>>
    %dma_wait3A_1629 = arith.constant 0 : i32
    %dma_wait3A_1630 = arith.constant 0 : i32
    %dma_wait3A_1631 = tpu.memref_slice %arg4[%dma_wait3A_1614, %dma_wait3A_1629, %dma_wait3A_1630] : memref<3x32x1024xf32, #tpu.memory_space<vmem>> -> memref<1x32x1024xf32, #tpu.memory_space<vmem>>
    %dma_wait3A_1632 = tpu.memref_squeeze %dma_wait3A_1631 : memref<1x32x1024xf32, #tpu.memory_space<vmem>> -> memref<32x1024xf32, #tpu.memory_space<vmem>>
    tpu.wait_dma2 semaphore(%dma_wait3A_1625 : memref<!tpu.dma_semaphore, #tpu.memory_space<semaphore_mem>>) src(%dma_wait3A_1632 : memref<32x1024xf32, #tpu.memory_space<vmem>>) dst(%dma_wait3A_1628 : memref<32x1024xf32, #tpu.memory_space<hbm>>)
    return
  }
}

</mosaic_0001>

<sc_bundles>
// kernel: kernel.3.cloned.1.call-start
scs
__scs_entry_jumppad:
0x0: {  	(pc) =	sbr.rel $0x88, $3  }
0x1: {  	(tag) =	ssettag $0x0;
	lr =	simm.s32 $0x1  }
0x2: {  	[smem:$0x3FA0] =	sst lr;
	_ =	strace $0xD0000000  }
0x3: {  	_ = 	snop  }
0x4: {  	_ = 	snop  }
0x5: {  	_ = 	snop  }
0x6: {  	_ = 	snop  }
0x7: {  	_ = 	snop  }
__scs_overlays_trampoline_lowered:
0x8: {  	[smem:$0x3FAF] =	sst s0  }
0x9: {  	[smem:$0x3FB0] =	sst s1  }
0xa: {  	[smem:$0x3FB1] =	sst s2  }
0xb: {  	[smem:$0x3FB2] =	sst s3  }
0xc: {  	[smem:$0x3FB3] =	sst s4  }
0xd: {  	[smem:$0x3FB4] =	sst s5  }
0xe: {  	[smem:$0x3FB5] =	sst s6  }
0xf: {  	[smem:$0x3FB6] =	sst s7  }
0x10: {  	[smem:$0x3FB7] =	sst s8  }
0x11: {  	[smem:$0x3FB8] =	sst s9;
	s0 =	simm.s32 @!p0 $0x0  }
0x12: {  	s1 =	sld [smem:$0x3F9E];
	s0 =	simm.s32 @p0 $0x1  }
0x13: {  	[smem:$0x3FB9] =	sst s0;
	s0 =	simm.s32 @!p1 $0x0  }
0x14: {  	s2 =	sld [smem:$0x3F9D];
	s0 =	simm.s32 @p1 $0x1  }
0x15: {  	[smem:$0x3FBA] =	sst s0;
	s0 =	simm.s32 @!p2 $0x0  }
0x16: {  	s3 =	sld [smem:$0x3FDB];
	s0 =	simm.s32 @p2 $0x1  }
0x17: {  	s4 =	simm.s32 $0x1BF5;
	[smem:$0x3FBC] =	sst s0  }
0x18: {  	s0 =	sld [smem:$0x3F9F];
	_ =	swait.ge [sflag:s4], $0x0  }
0x19: {  	s7 =	sld [smem:$0x3FA0]  }
0x1a: {  	s8 =	sadd.s32 $0xFFFFE003, lr  }
0x1b: {  	s9 =	sadd.s32 $0xFFFFFEF7, lr;
	s5 =	simm.s32 $0xFFFFFFFF;
	p2 =	slt.u32 s8, $0xFFFFF086  }
0x1c: {  	p1 =	slt.u32 s9, $0xF7A;
	s5 =	simm.s32 @!p2 $0x0  }
0x1d: {  	s5 =	simm.s32 @p1 $0x1;
	p0 =	seq.s32 s7, s2  }
0x1e: {  	s7 =	smul.u32 @!p0 $0xF7A, s2;
	p2 =	seq.s32 @!p0 s5, $0x0  }
0x1f: {  	s9 =	smul.u32 $0xF7A, s1;
	s8 =	simm.s32 @!p0 $0x1BF5;
	p2 =	por !p2, p0  }
0x20: {  	[sflag:s8] =	ssyncset.s32 @!p0 $0xFFFFF086;
	s6 =	sadd.s32 @!p0 s3, s7;
	s7 =	simm.s32 @!p0 $0x108  }
0x21: {  	s3 =	sadd.s32 s3, s9;
	s6 =	sadd.s32 @!p0 $0x88, s6;
	s7 =	simm.s32 @p2 $0x1082  }
0x22: {  	[simem:s7], [sflag:s8] =	dma.local @!p0 [hbm:s6], $0xF7A  }
0x23: {  	s9 =	sor.u32 $0xD0000000, s2;
	s6 =	simm.s32 $0x108;
	_ =	swait.ge @!p0 [sflag:s8], $0x0  }
0x24: {  	s3 =	sadd.s32 $0x88, s3;
	s6 =	simm.s32 @!p1 $0x1082;
	[sflag:s4] =	ssyncset.s32 $0xFFFFF086  }
0x25: {  	[simem:s6], [sflag:s4] =	dma.local [hbm:s3], $0xF7A  }
0x26: {  	[smem:$0x3FA0] =	sst s1;
	(tag) =	ssettag s2;
	_ =	strace s9  }
0x27: {  	s1 =	sld [smem:$0x3FB0]  }
0x28: {  	s2 =	sld [smem:$0x3FB1]  }
0x29: {  	s4 =	sld [smem:$0x3FB3]  }
0x2a: {  	p0 =	seq.s32 s5, $0x0;
	s5 =	sld [smem:$0x3FB4]  }
0x2b: {  	s6 =	sld [smem:$0x3FB5]  }
0x2c: {  	s7 =	sld [smem:$0x3FB6]  }
0x2d: {  	s3 =	simm.s32 $0x108;
	s8 =	sld [smem:$0x3FB7]  }
0x2e: {  	s3 =	simm.s32 @!p0 $0x1082;
	s9 =	sld [smem:$0x3FB8]  }
0x2f: {  	lr =	sadd.s32 s0, s3;
	s0 =	sld [smem:$0x3FAF]  }
0x30: {  	s3 =	sld [smem:$0x3FB2]  }
0x31: {  	[smem:$0x3FBB] =	sst s10  }
0x32: {  	s10 =	sld [smem:$0x3FB9];
	_ =	sdelay $0x3  }
0x33: {  	p0 =	seq.s32 s10, $0x1;
	s10 =	sld [smem:$0x3FBB];
	_ =	sdelay $0x3  }
0x34: {  	[smem:$0x3FBB] =	sst s10  }
0x35: {  	s10 =	sld [smem:$0x3FBA];
	_ =	sdelay $0x3  }
0x36: {  	p1 =	seq.s32 s10, $0x1;
	s10 =	sld [smem:$0x3FBB];
	_ =	sdelay $0x3  }
0x37: {  	[smem:$0x3FBB] =	sst s10  }
0x38: {  	s10 =	sld [smem:$0x3FBC]  }
0x39: {  	_ = 	snop;
	(pc) =	sbr.ind lr, $3  }
0x3a: {  	_ = 	snop  }
0x3b: {  	_ = 	snop  }
0x3c: {  	p2 =	seq.s32 s10, $0x1;
	s10 =	sld [smem:$0x3FBB]  }
0x3d: {  	_ =	shalt  }
0x3e: {  	_ =	shalt  }
0x3f: {  	_ =	shalt  }
0x40: {  	_ =	shalt  }
0x41: {  	_ =	shalt  }
0x42: {  	_ =	shalt  }
0x43: {  	_ =	shalt  }
0x44: {  	_ =	shalt  }
0x45: {  	_ =	shalt  }
0x46: {  	_ =	shalt  }
0x47: {  	_ =	shalt  }
0x48: {  	_ =	shalt  }
0x49: {  	_ =	shalt  }
0x4a: {  	_ =	shalt  }
0x4b: {  	_ =	shalt  }
0x4c: {  	_ =	shalt  }
0x4d: {  	_ =	shalt  }
0x4e: {  	_ =	shalt  }
0x4f: {  	_ =	shalt  }
0x50: {  	_ =	shalt  }
0x51: {  	_ =	shalt  }
0x52: {  	_ =	shalt  }
0x53: {  	_ =	shalt  }
0x54: {  	_ =	shalt  }
0x55: {  	_ =	shalt  }
0x56: {  	_ =	shalt  }
0x57: {  	_ =	shalt  }
0x58: {  	_ =	shalt  }
0x59: {  	_ =	shalt  }
0x5a: {  	_ =	shalt  }
0x5b: {  	_ =	shalt  }
0x5c: {  	_ =	shalt  }
0x5d: {  	_ =	shalt  }
0x5e: {  	_ =	shalt  }
0x5f: {  	_ =	shalt  }
0x60: {  	_ =	shalt  }
0x61: {  	_ =	shalt  }
0x62: {  	_ =	shalt  }
0x63: {  	_ =	shalt  }
0x64: {  	_ =	shalt  }
0x65: {  	_ =	shalt  }
0x66: {  	_ =	shalt  }
0x67: {  	_ =	shalt  }
0x68: {  	_ =	shalt  }
0x69: {  	_ =	shalt  }
0x6a: {  	_ =	shalt  }
0x6b: {  	_ =	shalt  }
0x6c: {  	_ =	shalt  }
0x6d: {  	_ =	shalt  }
0x6e: {  	_ =	shalt  }
0x6f: {  	_ =	shalt  }
0x70: {  	_ =	shalt  }
0x71: {  	_ =	shalt  }
0x72: {  	_ =	shalt  }
0x73: {  	_ =	shalt  }
0x74: {  	_ =	shalt  }
0x75: {  	_ =	shalt  }
0x76: {  	_ =	shalt  }
0x77: {  	_ =	shalt  }
0x78: {  	_ =	shalt  }
0x79: {  	_ =	shalt  }
0x7a: {  	_ =	shalt  }
0x7b: {  	_ =	shalt  }
0x7c: {  	_ =	shalt  }
0x7d: {  	_ =	shalt  }
0x7e: {  	_ =	shalt  }
0x7f: {  	_ =	shalt  }
0x80: {  	_ =	shalt  }
0x81: {  	_ =	shalt  }
0x82: {  	_ =	shalt  }
0x83: {  	_ =	shalt  }
0x84: {  	_ =	shalt  }
0x85: {  	_ =	shalt  }
0x86: {  	_ =	shalt  }
0x87: {  	_ =	shalt  }
.Lfunc_end0:
.L_simem_size_0:
called_computation_lowered:
.L_overlay_start_0:
0x88: {  	s2 =	sld [smem:$0x3FD9]  }
0x89: {  	s3 =	sld [smem:$0x3FFE];
	_ =	sdelay $0x1  }
0x8a: {  	s1 =	srdreg.scid  }
0x8b: {  	s0 =	sand.u32 $0x1, s1  }
0x8c: {  	s18 =	sshll.u32 s0, $0xA;
	s2 =	sadd.s32 s3, s2  }
0x8d: {  	s2 =	sadd.s32 s2, s18  }
0x8e: {  	[smem:$0x3FC7] =	sst s2  }
0x8f: {  	_ = 	snop  }
0x90: {  	s2 =	sld [smem:$0x3FC9]  }
0x91: {  	s19 =	sld [smem:$0x3FD0];
	(tm) =	ssettm $0x1  }
0x92: {  	s4 =	sld [smem:$0x3FFB];
	_ =	sdelay $0x3  }
0x93: {  	_ =	strace s4  }
0x94: {  	s4 =	sld [smem:$0x3FFC];
	_ =	sdelay $0x3  }
0x95: {  	_ =	strace s4  }
0x96: {  	s4 =	sld [smem:$0x3FFD];
	_ =	sdelay $0x3  }
0x97: {  	_ =	strace s4  }
0x98: {  	_ =	strace $0x8FFFFFFF  }
0x99: {  	s20 =	sld [smem:$0x3FDB];
	_ =	sdelay $0x1  }
0x9a: {  	s5 =	simm.s32 $_scs_section_size  }
0x9b: {  	s6 =	simm.s32 $_size__tile_overlayer_lowered;
	s7 =	simm.s32 $_tile_overlayer_lowered  }
0x9c: {  	s23 =	simm.s32 $0x1BFF;
	s22 =	sshll.u32 s7, $0x1;
	s4 =	sadd.s32 s5, s20  }
0x9d: {  	s8 =	simm.s32 $0x0;
	s21 =	sshll.u32 s6, $0x1;
	s6 =	sadd.s32 s22, s4  }
0x9e: {  	[timem:s8], [sflag:s23] =	dma.local [hbm:s6], s21  }
0x9f: {  	_ =	swait.ge [sflag:s23], s21  }
0xa0: {  	s5 =	ssub.s32 $0x0, s21;
	[sflag:s23] =	ssyncset.done $0x0  }
0xa1: {  	[sflag:s23] =	ssyncadd.s32 s5;
	_ =	sdelay $0x1  }
0xa2: {  	s24 =	simm.s32 $0x1B8B  }
0xa3: {  	_ =	swait.ge [sflag:s24], $0x1  }
0xa4: {  	[sflag:s24] =	ssyncset.done $0x0  }
0xa5: {  	s25 =	simm.s32 $0x1B8E;
	[sflag:s24] =	ssyncadd.s32 $0xFFFFFFFF  }
0xa6: {  	s26 =	simm.s32 $execute0_lowered;
	[smem:$0x3FD2] =	sst s25  }
0xa7: {  	s5 =	sshll.u32 s26, $0x1;
	_ =	strace $0x80000046;
	[dreg:$0x1] =	wrdreg $0xFFFFFFFF  }
0xa8: {  	s28 =	simm.s32 $_size_execute0_lowered;
	s4 =	sadd.s32 s4, s5;
	[dreg:$0x0] =	wrdreg $0x0  }
0xa9: {  	s5 =	sshll.u32 s28, $0x1;
	[dreg:$0x2] =	wrdreg s4  }
0xaa: {  	[dreg:$0x3] =	wrdreg s5  }
0xab: {  	[dreg:$0x4] =	wrdreg $0xC0  }
0xac: {  	_ =	task [dreg:s8], $0x5FFFF  }
0xad: {  	[dreg:$0x1] =	wrdreg $0xFFFFFFFF  }
0xae: {  	[dreg:$0x0] =	wrdreg $0x60  }
0xaf: {  	[dreg:$0x2] =	wrdreg s2  }
0xb0: {  	[dreg:$0x3] =	wrdreg s19  }
0xb1: {  	[dreg:$0x4] =	wrdreg $0x9  }
0xb2: {  	_ =	task.clear_ibuf [dreg:s8], $0x5FFFF;
	_ =	strace $0x90000046  }
0xb3: {  	s29 =	simm.s32 $0x9;
	_ =	strace $0x80000048  }
0xb4: {  	_ =	swait.ge [sflag:s29], $0x1  }
0xb5: {  	[sflag:s29] =	ssyncadd.s32 $0xFFFFFFFF  }
0xb6: {  	_ =	strace $0x90000048  }
0xb7: {  	_ =	sfence  }
0xb8: {  	s30 =	sld [smem:$0x0];
	_ =	sdelay $0x2  }
0xb9: {  	s31 =	sshll.u32 s1, $0xD;
	s1 =	sshrl.u32 s1, $0x2  }
0xba: {  	s3 =	sand.u32 $0x4000, s31;
	s1 =	sadd.s32 s1, s30  }
0xbb: {  	s0 =	sor.u32 s3, s0;
	s1 =	sshll.u32 s1, $0x11  }
0xbc: {  	s0 =	sor.u32 s1, s0  }
0xbd: {  	s0 =	sadd.s32 $0x8F2B, s0  }
0xbe: {  	[sflag:s0] =	ssyncadd.remote.s32 $0x1  }
0xbf: {  	_ =	sfence.sel $0xFFFF  }
0xc0: {  	[dreg:$0x0] =	wrdreg $0xFFFFFFFF;
	(pc) =	sbr.abs _section_cstart, $3  }
0xc1: {  	[dreg:$0x1] =	wrdreg $0xFFFFFFFF  }
0xc2: {  	_ =	task.clear_ibuf [dreg:s8], $0x2FFFF;
	_ =	strace $0x9FFFFFFF  }
0xc3: {  	(tm) =	ssettm $0x7FFFFFFF  }
tec
execute0_lowered:
.L_overlay_start_1:
0x0: {  	(tag) =	ssettag $0x1  }
0x1: {  	s3 =	rddreg [dreg:$0x0];
	s1 =	srdreg.scid  }
0x2: {  	s0 =	rddreg [dreg:$0x1];
	s4 =	stileid.u32;
	s1 =	sand.u32 $0x1, s1  }
0x3: {  	s2 =	simm.s32 $0x0;
	s4 =	sshll.u32 s4, $0x10;
	s5 =	sshll.u32 s1, $0xF  }
0x4: {  	[smem:$0x7FF] =	sst s2;
	s4 =	sor.u32 s5, s4  }
0x5: {  	_ =	strace $0x80000047;
	s5 =	sadd.s32 s3, s4;
	s6 =	sor.u32 $0x1000, s4  }
0x6: {  	s7 =	sor.u32 $0x2000, s4;
	[dreg:$0x3] =	wrdreg s5;
	s18 =	sadd.s32 s3, s6  }
0x7: {  	s31 =	sadd.s32 s0, s4;
	s19 =	sadd.s32 s3, s7;
	[dreg:$0x4] =	wrdreg s18  }
0x8: {  	s20 =	sadd.s32 $0x100000, s31;
	[dreg:$0x5] =	wrdreg s19  }
0x9: {  	s21 =	sadd.s32 $0x200000, s31;
	[dreg:$0x6] =	wrdreg s20  }
0xa: {  	s8 =	sor.u32 $0x3000, s4;
	s22 =	sadd.s32 $0x300000, s31;
	[dreg:$0x7] =	wrdreg s21  }
0xb: {  	s23 =	sadd.s32 s3, s8;
	[dreg:$0x8] =	wrdreg s22  }
0xc: {  	s24 =	sadd.s32 s0, s6;
	[dreg:$0x9] =	wrdreg s23  }
0xd: {  	s25 =	sadd.s32 $0x101000, s31;
	[dreg:$0xa] =	wrdreg s24  }
0xe: {  	p0 =	por $0x0, $0x0;
	s26 =	sadd.s32 $0x201000, s31;
	[dreg:$0xb] =	wrdreg s25  }
0xf: {  	s9 =	sor.u32 $0x4000, s4;
	s6 =	sadd.s32 $0x301000, s31;
	[dreg:$0xc] =	wrdreg s26  }
0x10: {  	s29 =	simm.s32 $0x3;
	s10 =	sadd.s32 s3, s9;
	[dreg:$0xd] =	wrdreg s6  }
0x11: {  	s1 =	ssub.s32 $0x2, s1;
	s11 =	sadd.s32 s0, s7;
	[dreg:$0xe] =	wrdreg s10  }
0x12: {  	s15 =	sor.u32 $0x5000, s4;
	s12 =	sadd.s32 $0x102000, s31;
	[dreg:$0xf] =	wrdreg s11  }
0x13: {  	s13 =	sadd.s32 $0x202000, s31;
	s14 =	sadd.s32 $0x302000, s31;
	[dreg:$0x10] =	wrdreg s12  }
0x14: {  	s16 =	sadd.s32 s3, s15;
	s17 =	sadd.s32 s0, s8;
	[dreg:$0x11] =	wrdreg s13  }
0x15: {  	s30 =	sadd.s32 $0x303000, s31;
	s15 =	sadd.s32 s0, s15;
	[dreg:$0x12] =	wrdreg s14  }
0x16: {  	s7 =	sadd.s32 $0x207000, s31;
	s8 =	sadd.s32 $0x307000, s31;
	[dreg:$0x13] =	wrdreg s16  }
0x17: {  	[dreg:$0x14] =	wrdreg s17;
	s18 =	sadd.s32 $0x103000, s31;
	s19 =	sshrl.u32 s1, $0x1  }
0x18: {  	s20 =	sadd.s32 $0x203000, s31;
	s21 =	sor.u32 $0x6000, s4;
	s23 =	sadd.s32 s0, s9  }
0x19: {  	s24 =	sadd.s32 $0x104000, s31;
	s25 =	sadd.s32 $0x204000, s31;
	s4 =	sor.u32 $0x7000, s4  }
0x1a: {  	s26 =	sadd.s32 $0x304000, s31;
	s16 =	sadd.s32 $0x105000, s31;
	s17 =	sadd.s32 $0x205000, s31  }
0x1b: {  	s12 =	sadd.s32 $0x106000, s31;
	s13 =	sadd.s32 $0x206000, s31;
	s1 =	ssub.s32 s1, s19  }
0x1c: {  	s14 =	sadd.s32 $0x306000, s31;
	s6 =	sadd.s32 $0x107000, s31;
	s22 =	smax.u32 s1, $0x1  }
0x1d: {  	s10 =	simm.s32 $0x8000;
	[dreg:$0x15] =	wrdreg s18;
	p1 =	sne.s32 s22, $0x1  }
.Ltmp0:
0x1e: {  	s9 =	simm.s32 $0x6;
	[dreg:$0x16] =	wrdreg s20;
	(pc) =	sbr.rel @!p1 .LBB2_5-.Ltmp0, $4  }
0x1f: {  	s28 =	sadd.s32 s3, s21;
	s19 =	sadd.s32 s3, s4;
	s18 =	sadd.s32 $0x305000, s31  }
0x20: {  	s11 =	sadd.s32 s0, s21;
	s5 =	sadd.s32 s0, s4;
	s21 =	simm.s32 $0x10000  }
0x21: {  	s4 =	simm.s32 $0x4;
	s20 =	simm.s32 $0x2;
	s3 =	simm.s32 $0x5  }
0x22: {  	s1 =	rddreg [dreg:$0x3];
	s0 =	sadd.s32 $0xFFFFFFFF, s22;
	s22 =	simm.s32 $0x1  }
0x23: {  	[dreg:$0x18] =	wrdreg s0  }
0x24: {  	[tilespmem:s2], [sflag:$0x1] =	stream.linear.gather [hbm4b:s1+s2], $0x8000, $0x38;
	[tilespmem:$0x18000] =	vst v63  }
0x25: {  	s0 =	rddreg [dreg:$0x4]  }
0x26: {  	[tilespmem:s10], [sflag:$0x2] =	stream.linear.gather [hbm4b:s0+s2], $0x8000, $0x38;
	[tilespmem:$0x18000] =	vst v63  }
0x27: {  	s1 =	rddreg [dreg:$0x5]  }
0x28: {  	[tilespmem:s21], [sflag:$0x3] =	stream.linear.gather [hbm4b:s1+s2], $0x8000, $0x38;
	[tilespmem:$0x18000] =	vst v63  }
0x29: {  	_ =	swait.ge [sflag:s22], $0x8000  }
0x2a: {  	[sflag:s22] =	ssyncset.done $0x0  }
0x2b: {  	[sflag:s22] =	ssyncadd.s32 $0xFFFF8000  }
0x2c: {  	[hbm4b:s31+s2] =	stream.linear.scatter [tilespmem:s2], [sflag:$0x4], $0x8000, $0x38;
	[tilespmem:$0x18000] =	vst v63  }
0x2d: {  	s0 =	rddreg [dreg:$0x6]  }
0x2e: {  	[hbm4b:s0+s2] =	stream.linear.scatter [tilespmem:s2], [sflag:$0x4], $0x8000, $0x38;
	[tilespmem:$0x18000] =	vst v63  }
0x2f: {  	s1 =	rddreg [dreg:$0x7]  }
0x30: {  	[hbm4b:s1+s2] =	stream.linear.scatter [tilespmem:s2], [sflag:$0x4], $0x8000, $0x38;
	[tilespmem:$0x18000] =	vst v63  }
0x31: {  	s0 =	rddreg [dreg:$0x8]  }
0x32: {  	[hbm4b:s0+s2] =	stream.linear.scatter [tilespmem:s2], [sflag:$0x4], $0x8000, $0x38;
	[tilespmem:$0x18000] =	vst v63  }
0x33: {  	_ =	swait.ge [sflag:s4], $0x8000  }
0x34: {  	[sflag:s4] =	ssyncset.done $0x0  }
0x35: {  	[sflag:s4] =	ssyncadd.s32 $0xFFFF8000  }
0x36: {  	_ =	swait.ge [sflag:s4], $0x8000  }
0x37: {  	[sflag:s4] =	ssyncset.done $0x0  }
0x38: {  	[sflag:s4] =	ssyncadd.s32 $0xFFFF8000  }
0x39: {  	_ =	swait.ge [sflag:s4], $0x8000  }
0x3a: {  	[sflag:s4] =	ssyncset.done $0x0  }
0x3b: {  	[sflag:s4] =	ssyncadd.s32 $0xFFFF8000  }
0x3c: {  	_ =	swait.ge [sflag:s4], $0x8000  }
0x3d: {  	[sflag:s4] =	ssyncset.done $0x0  }
0x3e: {  	s1 =	rddreg [dreg:$0x9];
	[sflag:s4] =	ssyncadd.s32 $0xFFFF8000  }
0x3f: {  	[tilespmem:s2], [sflag:$0x1] =	stream.linear.gather [hbm4b:s1+s2], $0x8000, $0x38;
	[tilespmem:$0x18000] =	vst v63  }
0x40: {  	_ =	swait.ge [sflag:s20], $0x8000  }
0x41: {  	[sflag:s20] =	ssyncset.done $0x0  }
0x42: {  	s0 =	rddreg [dreg:$0xa];
	[sflag:s20] =	ssyncadd.s32 $0xFFFF8000  }
0x43: {  	[hbm4b:s0+s2] =	stream.linear.scatter [tilespmem:s10], [sflag:$0x5], $0x8000, $0x38;
	[tilespmem:$0x18000] =	vst v63  }
0x44: {  	s1 =	rddreg [dreg:$0xb]  }
0x45: {  	[hbm4b:s1+s2] =	stream.linear.scatter [tilespmem:s10], [sflag:$0x5], $0x8000, $0x38;
	[tilespmem:$0x18000] =	vst v63  }
0x46: {  	s0 =	rddreg [dreg:$0xc]  }
0x47: {  	[hbm4b:s0+s2] =	stream.linear.scatter [tilespmem:s10], [sflag:$0x5], $0x8000, $0x38;
	[tilespmem:$0x18000] =	vst v63  }
0x48: {  	s1 =	rddreg [dreg:$0xd]  }
0x49: {  	[hbm4b:s1+s2] =	stream.linear.scatter [tilespmem:s10], [sflag:$0x5], $0x8000, $0x38;
	[tilespmem:$0x18000] =	vst v63  }
0x4a: {  	_ =	swait.ge [sflag:s3], $0x8000  }
0x4b: {  	[sflag:s3] =	ssyncset.done $0x0  }
0x4c: {  	[sflag:s3] =	ssyncadd.s32 $0xFFFF8000  }
0x4d: {  	_ =	swait.ge [sflag:s3], $0x8000  }
0x4e: {  	[sflag:s3] =	ssyncset.done $0x0  }
0x4f: {  	[sflag:s3] =	ssyncadd.s32 $0xFFFF8000  }
0x50: {  	_ =	swait.ge [sflag:s3], $0x8000  }
0x51: {  	[sflag:s3] =	ssyncset.done $0x0  }
0x52: {  	[sflag:s3] =	ssyncadd.s32 $0xFFFF8000  }
0x53: {  	_ =	swait.ge [sflag:s3], $0x8000  }
0x54: {  	[sflag:s3] =	ssyncset.done $0x0  }
0x55: {  	s1 =	rddreg [dreg:$0xe];
	[sflag:s3] =	ssyncadd.s32 $0xFFFF8000  }
0x56: {  	[tilespmem:s10], [sflag:$0x2] =	stream.linear.gather [hbm4b:s1+s2], $0x8000, $0x38;
	[tilespmem:$0x18000] =	vst v63  }
0x57: {  	_ =	swait.ge [sflag:s29], $0x8000  }
0x58: {  	[sflag:s29] =	ssyncset.done $0x0  }
0x59: {  	s0 =	rddreg [dreg:$0xf];
	[sflag:s29] =	ssyncadd.s32 $0xFFFF8000  }
0x5a: {  	[hbm4b:s0+s2] =	stream.linear.scatter [tilespmem:s21], [sflag:$0x6], $0x8000, $0x38;
	[tilespmem:$0x18000] =	vst v63  }
0x5b: {  	s1 =	rddreg [dreg:$0x10]  }
0x5c: {  	[hbm4b:s1+s2] =	stream.linear.scatter [tilespmem:s21], [sflag:$0x6], $0x8000, $0x38;
	[tilespmem:$0x18000] =	vst v63  }
0x5d: {  	s0 =	rddreg [dreg:$0x11]  }
0x5e: {  	[hbm4b:s0+s2] =	stream.linear.scatter [tilespmem:s21], [sflag:$0x6], $0x8000, $0x38;
	[tilespmem:$0x18000] =	vst v63  }
0x5f: {  	s1 =	rddreg [dreg:$0x12]  }
0x60: {  	[hbm4b:s1+s2] =	stream.linear.scatter [tilespmem:s21], [sflag:$0x6], $0x8000, $0x38;
	[tilespmem:$0x18000] =	vst v63  }
0x61: {  	_ =	swait.ge [sflag:s9], $0x8000  }
0x62: {  	[sflag:s9] =	ssyncset.done $0x0  }
0x63: {  	[sflag:s9] =	ssyncadd.s32 $0xFFFF8000  }
0x64: {  	_ =	swait.ge [sflag:s9], $0x8000  }
0x65: {  	[sflag:s9] =	ssyncset.done $0x0  }
0x66: {  	[sflag:s9] =	ssyncadd.s32 $0xFFFF8000  }
0x67: {  	_ =	swait.ge [sflag:s9], $0x8000  }
0x68: {  	[sflag:s9] =	ssyncset.done $0x0  }
0x69: {  	[sflag:s9] =	ssyncadd.s32 $0xFFFF8000  }
0x6a: {  	_ =	swait.ge [sflag:s9], $0x8000  }
0x6b: {  	[sflag:s9] =	ssyncset.done $0x0  }
0x6c: {  	s1 =	rddreg [dreg:$0x13];
	[sflag:s9] =	ssyncadd.s32 $0xFFFF8000  }
0x6d: {  	[tilespmem:s21], [sflag:$0x3] =	stream.linear.gather [hbm4b:s1+s2], $0x8000, $0x38;
	[tilespmem:$0x18000] =	vst v63  }
0x6e: {  	_ =	swait.ge [sflag:s22], $0x8000  }
0x6f: {  	[sflag:s22] =	ssyncset.done $0x0  }
0x70: {  	s0 =	rddreg [dreg:$0x14];
	[sflag:s22] =	ssyncadd.s32 $0xFFFF8000  }
0x71: {  	[hbm4b:s0+s2] =	stream.linear.scatter [tilespmem:s2], [sflag:$0x4], $0x8000, $0x38;
	[tilespmem:$0x18000] =	vst v63  }
0x72: {  	s1 =	rddreg [dreg:$0x15]  }
0x73: {  	[hbm4b:s1+s2] =	stream.linear.scatter [tilespmem:s2], [sflag:$0x4], $0x8000, $0x38;
	[tilespmem:$0x18000] =	vst v63  }
0x74: {  	s0 =	rddreg [dreg:$0x16]  }
0x75: {  	[hbm4b:s0+s2] =	stream.linear.scatter [tilespmem:s2], [sflag:$0x4], $0x8000, $0x38;
	[tilespmem:$0x18000] =	vst v63  }
0x76: {  	_ = 	snop  }
0x77: {  	[hbm4b:s30+s2] =	stream.linear.scatter [tilespmem:s2], [sflag:$0x4], $0x8000, $0x38;
	[tilespmem:$0x18000] =	vst v63  }
0x78: {  	_ =	swait.ge [sflag:s4], $0x8000  }
0x79: {  	[sflag:s4] =	ssyncset.done $0x0  }
0x7a: {  	[sflag:s4] =	ssyncadd.s32 $0xFFFF8000  }
0x7b: {  	_ =	swait.ge [sflag:s4], $0x8000  }
0x7c: {  	[sflag:s4] =	ssyncset.done $0x0  }
0x7d: {  	[sflag:s4] =	ssyncadd.s32 $0xFFFF8000  }
0x7e: {  	_ =	swait.ge [sflag:s4], $0x8000  }
0x7f: {  	[sflag:s4] =	ssyncset.done $0x0  }
0x80: {  	[sflag:s4] =	ssyncadd.s32 $0xFFFF8000  }
0x81: {  	_ =	swait.ge [sflag:s4], $0x8000  }
0x82: {  	[sflag:s4] =	ssyncset.done $0x0  }
0x83: {  	[sflag:s4] =	ssyncadd.s32 $0xFFFF8000  }
0x84: {  	[tilespmem:s2], [sflag:$0x1] =	stream.linear.gather [hbm4b:s28+s2], $0x8000, $0x38;
	[tilespmem:$0x18000] =	vst v63  }
0x85: {  	_ =	swait.ge [sflag:s20], $0x8000  }
0x86: {  	[sflag:s20] =	ssyncset.done $0x0  }
0x87: {  	[sflag:s20] =	ssyncadd.s32 $0xFFFF8000  }
0x88: {  	[hbm4b:s23+s2] =	stream.linear.scatter [tilespmem:s10], [sflag:$0x5], $0x8000, $0x38;
	[tilespmem:$0x18000] =	vst v63  }
0x89: {  	_ = 	snop  }
0x8a: {  	[hbm4b:s24+s2] =	stream.linear.scatter [tilespmem:s10], [sflag:$0x5], $0x8000, $0x38;
	[tilespmem:$0x18000] =	vst v63  }
0x8b: {  	_ = 	snop  }
0x8c: {  	[hbm4b:s25+s2] =	stream.linear.scatter [tilespmem:s10], [sflag:$0x5], $0x8000, $0x38;
	[tilespmem:$0x18000] =	vst v63  }
0x8d: {  	_ = 	snop  }
0x8e: {  	[hbm4b:s26+s2] =	stream.linear.scatter [tilespmem:s10], [sflag:$0x5], $0x8000, $0x38;
	[tilespmem:$0x18000] =	vst v63  }
0x8f: {  	_ =	swait.ge [sflag:s3], $0x8000  }
0x90: {  	[sflag:s3] =	ssyncset.done $0x0  }
0x91: {  	[sflag:s3] =	ssyncadd.s32 $0xFFFF8000  }
0x92: {  	_ =	swait.ge [sflag:s3], $0x8000  }
0x93: {  	[sflag:s3] =	ssyncset.done $0x0  }
0x94: {  	[sflag:s3] =	ssyncadd.s32 $0xFFFF8000  }
0x95: {  	_ =	swait.ge [sflag:s3], $0x8000  }
0x96: {  	[sflag:s3] =	ssyncset.done $0x0  }
0x97: {  	[sflag:s3] =	ssyncadd.s32 $0xFFFF8000  }
0x98: {  	_ =	swait.ge [sflag:s3], $0x8000  }
0x99: {  	[sflag:s3] =	ssyncset.done $0x0  }
0x9a: {  	[sflag:s3] =	ssyncadd.s32 $0xFFFF8000  }
0x9b: {  	[tilespmem:s10], [sflag:$0x2] =	stream.linear.gather [hbm4b:s19+s2], $0x8000, $0x38;
	[tilespmem:$0x18000] =	vst v63  }
0x9c: {  	_ =	swait.ge [sflag:s29], $0x8000  }
0x9d: {  	[sflag:s29] =	ssyncset.done $0x0  }
0x9e: {  	[sflag:s29] =	ssyncadd.s32 $0xFFFF8000  }
0x9f: {  	[hbm4b:s15+s2] =	stream.linear.scatter [tilespmem:s21], [sflag:$0x6], $0x8000, $0x38;
	[tilespmem:$0x18000] =	vst v63  }
0xa0: {  	_ = 	snop  }
0xa1: {  	[hbm4b:s16+s2] =	stream.linear.scatter [tilespmem:s21], [sflag:$0x6], $0x8000, $0x38;
	[tilespmem:$0x18000] =	vst v63  }
0xa2: {  	_ = 	snop  }
0xa3: {  	[hbm4b:s17+s2] =	stream.linear.scatter [tilespmem:s21], [sflag:$0x6], $0x8000, $0x38;
	[tilespmem:$0x18000] =	vst v63  }
0xa4: {  	_ = 	snop  }
0xa5: {  	[hbm4b:s18+s2] =	stream.linear.scatter [tilespmem:s21], [sflag:$0x6], $0x8000, $0x38;
	[tilespmem:$0x18000] =	vst v63  }
0xa6: {  	_ =	swait.ge [sflag:s22], $0x8000  }
0xa7: {  	[sflag:s22] =	ssyncset.done $0x0  }
0xa8: {  	[sflag:s22] =	ssyncadd.s32 $0xFFFF8000  }
0xa9: {  	[hbm4b:s11+s2] =	stream.linear.scatter [tilespmem:s2], [sflag:$0x4], $0x8000, $0x38;
	[tilespmem:$0x18000] =	vst v63  }
0xaa: {  	_ = 	snop  }
0xab: {  	[hbm4b:s12+s2] =	stream.linear.scatter [tilespmem:s2], [sflag:$0x4], $0x8000, $0x38;
	[tilespmem:$0x18000] =	vst v63  }
0xac: {  	_ = 	snop  }
0xad: {  	[hbm4b:s13+s2] =	stream.linear.scatter [tilespmem:s2], [sflag:$0x4], $0x8000, $0x38;
	[tilespmem:$0x18000] =	vst v63  }
0xae: {  	_ = 	snop  }
0xaf: {  	[hbm4b:s14+s2] =	stream.linear.scatter [tilespmem:s2], [sflag:$0x4], $0x8000, $0x38;
	[tilespmem:$0x18000] =	vst v63  }
0xb0: {  	_ =	swait.ge [sflag:s20], $0x8000  }
0xb1: {  	[sflag:s20] =	ssyncset.done $0x0  }
0xb2: {  	[sflag:s20] =	ssyncadd.s32 $0xFFFF8000  }
0xb3: {  	[hbm4b:s5+s2] =	stream.linear.scatter [tilespmem:s10], [sflag:$0x5], $0x8000, $0x38;
	[tilespmem:$0x18000] =	vst v63  }
0xb4: {  	_ = 	snop  }
0xb5: {  	[hbm4b:s6+s2] =	stream.linear.scatter [tilespmem:s10], [sflag:$0x5], $0x8000, $0x38;
	[tilespmem:$0x18000] =	vst v63  }
0xb6: {  	_ = 	snop  }
0xb7: {  	[hbm4b:s7+s2] =	stream.linear.scatter [tilespmem:s10], [sflag:$0x5], $0x8000, $0x38;
	[tilespmem:$0x18000] =	vst v63  }
0xb8: {  	_ = 	snop  }
0xb9: {  	[hbm4b:s8+s2] =	stream.linear.scatter [tilespmem:s10], [sflag:$0x5], $0x8000, $0x38;
	[tilespmem:$0x18000] =	vst v63  }
0xba: {  	_ =	swait.ge [sflag:s9], $0x8000  }
0xbb: {  	[sflag:s9] =	ssyncset.done $0x0  }
0xbc: {  	[sflag:s9] =	ssyncadd.s32 $0xFFFF8000  }
0xbd: {  	_ =	swait.ge [sflag:s9], $0x8000  }
0xbe: {  	[sflag:s9] =	ssyncset.done $0x0  }
0xbf: {  	[sflag:s9] =	ssyncadd.s32 $0xFFFF8000  }
0xc0: {  	_ =	swait.ge [sflag:s9], $0x8000  }
0xc1: {  	[sflag:s9] =	ssyncset.done $0x0  }
0xc2: {  	[sflag:s9] =	ssyncadd.s32 $0xFFFF8000  }
0xc3: {  	_ =	swait.ge [sflag:s9], $0x8000  }
0xc4: {  	[sflag:s9] =	ssyncset.done $0x0  }
0xc5: {  	[sflag:s9] =	ssyncadd.s32 $0xFFFF8000  }
0xc6: {  	_ =	swait.ge [sflag:s4], $0x8000  }
0xc7: {  	[sflag:s4] =	ssyncset.done $0x0  }
0xc8: {  	[sflag:s4] =	ssyncadd.s32 $0xFFFF8000  }
0xc9: {  	_ =	swait.ge [sflag:s4], $0x8000  }
0xca: {  	[sflag:s4] =	ssyncset.done $0x0  }
0xcb: {  	[sflag:s4] =	ssyncadd.s32 $0xFFFF8000  }
0xcc: {  	_ =	swait.ge [sflag:s4], $0x8000  }
0xcd: {  	[sflag:s4] =	ssyncset.done $0x0  }
0xce: {  	[sflag:s4] =	ssyncadd.s32 $0xFFFF8000  }
0xcf: {  	_ =	swait.ge [sflag:s4], $0x8000  }
0xd0: {  	[sflag:s4] =	ssyncset.done $0x0  }
0xd1: {  	[sflag:s4] =	ssyncadd.s32 $0xFFFF8000  }
0xd2: {  	_ =	swait.ge [sflag:s3], $0x8000  }
0xd3: {  	[sflag:s3] =	ssyncset.done $0x0  }
0xd4: {  	[sflag:s3] =	ssyncadd.s32 $0xFFFF8000  }
0xd5: {  	_ =	swait.ge [sflag:s3], $0x8000  }
0xd6: {  	[sflag:s3] =	ssyncset.done $0x0  }
0xd7: {  	[sflag:s3] =	ssyncadd.s32 $0xFFFF8000  }
0xd8: {  	_ =	swait.ge [sflag:s3], $0x8000  }
0xd9: {  	s1 =	rddreg [dreg:$0x18]  }
0xda: {  	p1 =	sne.s32 s1, $0x1  }
.Ltmp1:
0xdb: {  	_ = 	snop;
	(pc) =	sbr.rel @!p1 .LBB2_2-.Ltmp1, $4  }
0xdc: {  	[sflag:s3] =	ssyncset.done $0x0  }
0xdd: {  	[sflag:s3] =	ssyncadd.s32 $0xFFFF8000  }
0xde: {  	p0 =	por $0x1, $0x1;
	_ =	swait.ge [sflag:s3], $0x8000;
	[dreg:$0x17] =	wrdreg s31  }
0xdf: {  	s0 =	sadd.s32 $0xFFFFFFFF, s1;
	s1 =	rddreg [dreg:$0x3];
	[sflag:s3] =	ssyncset.done $0x0  }
.LBB2_3:
0xe0: {  	[sflag:s3] =	ssyncadd.s32 $0xFFFF8000;
	s31 =	smov.u32 s30;
	s30 =	smov.u32 s28  }
0xe1: {  	s28 =	smov.u32 s26;
	s26 =	smov.u32 s25;
	s25 =	smov.u32 s24  }
0xe2: {  	s24 =	smov.u32 s23;
	s23 =	smov.u32 s19;
	s19 =	smov.u32 s18  }
0xe3: {  	s18 =	smov.u32 s17;
	s17 =	smov.u32 s16;
	s16 =	smov.u32 s15  }
0xe4: {  	s15 =	smov.u32 s14;
	s14 =	smov.u32 s13;
	s13 =	smov.u32 s12  }
0xe5: {  	s12 =	smov.u32 s11;
	s11 =	smov.u32 s8;
	s8 =	smov.u32 s7  }
0xe6: {  	[tilespmem:s2], [sflag:$0x1] =	stream.linear.gather [hbm4b:s1+s2], $0x8000, $0x38;
	[tilespmem:$0x18000] =	vst v63  }
0xe7: {  	s7 =	smov.u32 s6;
	s6 =	smov.u32 s5;
	s5 =	rddreg [dreg:$0x4]  }
0xe8: {  	[tilespmem:s10], [sflag:$0x2] =	stream.linear.gather [hbm4b:s5+s2], $0x8000, $0x38;
	[tilespmem:$0x18000] =	vst v63  }
0xe9: {  	s1 =	rddreg [dreg:$0x5]  }
0xea: {  	[tilespmem:s21], [sflag:$0x3] =	stream.linear.gather [hbm4b:s1+s2], $0x8000, $0x38;
	[tilespmem:$0x18000] =	vst v63  }
0xeb: {  	_ =	swait.ge [sflag:s22], $0x8000  }
0xec: {  	[sflag:s22] =	ssyncset.done $0x0  }
0xed: {  	s5 =	rddreg [dreg:$0x17];
	[sflag:s22] =	ssyncadd.s32 $0xFFFF8000  }
0xee: {  	[hbm4b:s5+s2] =	stream.linear.scatter [tilespmem:s2], [sflag:$0x4], $0x8000, $0x38;
	[tilespmem:$0x18000] =	vst v63  }
0xef: {  	s1 =	rddreg [dreg:$0x6]  }
0xf0: {  	[hbm4b:s1+s2] =	stream.linear.scatter [tilespmem:s2], [sflag:$0x4], $0x8000, $0x38;
	[tilespmem:$0x18000] =	vst v63  }
0xf1: {  	s5 =	rddreg [dreg:$0x7]  }
0xf2: {  	[hbm4b:s5+s2] =	stream.linear.scatter [tilespmem:s2], [sflag:$0x4], $0x8000, $0x38;
	[tilespmem:$0x18000] =	vst v63  }
0xf3: {  	s1 =	rddreg [dreg:$0x8]  }
0xf4: {  	[hbm4b:s1+s2] =	stream.linear.scatter [tilespmem:s2], [sflag:$0x4], $0x8000, $0x38;
	[tilespmem:$0x18000] =	vst v63  }
0xf5: {  	_ =	swait.ge [sflag:s4], $0x8000  }
0xf6: {  	[sflag:s4] =	ssyncset.done $0x0  }
0xf7: {  	[sflag:s4] =	ssyncadd.s32 $0xFFFF8000  }
0xf8: {  	_ =	swait.ge [sflag:s4], $0x8000  }
0xf9: {  	[sflag:s4] =	ssyncset.done $0x0  }
0xfa: {  	[sflag:s4] =	ssyncadd.s32 $0xFFFF8000  }
0xfb: {  	_ =	swait.ge [sflag:s4], $0x8000  }
0xfc: {  	[sflag:s4] =	ssyncset.done $0x0  }
0xfd: {  	[sflag:s4] =	ssyncadd.s32 $0xFFFF8000  }
0xfe: {  	_ =	swait.ge [sflag:s4], $0x8000  }
0xff: {  	[sflag:s4] =	ssyncset.done $0x0  }
0x100: {  	s5 =	rddreg [dreg:$0x9];
	[sflag:s4] =	ssyncadd.s32 $0xFFFF8000  }
0x101: {  	[tilespmem:s2], [sflag:$0x1] =	stream.linear.gather [hbm4b:s5+s2], $0x8000, $0x38;
	[tilespmem:$0x18000] =	vst v63  }
0x102: {  	_ =	swait.ge [sflag:s20], $0x8000  }
0x103: {  	[sflag:s20] =	ssyncset.done $0x0  }
0x104: {  	s1 =	rddreg [dreg:$0xa];
	[sflag:s20] =	ssyncadd.s32 $0xFFFF8000  }
0x105: {  	[hbm4b:s1+s2] =	stream.linear.scatter [tilespmem:s10], [sflag:$0x5], $0x8000, $0x38;
	[tilespmem:$0x18000] =	vst v63  }
0x106: {  	s5 =	rddreg [dreg:$0xb]  }
0x107: {  	[hbm4b:s5+s2] =	stream.linear.scatter [tilespmem:s10], [sflag:$0x5], $0x8000, $0x38;
	[tilespmem:$0x18000] =	vst v63  }
0x108: {  	s1 =	rddreg [dreg:$0xc]  }
0x109: {  	[hbm4b:s1+s2] =	stream.linear.scatter [tilespmem:s10], [sflag:$0x5], $0x8000, $0x38;
	[tilespmem:$0x18000] =	vst v63  }
0x10a: {  	s5 =	rddreg [dreg:$0xd]  }
0x10b: {  	[hbm4b:s5+s2] =	stream.linear.scatter [tilespmem:s10], [sflag:$0x5], $0x8000, $0x38;
	[tilespmem:$0x18000] =	vst v63  }
0x10c: {  	_ =	swait.ge [sflag:s3], $0x8000  }
0x10d: {  	[sflag:s3] =	ssyncset.done $0x0  }
0x10e: {  	[sflag:s3] =	ssyncadd.s32 $0xFFFF8000  }
0x10f: {  	_ =	swait.ge [sflag:s3], $0x8000  }
0x110: {  	[sflag:s3] =	ssyncset.done $0x0  }
0x111: {  	[sflag:s3] =	ssyncadd.s32 $0xFFFF8000  }
0x112: {  	_ =	swait.ge [sflag:s3], $0x8000  }
0x113: {  	[sflag:s3] =	ssyncset.done $0x0  }
0x114: {  	[sflag:s3] =	ssyncadd.s32 $0xFFFF8000  }
0x115: {  	_ =	swait.ge [sflag:s3], $0x8000  }
0x116: {  	[sflag:s3] =	ssyncset.done $0x0  }
0x117: {  	s5 =	rddreg [dreg:$0xe];
	[sflag:s3] =	ssyncadd.s32 $0xFFFF8000  }
0x118: {  	[tilespmem:s10], [sflag:$0x2] =	stream.linear.gather [hbm4b:s5+s2], $0x8000, $0x38;
	[tilespmem:$0x18000] =	vst v63  }
0x119: {  	_ =	swait.ge [sflag:s29], $0x8000  }
0x11a: {  	[sflag:s29] =	ssyncset.done $0x0  }
0x11b: {  	s1 =	rddreg [dreg:$0xf];
	[sflag:s29] =	ssyncadd.s32 $0xFFFF8000  }
0x11c: {  	[hbm4b:s1+s2] =	stream.linear.scatter [tilespmem:s21], [sflag:$0x6], $0x8000, $0x38;
	[tilespmem:$0x18000] =	vst v63  }
0x11d: {  	s5 =	rddreg [dreg:$0x10]  }
0x11e: {  	[hbm4b:s5+s2] =	stream.linear.scatter [tilespmem:s21], [sflag:$0x6], $0x8000, $0x38;
	[tilespmem:$0x18000] =	vst v63  }
0x11f: {  	s1 =	rddreg [dreg:$0x11]  }
0x120: {  	[hbm4b:s1+s2] =	stream.linear.scatter [tilespmem:s21], [sflag:$0x6], $0x8000, $0x38;
	[tilespmem:$0x18000] =	vst v63  }
0x121: {  	s5 =	rddreg [dreg:$0x12]  }
0x122: {  	[hbm4b:s5+s2] =	stream.linear.scatter [tilespmem:s21], [sflag:$0x6], $0x8000, $0x38;
	[tilespmem:$0x18000] =	vst v63  }
0x123: {  	_ =	swait.ge [sflag:s9], $0x8000  }
0x124: {  	[sflag:s9] =	ssyncset.done $0x0  }
0x125: {  	[sflag:s9] =	ssyncadd.s32 $0xFFFF8000  }
0x126: {  	_ =	swait.ge [sflag:s9], $0x8000  }
0x127: {  	[sflag:s9] =	ssyncset.done $0x0  }
0x128: {  	[sflag:s9] =	ssyncadd.s32 $0xFFFF8000  }
0x129: {  	_ =	swait.ge [sflag:s9], $0x8000  }
0x12a: {  	[sflag:s9] =	ssyncset.done $0x0  }
0x12b: {  	[sflag:s9] =	ssyncadd.s32 $0xFFFF8000  }
0x12c: {  	_ =	swait.ge [sflag:s9], $0x8000  }
0x12d: {  	[sflag:s9] =	ssyncset.done $0x0  }
0x12e: {  	s5 =	rddreg [dreg:$0x13];
	[sflag:s9] =	ssyncadd.s32 $0xFFFF8000  }
0x12f: {  	[tilespmem:s21], [sflag:$0x3] =	stream.linear.gather [hbm4b:s5+s2], $0x8000, $0x38;
	[tilespmem:$0x18000] =	vst v63  }
0x130: {  	_ =	swait.ge [sflag:s22], $0x8000  }
0x131: {  	[sflag:s22] =	ssyncset.done $0x0  }
0x132: {  	s1 =	rddreg [dreg:$0x14];
	[sflag:s22] =	ssyncadd.s32 $0xFFFF8000  }
0x133: {  	[hbm4b:s1+s2] =	stream.linear.scatter [tilespmem:s2], [sflag:$0x4], $0x8000, $0x38;
	[tilespmem:$0x18000] =	vst v63  }
0x134: {  	s5 =	rddreg [dreg:$0x15]  }
0x135: {  	[hbm4b:s5+s2] =	stream.linear.scatter [tilespmem:s2], [sflag:$0x4], $0x8000, $0x38;
	[tilespmem:$0x18000] =	vst v63  }
0x136: {  	s1 =	rddreg [dreg:$0x16]  }
0x137: {  	[hbm4b:s1+s2] =	stream.linear.scatter [tilespmem:s2], [sflag:$0x4], $0x8000, $0x38;
	[tilespmem:$0x18000] =	vst v63  }
0x138: {  	_ = 	snop  }
0x139: {  	[hbm4b:s31+s2] =	stream.linear.scatter [tilespmem:s2], [sflag:$0x4], $0x8000, $0x38;
	[tilespmem:$0x18000] =	vst v63  }
0x13a: {  	_ =	swait.ge [sflag:s4], $0x8000  }
0x13b: {  	[sflag:s4] =	ssyncset.done $0x0  }
0x13c: {  	[sflag:s4] =	ssyncadd.s32 $0xFFFF8000  }
0x13d: {  	s5 =	smov.u32 s6;
	s6 =	smov.u32 s7;
	_ =	swait.ge [sflag:s4], $0x8000  }
0x13e: {  	s7 =	smov.u32 s8;
	s8 =	smov.u32 s11;
	[sflag:s4] =	ssyncset.done $0x0  }
0x13f: {  	s11 =	smov.u32 s12;
	s12 =	smov.u32 s13;
	[sflag:s4] =	ssyncadd.s32 $0xFFFF8000  }
0x140: {  	s13 =	smov.u32 s14;
	s14 =	smov.u32 s15;
	_ =	swait.ge [sflag:s4], $0x8000  }
0x141: {  	s15 =	smov.u32 s16;
	s16 =	smov.u32 s17;
	[sflag:s4] =	ssyncset.done $0x0  }
0x142: {  	s17 =	smov.u32 s18;
	s18 =	smov.u32 s19;
	[sflag:s4] =	ssyncadd.s32 $0xFFFF8000  }
0x143: {  	s19 =	smov.u32 s23;
	s23 =	smov.u32 s24;
	_ =	swait.ge [sflag:s4], $0x8000  }
0x144: {  	s24 =	smov.u32 s25;
	s25 =	smov.u32 s26;
	[sflag:s4] =	ssyncset.done $0x0  }
0x145: {  	s26 =	smov.u32 s28;
	s28 =	smov.u32 s30;
	[sflag:s4] =	ssyncadd.s32 $0xFFFF8000  }
0x146: {  	[tilespmem:s2], [sflag:$0x1] =	stream.linear.gather [hbm4b:s28+s2], $0x8000, $0x38;
	[tilespmem:$0x18000] =	vst v63  }
0x147: {  	_ =	swait.ge [sflag:s20], $0x8000  }
0x148: {  	[sflag:s20] =	ssyncset.done $0x0  }
0x149: {  	[sflag:s20] =	ssyncadd.s32 $0xFFFF8000  }
0x14a: {  	[hbm4b:s23+s2] =	stream.linear.scatter [tilespmem:s10], [sflag:$0x5], $0x8000, $0x38;
	[tilespmem:$0x18000] =	vst v63  }
0x14b: {  	_ = 	snop  }
0x14c: {  	[hbm4b:s24+s2] =	stream.linear.scatter [tilespmem:s10], [sflag:$0x5], $0x8000, $0x38;
	[tilespmem:$0x18000] =	vst v63  }
0x14d: {  	_ = 	snop  }
0x14e: {  	[hbm4b:s25+s2] =	stream.linear.scatter [tilespmem:s10], [sflag:$0x5], $0x8000, $0x38;
	[tilespmem:$0x18000] =	vst v63  }
0x14f: {  	_ = 	snop  }
0x150: {  	[hbm4b:s26+s2] =	stream.linear.scatter [tilespmem:s10], [sflag:$0x5], $0x8000, $0x38;
	[tilespmem:$0x18000] =	vst v63  }
0x151: {  	_ =	swait.ge [sflag:s3], $0x8000  }
0x152: {  	[sflag:s3] =	ssyncset.done $0x0  }
0x153: {  	[sflag:s3] =	ssyncadd.s32 $0xFFFF8000  }
0x154: {  	_ =	swait.ge [sflag:s3], $0x8000  }
0x155: {  	[sflag:s3] =	ssyncset.done $0x0  }
0x156: {  	[sflag:s3] =	ssyncadd.s32 $0xFFFF8000  }
0x157: {  	_ =	swait.ge [sflag:s3], $0x8000  }
0x158: {  	[sflag:s3] =	ssyncset.done $0x0  }
0x159: {  	[sflag:s3] =	ssyncadd.s32 $0xFFFF8000  }
0x15a: {  	_ =	swait.ge [sflag:s3], $0x8000  }
0x15b: {  	[sflag:s3] =	ssyncset.done $0x0  }
0x15c: {  	[sflag:s3] =	ssyncadd.s32 $0xFFFF8000  }
0x15d: {  	[tilespmem:s10], [sflag:$0x2] =	stream.linear.gather [hbm4b:s19+s2], $0x8000, $0x38;
	[tilespmem:$0x18000] =	vst v63  }
0x15e: {  	_ =	swait.ge [sflag:s29], $0x8000  }
0x15f: {  	[sflag:s29] =	ssyncset.done $0x0  }
0x160: {  	[sflag:s29] =	ssyncadd.s32 $0xFFFF8000  }
0x161: {  	[hbm4b:s15+s2] =	stream.linear.scatter [tilespmem:s21], [sflag:$0x6], $0x8000, $0x38;
	[tilespmem:$0x18000] =	vst v63  }
0x162: {  	_ = 	snop  }
0x163: {  	[hbm4b:s16+s2] =	stream.linear.scatter [tilespmem:s21], [sflag:$0x6], $0x8000, $0x38;
	[tilespmem:$0x18000] =	vst v63  }
0x164: {  	_ = 	snop  }
0x165: {  	[hbm4b:s17+s2] =	stream.linear.scatter [tilespmem:s21], [sflag:$0x6], $0x8000, $0x38;
	[tilespmem:$0x18000] =	vst v63  }
0x166: {  	_ = 	snop  }
0x167: {  	[hbm4b:s18+s2] =	stream.linear.scatter [tilespmem:s21], [sflag:$0x6], $0x8000, $0x38;
	[tilespmem:$0x18000] =	vst v63  }
0x168: {  	_ =	swait.ge [sflag:s22], $0x8000  }
0x169: {  	[sflag:s22] =	ssyncset.done $0x0  }
0x16a: {  	[sflag:s22] =	ssyncadd.s32 $0xFFFF8000  }
0x16b: {  	[hbm4b:s11+s2] =	stream.linear.scatter [tilespmem:s2], [sflag:$0x4], $0x8000, $0x38;
	[tilespmem:$0x18000] =	vst v63  }
0x16c: {  	_ = 	snop  }
0x16d: {  	[hbm4b:s12+s2] =	stream.linear.scatter [tilespmem:s2], [sflag:$0x4], $0x8000, $0x38;
	[tilespmem:$0x18000] =	vst v63  }
0x16e: {  	_ = 	snop  }
0x16f: {  	[hbm4b:s13+s2] =	stream.linear.scatter [tilespmem:s2], [sflag:$0x4], $0x8000, $0x38;
	[tilespmem:$0x18000] =	vst v63  }
0x170: {  	_ = 	snop  }
0x171: {  	[hbm4b:s14+s2] =	stream.linear.scatter [tilespmem:s2], [sflag:$0x4], $0x8000, $0x38;
	[tilespmem:$0x18000] =	vst v63  }
0x172: {  	_ =	swait.ge [sflag:s20], $0x8000  }
0x173: {  	[sflag:s20] =	ssyncset.done $0x0  }
0x174: {  	[sflag:s20] =	ssyncadd.s32 $0xFFFF8000  }
0x175: {  	[hbm4b:s5+s2] =	stream.linear.scatter [tilespmem:s10], [sflag:$0x5], $0x8000, $0x38;
	[tilespmem:$0x18000] =	vst v63  }
0x176: {  	_ = 	snop  }
0x177: {  	[hbm4b:s6+s2] =	stream.linear.scatter [tilespmem:s10], [sflag:$0x5], $0x8000, $0x38;
	[tilespmem:$0x18000] =	vst v63  }
0x178: {  	_ = 	snop  }
0x179: {  	[hbm4b:s7+s2] =	stream.linear.scatter [tilespmem:s10], [sflag:$0x5], $0x8000, $0x38;
	[tilespmem:$0x18000] =	vst v63  }
0x17a: {  	_ = 	snop  }
0x17b: {  	[hbm4b:s8+s2] =	stream.linear.scatter [tilespmem:s10], [sflag:$0x5], $0x8000, $0x38;
	[tilespmem:$0x18000] =	vst v63  }
0x17c: {  	_ =	swait.ge [sflag:s9], $0x8000  }
0x17d: {  	[sflag:s9] =	ssyncset.done $0x0  }
0x17e: {  	[sflag:s9] =	ssyncadd.s32 $0xFFFF8000  }
0x17f: {  	_ =	swait.ge [sflag:s9], $0x8000  }
0x180: {  	[sflag:s9] =	ssyncset.done $0x0  }
0x181: {  	[sflag:s9] =	ssyncadd.s32 $0xFFFF8000  }
0x182: {  	_ =	swait.ge [sflag:s9], $0x8000  }
0x183: {  	[sflag:s9] =	ssyncset.done $0x0  }
0x184: {  	[sflag:s9] =	ssyncadd.s32 $0xFFFF8000  }
0x185: {  	_ =	swait.ge [sflag:s9], $0x8000  }
0x186: {  	[sflag:s9] =	ssyncset.done $0x0  }
0x187: {  	[sflag:s9] =	ssyncadd.s32 $0xFFFF8000  }
0x188: {  	_ =	swait.ge [sflag:s4], $0x8000  }
0x189: {  	[sflag:s4] =	ssyncset.done $0x0  }
0x18a: {  	[sflag:s4] =	ssyncadd.s32 $0xFFFF8000  }
0x18b: {  	_ =	swait.ge [sflag:s4], $0x8000  }
0x18c: {  	[sflag:s4] =	ssyncset.done $0x0  }
0x18d: {  	[sflag:s4] =	ssyncadd.s32 $0xFFFF8000  }
0x18e: {  	_ =	swait.ge [sflag:s4], $0x8000  }
0x18f: {  	[sflag:s4] =	ssyncset.done $0x0  }
0x190: {  	[sflag:s4] =	ssyncadd.s32 $0xFFFF8000  }
0x191: {  	_ =	swait.ge [sflag:s4], $0x8000  }
0x192: {  	[sflag:s4] =	ssyncset.done $0x0  }
0x193: {  	[sflag:s4] =	ssyncadd.s32 $0xFFFF8000  }
0x194: {  	_ =	swait.ge [sflag:s3], $0x8000  }
0x195: {  	[sflag:s3] =	ssyncset.done $0x0  }
0x196: {  	[sflag:s3] =	ssyncadd.s32 $0xFFFF8000  }
0x197: {  	_ =	swait.ge [sflag:s3], $0x8000  }
0x198: {  	[sflag:s3] =	ssyncset.done $0x0  }
0x199: {  	p1 =	sne.s32 s0, $0x1;
	[sflag:s3] =	ssyncadd.s32 $0xFFFF8000  }
.Ltmp2:
0x19a: {  	_ =	swait.ge [sflag:s3], $0x8000;
	(pc) =	sbr.rel @p1 .LBB2_3-.Ltmp2, $4  }
0x19b: {  	[sflag:s3] =	ssyncset.done $0x0  }
0x19c: {  	[sflag:s3] =	ssyncadd.s32 $0xFFFF8000  }
0x19d: {  	s0 =	sadd.s32 $0xFFFFFFFF, s0;
	_ =	swait.ge [sflag:s3], $0x8000  }
0x19e: {  	s30 =	smov.u32 s31;
	s1 =	rddreg [dreg:$0x3];
	[sflag:s3] =	ssyncset.done $0x0  }
0x19f: {  	s31 =	rddreg [dreg:$0x17]  }
.LBB2_5:
0x1a0: {  	[sflag:s3] =	ssyncadd.s32 @p0 $0xFFFF8000  }
0x1a1: {  	[tilespmem:s2], [sflag:$0x1] =	stream.linear.gather [hbm4b:s1+s2], $0x8000, $0x38;
	[tilespmem:$0x18000] =	vst v63  }
0x1a2: {  	s0 =	rddreg [dreg:$0x4]  }
0x1a3: {  	[tilespmem:s10], [sflag:$0x2] =	stream.linear.gather [hbm4b:s0+s2], $0x8000, $0x38;
	[tilespmem:$0x18000] =	vst v63  }
0x1a4: {  	s1 =	rddreg [dreg:$0x5]  }
0x1a5: {  	[tilespmem:s21], [sflag:$0x3] =	stream.linear.gather [hbm4b:s1+s2], $0x8000, $0x38;
	[tilespmem:$0x18000] =	vst v63  }
0x1a6: {  	_ =	swait.ge [sflag:s22], $0x8000  }
0x1a7: {  	[sflag:s22] =	ssyncset.done $0x0  }
0x1a8: {  	[sflag:s22] =	ssyncadd.s32 $0xFFFF8000  }
0x1a9: {  	[hbm4b:s31+s2] =	stream.linear.scatter [tilespmem:s2], [sflag:$0x4], $0x8000, $0x38;
	[tilespmem:$0x18000] =	vst v63  }
0x1aa: {  	s0 =	rddreg [dreg:$0x6]  }
0x1ab: {  	[hbm4b:s0+s2] =	stream.linear.scatter [tilespmem:s2], [sflag:$0x4], $0x8000, $0x38;
	[tilespmem:$0x18000] =	vst v63  }
0x1ac: {  	s1 =	rddreg [dreg:$0x7]  }
0x1ad: {  	[hbm4b:s1+s2] =	stream.linear.scatter [tilespmem:s2], [sflag:$0x4], $0x8000, $0x38;
	[tilespmem:$0x18000] =	vst v63  }
0x1ae: {  	s31 =	rddreg [dreg:$0x8]  }
0x1af: {  	[hbm4b:s31+s2] =	stream.linear.scatter [tilespmem:s2], [sflag:$0x4], $0x8000, $0x38;
	[tilespmem:$0x18000] =	vst v63  }
0x1b0: {  	_ =	swait.ge [sflag:s4], $0x8000  }
0x1b1: {  	[sflag:s4] =	ssyncset.done $0x0  }
0x1b2: {  	[sflag:s4] =	ssyncadd.s32 $0xFFFF8000  }
0x1b3: {  	_ =	swait.ge [sflag:s4], $0x8000  }
0x1b4: {  	[sflag:s4] =	ssyncset.done $0x0  }
0x1b5: {  	[sflag:s4] =	ssyncadd.s32 $0xFFFF8000  }
0x1b6: {  	_ =	swait.ge [sflag:s4], $0x8000  }
0x1b7: {  	[sflag:s4] =	ssyncset.done $0x0  }
0x1b8: {  	[sflag:s4] =	ssyncadd.s32 $0xFFFF8000  }
0x1b9: {  	_ =	swait.ge [sflag:s4], $0x8000  }
0x1ba: {  	[sflag:s4] =	ssyncset.done $0x0  }
0x1bb: {  	s31 =	rddreg [dreg:$0x9];
	[sflag:s4] =	ssyncadd.s32 $0xFFFF8000  }
0x1bc: {  	[tilespmem:s2], [sflag:$0x1] =	stream.linear.gather [hbm4b:s31+s2], $0x8000, $0x38;
	[tilespmem:$0x18000] =	vst v63  }
0x1bd: {  	_ =	swait.ge [sflag:s20], $0x8000  }
0x1be: {  	[sflag:s20] =	ssyncset.done $0x0  }
0x1bf: {  	s1 =	rddreg [dreg:$0xa];
	[sflag:s20] =	ssyncadd.s32 $0xFFFF8000  }
0x1c0: {  	[hbm4b:s1+s2] =	stream.linear.scatter [tilespmem:s10], [sflag:$0x5], $0x8000, $0x38;
	[tilespmem:$0x18000] =	vst v63  }
0x1c1: {  	s31 =	rddreg [dreg:$0xb]  }
0x1c2: {  	[hbm4b:s31+s2] =	stream.linear.scatter [tilespmem:s10], [sflag:$0x5], $0x8000, $0x38;
	[tilespmem:$0x18000] =	vst v63  }
0x1c3: {  	s0 =	rddreg [dreg:$0xc]  }
0x1c4: {  	[hbm4b:s0+s2] =	stream.linear.scatter [tilespmem:s10], [sflag:$0x5], $0x8000, $0x38;
	[tilespmem:$0x18000] =	vst v63  }
0x1c5: {  	s31 =	rddreg [dreg:$0xd]  }
0x1c6: {  	[hbm4b:s31+s2] =	stream.linear.scatter [tilespmem:s10], [sflag:$0x5], $0x8000, $0x38;
	[tilespmem:$0x18000] =	vst v63  }
0x1c7: {  	_ =	swait.ge [sflag:s3], $0x8000  }
0x1c8: {  	[sflag:s3] =	ssyncset.done $0x0  }
0x1c9: {  	[sflag:s3] =	ssyncadd.s32 $0xFFFF8000  }
0x1ca: {  	_ =	swait.ge [sflag:s3], $0x8000  }
0x1cb: {  	[sflag:s3] =	ssyncset.done $0x0  }
0x1cc: {  	[sflag:s3] =	ssyncadd.s32 $0xFFFF8000  }
0x1cd: {  	_ =	swait.ge [sflag:s3], $0x8000  }
0x1ce: {  	[sflag:s3] =	ssyncset.done $0x0  }
0x1cf: {  	[sflag:s3] =	ssyncadd.s32 $0xFFFF8000  }
0x1d0: {  	_ =	swait.ge [sflag:s3], $0x8000  }
0x1d1: {  	[sflag:s3] =	ssyncset.done $0x0  }
0x1d2: {  	s31 =	rddreg [dreg:$0xe];
	[sflag:s3] =	ssyncadd.s32 $0xFFFF8000  }
0x1d3: {  	[tilespmem:s10], [sflag:$0x2] =	stream.linear.gather [hbm4b:s31+s2], $0x8000, $0x38;
	[tilespmem:$0x18000] =	vst v63  }
0x1d4: {  	_ =	swait.ge [sflag:s29], $0x8000  }
0x1d5: {  	[sflag:s29] =	ssyncset.done $0x0  }
0x1d6: {  	s1 =	rddreg [dreg:$0xf];
	[sflag:s29] =	ssyncadd.s32 $0xFFFF8000  }
0x1d7: {  	[hbm4b:s1+s2] =	stream.linear.scatter [tilespmem:s21], [sflag:$0x6], $0x8000, $0x38;
	[tilespmem:$0x18000] =	vst v63  }
0x1d8: {  	s31 =	rddreg [dreg:$0x10]  }
0x1d9: {  	[hbm4b:s31+s2] =	stream.linear.scatter [tilespmem:s21], [sflag:$0x6], $0x8000, $0x38;
	[tilespmem:$0x18000] =	vst v63  }
0x1da: {  	s0 =	rddreg [dreg:$0x11]  }
0x1db: {  	[hbm4b:s0+s2] =	stream.linear.scatter [tilespmem:s21], [sflag:$0x6], $0x8000, $0x38;
	[tilespmem:$0x18000] =	vst v63  }
0x1dc: {  	s31 =	rddreg [dreg:$0x12]  }
0x1dd: {  	[hbm4b:s31+s2] =	stream.linear.scatter [tilespmem:s21], [sflag:$0x6], $0x8000, $0x38;
	[tilespmem:$0x18000] =	vst v63  }
0x1de: {  	_ =	swait.ge [sflag:s9], $0x8000  }
0x1df: {  	[sflag:s9] =	ssyncset.done $0x0  }
0x1e0: {  	[sflag:s9] =	ssyncadd.s32 $0xFFFF8000  }
0x1e1: {  	_ =	swait.ge [sflag:s9], $0x8000  }
0x1e2: {  	[sflag:s9] =	ssyncset.done $0x0  }
0x1e3: {  	[sflag:s9] =	ssyncadd.s32 $0xFFFF8000  }
0x1e4: {  	_ =	swait.ge [sflag:s9], $0x8000  }
0x1e5: {  	[sflag:s9] =	ssyncset.done $0x0  }
0x1e6: {  	[sflag:s9] =	ssyncadd.s32 $0xFFFF8000  }
0x1e7: {  	_ =	swait.ge [sflag:s9], $0x8000  }
0x1e8: {  	[sflag:s9] =	ssyncset.done $0x0  }
0x1e9: {  	s1 =	rddreg [dreg:$0x13];
	[sflag:s9] =	ssyncadd.s32 $0xFFFF8000  }
0x1ea: {  	[tilespmem:s21], [sflag:$0x3] =	stream.linear.gather [hbm4b:s1+s2], $0x8000, $0x38;
	[tilespmem:$0x18000] =	vst v63  }
0x1eb: {  	_ =	swait.ge [sflag:s22], $0x8000  }
0x1ec: {  	[sflag:s22] =	ssyncset.done $0x0  }
0x1ed: {  	s31 =	rddreg [dreg:$0x14];
	[sflag:s22] =	ssyncadd.s32 $0xFFFF8000  }
0x1ee: {  	[hbm4b:s31+s2] =	stream.linear.scatter [tilespmem:s2], [sflag:$0x4], $0x8000, $0x38;
	[tilespmem:$0x18000] =	vst v63  }
0x1ef: {  	s1 =	rddreg [dreg:$0x15]  }
0x1f0: {  	[hbm4b:s1+s2] =	stream.linear.scatter [tilespmem:s2], [sflag:$0x4], $0x8000, $0x38;
	[tilespmem:$0x18000] =	vst v63  }
0x1f1: {  	s31 =	rddreg [dreg:$0x16]  }
0x1f2: {  	[hbm4b:s31+s2] =	stream.linear.scatter [tilespmem:s2], [sflag:$0x4], $0x8000, $0x38;
	[tilespmem:$0x18000] =	vst v63  }
0x1f3: {  	_ = 	snop  }
0x1f4: {  	[hbm4b:s30+s2] =	stream.linear.scatter [tilespmem:s2], [sflag:$0x4], $0x8000, $0x38;
	[tilespmem:$0x18000] =	vst v63  }
0x1f5: {  	_ =	swait.ge [sflag:s4], $0x8000  }
0x1f6: {  	[sflag:s4] =	ssyncset.done $0x0  }
0x1f7: {  	[sflag:s4] =	ssyncadd.s32 $0xFFFF8000  }
0x1f8: {  	_ =	swait.ge [sflag:s4], $0x8000  }
0x1f9: {  	[sflag:s4] =	ssyncset.done $0x0  }
0x1fa: {  	[sflag:s4] =	ssyncadd.s32 $0xFFFF8000  }
0x1fb: {  	_ =	swait.ge [sflag:s4], $0x8000  }
0x1fc: {  	[sflag:s4] =	ssyncset.done $0x0  }
0x1fd: {  	[sflag:s4] =	ssyncadd.s32 $0xFFFF8000  }
0x1fe: {  	_ =	swait.ge [sflag:s4], $0x8000  }
0x1ff: {  	[sflag:s4] =	ssyncset.done $0x0  }
0x200: {  	[sflag:s4] =	ssyncadd.s32 $0xFFFF8000  }
0x201: {  	[tilespmem:s2], [sflag:$0x1] =	stream.linear.gather [hbm4b:s28+s2], $0x8000, $0x38;
	[tilespmem:$0x18000] =	vst v63  }
0x202: {  	_ =	swait.ge [sflag:s20], $0x8000  }
0x203: {  	[sflag:s20] =	ssyncset.done $0x0  }
0x204: {  	[sflag:s20] =	ssyncadd.s32 $0xFFFF8000  }
0x205: {  	[hbm4b:s23+s2] =	stream.linear.scatter [tilespmem:s10], [sflag:$0x5], $0x8000, $0x38;
	[tilespmem:$0x18000] =	vst v63  }
0x206: {  	_ = 	snop  }
0x207: {  	[hbm4b:s24+s2] =	stream.linear.scatter [tilespmem:s10], [sflag:$0x5], $0x8000, $0x38;
	[tilespmem:$0x18000] =	vst v63  }
0x208: {  	_ = 	snop  }
0x209: {  	[hbm4b:s25+s2] =	stream.linear.scatter [tilespmem:s10], [sflag:$0x5], $0x8000, $0x38;
	[tilespmem:$0x18000] =	vst v63  }
0x20a: {  	_ = 	snop  }
0x20b: {  	[hbm4b:s26+s2] =	stream.linear.scatter [tilespmem:s10], [sflag:$0x5], $0x8000, $0x38;
	[tilespmem:$0x18000] =	vst v63  }
0x20c: {  	_ =	swait.ge [sflag:s3], $0x8000  }
0x20d: {  	[sflag:s3] =	ssyncset.done $0x0  }
0x20e: {  	[sflag:s3] =	ssyncadd.s32 $0xFFFF8000  }
0x20f: {  	_ =	swait.ge [sflag:s3], $0x8000  }
0x210: {  	[sflag:s3] =	ssyncset.done $0x0  }
0x211: {  	[sflag:s3] =	ssyncadd.s32 $0xFFFF8000  }
0x212: {  	_ =	swait.ge [sflag:s3], $0x8000  }
0x213: {  	[sflag:s3] =	ssyncset.done $0x0  }
0x214: {  	[sflag:s3] =	ssyncadd.s32 $0xFFFF8000  }
0x215: {  	_ =	swait.ge [sflag:s3], $0x8000  }
0x216: {  	[sflag:s3] =	ssyncset.done $0x0  }
0x217: {  	[sflag:s3] =	ssyncadd.s32 $0xFFFF8000  }
0x218: {  	[tilespmem:s10], [sflag:$0x2] =	stream.linear.gather [hbm4b:s19+s2], $0x8000, $0x38;
	[tilespmem:$0x18000] =	vst v63  }
0x219: {  	_ =	swait.ge [sflag:s29], $0x8000  }
0x21a: {  	[sflag:s29] =	ssyncset.done $0x0  }
0x21b: {  	[sflag:s29] =	ssyncadd.s32 $0xFFFF8000  }
0x21c: {  	[hbm4b:s15+s2] =	stream.linear.scatter [tilespmem:s21], [sflag:$0x6], $0x8000, $0x38;
	[tilespmem:$0x18000] =	vst v63  }
0x21d: {  	_ = 	snop  }
0x21e: {  	[hbm4b:s16+s2] =	stream.linear.scatter [tilespmem:s21], [sflag:$0x6], $0x8000, $0x38;
	[tilespmem:$0x18000] =	vst v63  }
0x21f: {  	_ = 	snop  }
0x220: {  	[hbm4b:s17+s2] =	stream.linear.scatter [tilespmem:s21], [sflag:$0x6], $0x8000, $0x38;
	[tilespmem:$0x18000] =	vst v63  }
0x221: {  	_ = 	snop  }
0x222: {  	[hbm4b:s18+s2] =	stream.linear.scatter [tilespmem:s21], [sflag:$0x6], $0x8000, $0x38;
	[tilespmem:$0x18000] =	vst v63  }
0x223: {  	_ =	swait.ge [sflag:s22], $0x8000  }
0x224: {  	[sflag:s22] =	ssyncset.done $0x0  }
0x225: {  	[sflag:s22] =	ssyncadd.s32 $0xFFFF8000  }
0x226: {  	[hbm4b:s11+s2] =	stream.linear.scatter [tilespmem:s2], [sflag:$0x4], $0x8000, $0x38;
	[tilespmem:$0x18000] =	vst v63  }
0x227: {  	_ = 	snop  }
0x228: {  	[hbm4b:s12+s2] =	stream.linear.scatter [tilespmem:s2], [sflag:$0x4], $0x8000, $0x38;
	[tilespmem:$0x18000] =	vst v63  }
0x229: {  	_ = 	snop  }
0x22a: {  	[hbm4b:s13+s2] =	stream.linear.scatter [tilespmem:s2], [sflag:$0x4], $0x8000, $0x38;
	[tilespmem:$0x18000] =	vst v63  }
0x22b: {  	_ = 	snop  }
0x22c: {  	[hbm4b:s14+s2] =	stream.linear.scatter [tilespmem:s2], [sflag:$0x4], $0x8000, $0x38;
	[tilespmem:$0x18000] =	vst v63  }
0x22d: {  	_ =	swait.ge [sflag:s20], $0x8000  }
0x22e: {  	[sflag:s20] =	ssyncset.done $0x0  }
0x22f: {  	[sflag:s20] =	ssyncadd.s32 $0xFFFF8000  }
0x230: {  	[hbm4b:s5+s2] =	stream.linear.scatter [tilespmem:s10], [sflag:$0x5], $0x8000, $0x38;
	[tilespmem:$0x18000] =	vst v63  }
0x231: {  	_ = 	snop  }
0x232: {  	[hbm4b:s6+s2] =	stream.linear.scatter [tilespmem:s10], [sflag:$0x5], $0x8000, $0x38;
	[tilespmem:$0x18000] =	vst v63  }
0x233: {  	_ = 	snop  }
0x234: {  	[hbm4b:s7+s2] =	stream.linear.scatter [tilespmem:s10], [sflag:$0x5], $0x8000, $0x38;
	[tilespmem:$0x18000] =	vst v63  }
0x235: {  	_ = 	snop  }
0x236: {  	[hbm4b:s8+s2] =	stream.linear.scatter [tilespmem:s10], [sflag:$0x5], $0x8000, $0x38;
	[tilespmem:$0x18000] =	vst v63  }
0x237: {  	_ =	swait.ge [sflag:s9], $0x8000  }
0x238: {  	[sflag:s9] =	ssyncset.done $0x0  }
0x239: {  	[sflag:s9] =	ssyncadd.s32 $0xFFFF8000  }
0x23a: {  	_ =	swait.ge [sflag:s9], $0x8000  }
0x23b: {  	[sflag:s9] =	ssyncset.done $0x0  }
0x23c: {  	[sflag:s9] =	ssyncadd.s32 $0xFFFF8000  }
0x23d: {  	_ =	swait.ge [sflag:s9], $0x8000  }
0x23e: {  	[sflag:s9] =	ssyncset.done $0x0  }
0x23f: {  	[sflag:s9] =	ssyncadd.s32 $0xFFFF8000  }
0x240: {  	_ =	swait.ge [sflag:s9], $0x8000  }
0x241: {  	[sflag:s9] =	ssyncset.done $0x0  }
0x242: {  	[sflag:s9] =	ssyncadd.s32 $0xFFFF8000  }
0x243: {  	_ =	swait.ge [sflag:s4], $0x8000  }
0x244: {  	[sflag:s4] =	ssyncset.done $0x0  }
0x245: {  	[sflag:s4] =	ssyncadd.s32 $0xFFFF8000  }
0x246: {  	_ =	swait.ge [sflag:s4], $0x8000  }
0x247: {  	[sflag:s4] =	ssyncset.done $0x0  }
0x248: {  	[sflag:s4] =	ssyncadd.s32 $0xFFFF8000  }
0x249: {  	_ =	swait.ge [sflag:s4], $0x8000  }
0x24a: {  	[sflag:s4] =	ssyncset.done $0x0  }
0x24b: {  	[sflag:s4] =	ssyncadd.s32 $0xFFFF8000  }
0x24c: {  	_ =	swait.ge [sflag:s4], $0x8000  }
0x24d: {  	[sflag:s4] =	ssyncset.done $0x0  }
0x24e: {  	[sflag:s4] =	ssyncadd.s32 $0xFFFF8000  }
0x24f: {  	_ =	swait.ge [sflag:s3], $0x8000  }
0x250: {  	[sflag:s3] =	ssyncset.done $0x0  }
0x251: {  	[sflag:s3] =	ssyncadd.s32 $0xFFFF8000  }
0x252: {  	_ =	swait.ge [sflag:s3], $0x8000  }
0x253: {  	[sflag:s3] =	ssyncset.done $0x0  }
0x254: {  	[sflag:s3] =	ssyncadd.s32 $0xFFFF8000  }
0x255: {  	_ =	swait.ge [sflag:s3], $0x8000  }
0x256: {  	[sflag:s3] =	ssyncset.done $0x0  }
0x257: {  	[sflag:s3] =	ssyncadd.s32 $0xFFFF8000  }
0x258: {  	_ =	swait.ge [sflag:s3], $0x8000  }
0x259: {  	[sflag:s3] =	ssyncset.done $0x0  }
0x25a: {  	[sflag:s3] =	ssyncadd.s32 $0xFFFF8000  }
0x25b: {  	_ =	sfence.sel $0x180000  }
0x25c: {  	[bflag:$0x0] =	sbarrier.arrive $0xFFFF  }
0x25d: {  	_ =	strace $0x90000047  }
0x25e: {  	s31 =	stileid.u32;
	[bflag:$0x2] =	sbarrier.arrive $0xFFFF  }
0x25f: {  	p0 =	sne.s32 s31, $0x0;
	s0 =	rddreg [dreg:$0x2]  }
0x260: {  	s0 =	sadd.s32 @!p0 $0x100000, s0  }
0x261: {  	[sflag:s0] =	ssyncadd.tile.s32 @!p0 $0x1;
	_ =	shalt  }
.LBB2_2:
.Ltmp3:
0x262: {  	(pc) =	sbr.rel .LBB2_5-.Ltmp3, $2  }
0x263: {  	_ =	sdelay $0x2  }
0x264: {  	s31 =	rddreg [dreg:$0x17]  }
.Lfunc_end2:
_tile_overlayer_lowered:
.L_overlay_start_2:
0x265: {  	(tag) =	ssettag $0x2  }
0x266: {  	s0 =	rddreg [dreg:$0x0];
	s2 =	stileid.u32  }
0x267: {  	s1 =	rddreg [dreg:$0x1];
	p0 =	sne.s32 s2, $0x0  }
0x268: {  	s3 =	rddreg [dreg:$0x2];
	[bflag:$0x3] =	sbarrier.arrive $0xFFFF;
	s2 =	simm.s32 @!p0 $0x1C07  }
0x269: {  	[timem:s3], [sflag:s2] =	dma.local @!p0 [hbm:s0], s1  }
0x26a: {  	s0 =	simm.s32 @!p0 $0x7  }
0x26b: {  	_ =	swait.ge @!p0 [sflag:s0], s1  }
0x26c: {  	s1 =	ssub.s32 @!p0 $0x0, s1;
	[sflag:s0] =	ssyncset.done @!p0 $0x0  }
0x26d: {  	[sflag:s0] =	ssyncadd.s32 @!p0 s1  }
0x26e: {  	[bflag:$0x3] =	sbarrier.arrive $0xFFFF  }
0x26f: {  	_ =	shalt  }

</sc_bundles>
